<compile_context>
chip_gen: v7x
topology: tpu7x:2x2x1
jax: 0.10.2.dev20260603
libtpu: 0.0.44.dev20260713+nightly
codegen_flags: <defaults>
</compile_context>

<pallas_src>
import functools

import jax
import jax.numpy as jnp
from jax import lax
from jax.experimental import pallas as pl
from jax.experimental.pallas import tpu as pltpu
from jax.experimental.pallas import tpu_sc as plsc

_V = 100000
_D = 512
_N = 64
_CTX = 2
_G = _D // 4
_BEAM = 8
_BV = 4992
_NB = -(-_V // _BV)
_CH = _BV // 128
_NEG = -1e30
_IBIG = 2 ** 30


def _sc_gather(emb, ids):
    mesh = plsc.VectorSubcoreMesh(core_axis_name="c", subcore_axis_name="s")

    @functools.partial(
        pl.kernel, mesh=mesh,
        out_type=jax.ShapeDtypeStruct((2 * _N, _D), jnp.float32),
        scratch_types=[
            pltpu.VMEM((8,), jnp.int32),
            pltpu.VMEM((8, _D), jnp.float32),
            pltpu.SemaphoreType.DMA,
        ],
    )
    def k(emb_hbm, idx_hbm, out_hbm, idx_v, rows_v, sem):
        wid = lax.axis_index("s") * 2 + lax.axis_index("c")

        @pl.when(wid < 16)
        def _():
            base = wid * 8
            pltpu.sync_copy(idx_hbm.at[pl.ds(base, 8)], idx_v)
            pltpu.async_copy(emb_hbm.at[idx_v], rows_v, sem).wait()
            pltpu.sync_copy(rows_v, out_hbm.at[pl.ds(base, 8)])

    return k(emb, ids)


def _body(e01_ref, enc_ref, hlp_ref, m0_ref, m1_ref, wp_ref, bp_ref,
          wj_ref, bj_ref,
          outv_ref, outp_ref, outh_ref, outt_ref,
          joint_s, m_s, s_s, mv_s, mi_s, logits_s):
    i = pl.program_id(0)
    nt = (((1,), (1,)), ((), ()))

    @pl.when(i == 0)
    def _init():
        e0 = e01_ref[0:_N, :]
        e1 = e01_ref[_N:2 * _N, :]
        nn = (((1,), (0,)), ((), ()))
        d = lax.dot_general(e0, m0_ref[...], nn,
                            preferred_element_type=jnp.float32)
        d += lax.dot_general(e1, m1_ref[...], nn,
                             preferred_element_type=jnp.float32)
        d = jnp.maximum(d, 0.0)
        p = lax.dot_general(d, wp_ref[...], nt,
                            preferred_element_type=jnp.float32)
        joint_s[...] = jnp.tanh(enc_ref[...] + p + bp_ref[...])
        m_s[...] = jnp.full((_N, 128), _NEG, jnp.float32)
        s_s[...] = jnp.zeros((_N, 128), jnp.float32)
        mv_s[...] = jnp.full((_BEAM, _N, 128), _NEG, jnp.float32)
        mi_s[...] = jnp.zeros((_BEAM, _N, 128), jnp.int32)

    slot = lax.rem(i, 2)

    @pl.when(i < _NB)
    def _compute():
        lg = lax.dot_general(joint_s[...], wj_ref[...], nt,
                             preferred_element_type=jnp.float32)
        lg += lax.dot_general(jnp.ones((_N, 1), jnp.float32), bj_ref[0], nt,
                              preferred_element_type=jnp.float32)
        colid = lax.broadcasted_iota(jnp.int32, (_N, _BV), 1)
        lim = jnp.where(i == _NB - 1, _V - (_NB - 1) * _BV, _BV)
        logits_s[slot] = jnp.where(colid < lim, lg, _NEG)

    @pl.when(i > 0)
    def _consume():
        b = i - 1

        ms = [mv_s[j] for j in range(_BEAM)]
        js = [mi_s[j] for j in range(_BEAM)]
        macc = jnp.full((_N, 128), _NEG, jnp.float32)
        for t in range(_CH):
            tv = logits_s[1 - slot, :, 128 * t:128 * (t + 1)]
            ti = jnp.full((_N, 128), b * _BV + 128 * t, jnp.int32)
            macc = jnp.maximum(macc, tv)
            for j in range(_BEAM):
                hi = jnp.maximum(tv, ms[j])
                lo = jnp.minimum(tv, ms[j])
                cmp = tv > ms[j]
                hi_i = jnp.where(cmp, ti, js[j])
                lo_i = jnp.where(cmp, js[j], ti)
                ms[j], tv, js[j], ti = hi, lo, hi_i, lo_i
        for j in range(_BEAM):
            mv_s[j] = ms[j]
            mi_s[j] = js[j]

        bm = jnp.max(macc, axis=1, keepdims=True)
        m_old = m_s[...][:, 0:1]
        m_new = jnp.maximum(m_old, bm)
        seacc = jnp.zeros((_N, 128), jnp.float32)
        for t in range(_CH):
            seacc += jnp.exp(logits_s[1 - slot, :, 128 * t:128 * (t + 1)]
                             - m_new)
        sumexp = jnp.sum(seacc, axis=1, keepdims=True)
        s_new = s_s[...][:, 0:1] * jnp.exp(m_old - m_new) + sumexp
        m_s[...] = jnp.broadcast_to(m_new, (_N, 128))
        s_s[...] = jnp.broadcast_to(s_new, (_N, 128))

    @pl.when(i == _NB)
    def _final():
        lane3 = lax.broadcasted_iota(jnp.int32, (_BEAM, _N, 128), 2)
        rowi = lax.broadcasted_iota(jnp.int32, (_BEAM, _N, 128), 1)
        m = m_s[...][:, 0:1]
        s = s_s[...][:, 0:1]
        lse = m + jnp.log(s)
        hlp_b = hlp_ref[...]
        adj = mv_s[...] + (hlp_b - lse)[None]
        hlp3 = jnp.broadcast_to(hlp_b[None], (_BEAM, _N, 128))
        ci = mi_s[...] + lane3
        flat = rowi * _V + ci
        laneo = lax.broadcasted_iota(jnp.int32, (1, 128), 1)
        ov = jnp.full((1, 128), 0.0, jnp.float32)
        op = jnp.full((1, 128), 0.0, jnp.float32)
        oh = jnp.zeros((1, 128), jnp.int32)
        ot = jnp.zeros((1, 128), jnp.int32)
        for k in range(_BEAM):
            g = jnp.max(adj)
            hit = adj == g
            f = jnp.min(jnp.where(hit, flat, _IBIG))
            sel = hit & (flat == f)
            hlp_at = jnp.min(jnp.where(sel, hlp3, jnp.float32(_IBIG)))
            tok = jnp.min(jnp.where(sel, ci, _IBIG))
            hyp = jnp.min(jnp.where(sel, rowi, _IBIG))
            ov = jnp.where(laneo == k, g, ov)
            op = jnp.where(laneo == k, jnp.exp(g - hlp_at), op)
            oh = jnp.where(laneo == k, hyp, oh)
            ot = jnp.where(laneo == k, tok, ot)
            adj = jnp.where(sel, _NEG, adj)
        outv_ref[...] = ov
        outp_ref[...] = op
        outh_ref[...] = oh
        outt_ref[...] = ot


def kernel(decoder_input, encoder_out, hyps_log_prob, emb, conv_w, Wp, bp,
           Wj, bj):
    f32 = jnp.float32
    cw = conv_w.reshape(_G, 4, 4, _CTX)
    eye = jnp.eye(_G, dtype=f32)
    m0 = jnp.einsum('goi,gh->giho', cw[..., 0], eye).reshape(_D, _D)
    m1 = jnp.einsum('goi,gh->giho', cw[..., 1], eye).reshape(_D, _D)

    ids = decoder_input.T.reshape(-1)
    e01 = _sc_gather(emb, ids)

    hlp_b = jnp.broadcast_to(hyps_log_prob, (_N, 128))
    bp2 = bp.reshape(1, _D)
    bj2 = jnp.pad(bj, (0, _NB * _BV - _V)).reshape(_NB, _BV, 1)

    last = _NB - 1
    outs = pl.pallas_call(
        _body,
        grid=(_NB + 1,),
        in_specs=[
            pl.BlockSpec((2 * _N, _D), lambda i: (0, 0)),
            pl.BlockSpec((_N, _D), lambda i: (0, 0)),
            pl.BlockSpec((_N, 128), lambda i: (0, 0)),
            pl.BlockSpec((_D, _D), lambda i: (0, 0)),
            pl.BlockSpec((_D, _D), lambda i: (0, 0)),
            pl.BlockSpec((_D, _D), lambda i: (0, 0)),
            pl.BlockSpec((1, _D), lambda i: (0, 0)),
            pl.BlockSpec((_BV, _D), lambda i: (jnp.minimum(i, last), 0)),
            pl.BlockSpec((1, _BV, 1), lambda i: (jnp.minimum(i, last), 0, 0)),
        ],
        out_specs=[pl.BlockSpec((1, 128), lambda i: (0, 0))] * 4,
        out_shape=[
            jax.ShapeDtypeStruct((1, 128), f32),
            jax.ShapeDtypeStruct((1, 128), f32),
            jax.ShapeDtypeStruct((1, 128), jnp.int32),
            jax.ShapeDtypeStruct((1, 128), jnp.int32),
        ],
        scratch_shapes=[
            pltpu.VMEM((_N, _D), f32),
            pltpu.VMEM((_N, 128), f32),
            pltpu.VMEM((_N, 128), f32),
            pltpu.VMEM((_BEAM, _N, 128), f32),
            pltpu.VMEM((_BEAM, _N, 128), jnp.int32),
            pltpu.VMEM((2, _N, _BV), f32),
        ],
    )(e01, encoder_out, hlp_b, m0, m1, Wp, bp2, Wj, bj2)

    ov, op, oh, ot = outs
    return (ov[0, :_BEAM], op[0, :_BEAM], oh[0, :_BEAM], ot[0, :_BEAM])

# --- scband reference (transcript-rebuilt; emitter-appended) ---
"""Pipeline reference for scband-decoder-module-43722767073775 (READ-ONLY COPY).

The authoritative reference and input builder live on the scoring server;
editing this copy changes nothing except your own understanding.
"""

import jax, jax.numpy as jnp
import numpy as np

VOCAB = 100000
DEC_DIM = 512
JOINER_DIM = 512
CTX = 2
BEAM = 8
NUM_HYPS = 64
GROUPS = DEC_DIM // 4


def setup_inputs(seed: int = 0) -> dict:
    key = jax.random.key(seed)
    ks = [jax.random.fold_in(key, i) for i in range(10)]
    decoder_input = jax.random.randint(ks[0], (NUM_HYPS, CTX), 0, VOCAB, dtype=jnp.int32)
    encoder_out = jax.random.normal(ks[1], (NUM_HYPS, JOINER_DIM), dtype=jnp.float32)
    hyps_log_prob = jax.random.normal(ks[2], (NUM_HYPS, 1), dtype=jnp.float32)
    emb = jax.random.normal(ks[3], (VOCAB, DEC_DIM), dtype=jnp.float32) * 0.05
    # torch grouped Conv1d weight: (out_channels, in_channels/groups, kernel) = (DEC_DIM, 4, CTX)
    conv_w = jax.random.normal(ks[4], (DEC_DIM, 4, CTX), dtype=jnp.float32) * 0.1
    Wp = jax.random.normal(ks[5], (JOINER_DIM, DEC_DIM), dtype=jnp.float32) * 0.02
    bp = jnp.zeros((JOINER_DIM,), dtype=jnp.float32)
    Wj = jax.random.normal(ks[6], (VOCAB, JOINER_DIM), dtype=jnp.float32) * 0.02
    bj = jnp.zeros((VOCAB,), dtype=jnp.float32)
    return {"decoder_input": decoder_input, "encoder_out": encoder_out,
            "hyps_log_prob": hyps_log_prob, "emb": emb, "conv_w": conv_w,
            "Wp": Wp, "bp": bp, "Wj": Wj, "bj": bj}


def _decoder(y, emb, conv_w):
    # embedding with clamp + mask for negative (blank-padded) ids
    e = jnp.take(emb, jnp.clip(y, 0), axis=0)  # (N, CTX, D)
    e = e * (y >= 0)[:, :, None].astype(e.dtype)
    # context_size > 1: grouped Conv1d with kernel == CTX -> output length 1
    x = jnp.transpose(e, (0, 2, 1))  # (N, D, CTX)
    xg = x.reshape(NUM_HYPS, GROUPS, 4, CTX)
    wg = conv_w.reshape(GROUPS, 4, 4, CTX)  # (groups, out_in_group, in_in_group, k)
    out = jnp.einsum('ngik,goik->ngo', xg, wg).reshape(NUM_HYPS, DEC_DIM, 1)
    out = jnp.transpose(out, (0, 2, 1))  # (N, 1, D)
    return jax.nn.relu(out)


def reference(decoder_input, encoder_out, hyps_log_prob, emb, conv_w, Wp, bp, Wj, bj):
    decoder_out = _decoder(decoder_input, emb, conv_w)          # (N, 1, D)
    decoder_out = decoder_out @ Wp.T + bp                        # (N, 1, J)
    # Joiner: output_linear(tanh(encoder_out + decoder_out))
    joint = jnp.tanh(encoder_out + decoder_out[:, 0, :])         # (N, J)
    logits = joint @ Wj.T + bj                                   # (N, V)
    tokens_log_prob = jax.nn.log_softmax(logits, axis=1)
    log_probs = (tokens_log_prob + hyps_log_prob).reshape(-1)
    hyps_topk_log_prob, topk_indexes = jax.lax.top_k(log_probs, BEAM)
    topk_hyp_indexes = (topk_indexes // VOCAB).astype(jnp.int32)
    topk_token_indexes = (topk_indexes % VOCAB).astype(jnp.int32)
    tokens_topk_prob = jnp.exp(tokens_log_prob.reshape(-1)[topk_indexes])
    return (hyps_topk_log_prob, tokens_topk_prob, topk_hyp_indexes, topk_token_indexes)

if __name__ == "__main__":
    import jax
    _d = setup_inputs()
    print(jax.jit(kernel)(*tuple(_d.values())))

</pallas_src>

<mosaic_0001>
#map = affine_map<(d0, d1) -> (0, 0)>
#map1 = affine_map<(d0, d1) -> (0)>
module attributes {stable_mosaic.version = 14 : i64} {
  func.func @k(%arg0: i32, %arg1: i32, %arg2: memref<100000x512xf32, #tpu.memory_space<hbm>>, %arg3: memref<128xi32, #tpu.memory_space<hbm>>, %arg4: memref<128x512xf32, #tpu.memory_space<hbm>>, %arg5: memref<8xi32, #tpu.memory_space<vmem>>, %arg6: memref<8x512xf32, #tpu.memory_space<vmem>>, %arg7: memref<!tpu.dma_semaphore, #tpu.memory_space<semaphore_mem>>) attributes {dimension_semantics = [#tpu.dimension_semantics<core_parallel>, #tpu.dimension_semantics<subcore_parallel>], iteration_bounds = array<i64: 2, 16>, scalar_prefetch = 0 : i64, scratch_operands = 3 : i64, tpu.core_type = #tpu.core_type<sc_vector_subcore>, window_params = [{transform_indices = #map}, {transform_indices = #map1}, {transform_indices = #map}]} {
    %mul3A = arith.constant 2 : i32
    %mul3A_0 = arith.muli %arg1, %mul3A : i32
    %add3A = arith.addi %mul3A_0, %arg0 : i32
    %lt3A = arith.constant 16 : i32
    %lt3A_1 = arith.cmpi slt, %add3A, %lt3A : i32
    %convert_element_type3A = arith.extui %lt3A_1 : i1 to i32
    %cond3A = arith.constant 0 : i32
    %cond3A_2 = arith.cmpi ne, %convert_element_type3A, %cond3A : i32
    scf.if %cond3A_2 {
      %mul3A_3 = arith.constant 8 : i32
      %mul3A_4 = arith.muli %add3A, %mul3A_3 : i32
      "tpu.region"() ({
        %run_scoped3A = tpu.sem_alloc : memref<!tpu.dma_semaphore, #tpu.memory_space<semaphore_mem>>
        %dma_start3A_9 = tpu.memref_slice %arg3[%mul3A_4] : memref<128xi32, #tpu.memory_space<hbm>> -> memref<8xi32, #tpu.memory_space<hbm>>
        %dma_start3A_10 = tpu.memref_slice %arg3[%mul3A_4] : memref<128xi32, #tpu.memory_space<hbm>> -> memref<8xi32, #tpu.memory_space<hbm>>
        tpu.enqueue_dma source(%dma_start3A_10 : memref<8xi32, #tpu.memory_space<hbm>>) target(%arg5 : memref<8xi32, #tpu.memory_space<vmem>>) target_semaphore(%run_scoped3A : memref<!tpu.dma_semaphore, #tpu.memory_space<semaphore_mem>>)
        %dma_wait3A_11 = tpu.memref_slice %arg3[%mul3A_4] : memref<128xi32, #tpu.memory_space<hbm>> -> memref<8xi32, #tpu.memory_space<hbm>>
        %dma_wait3A_12 = tpu.memref_slice %arg3[%mul3A_4] : memref<128xi32, #tpu.memory_space<hbm>> -> memref<8xi32, #tpu.memory_space<hbm>>
        tpu.wait_dma2 semaphore(%run_scoped3A : memref<!tpu.dma_semaphore, #tpu.memory_space<semaphore_mem>>) src(%dma_wait3A_12 : memref<8xi32, #tpu.memory_space<hbm>>) dst(%arg5 : memref<8xi32, #tpu.memory_space<vmem>>)
        tpu.yield
      }) : () -> ()
      %dma_start3A = arith.constant 0 : i32
      %dma_start3A_5 = arith.constant 0 : i32
      %dma_start3A_6 = tpu.memref_slice %arg2[%dma_start3A, %dma_start3A_5] : memref<100000x512xf32, #tpu.memory_space<hbm>> -> memref<100000x512xf32, #tpu.memory_space<hbm>>
      tpu.enqueue_indirect_dma source(%dma_start3A_6 : memref<100000x512xf32, #tpu.memory_space<hbm>>) target(%arg6 : memref<8x512xf32, #tpu.memory_space<vmem>>) offsets(%arg5 : memref<8xi32, #tpu.memory_space<vmem>>) semaphore(%arg7 : memref<!tpu.dma_semaphore, #tpu.memory_space<semaphore_mem>>)
      %dma_wait3A = arith.constant 0 : i32
      %dma_wait3A_7 = arith.constant 0 : i32
      %dma_wait3A_8 = tpu.memref_slice %arg2[%dma_wait3A, %dma_wait3A_7] : memref<100000x512xf32, #tpu.memory_space<hbm>> -> memref<100000x512xf32, #tpu.memory_space<hbm>>
      tpu.wait_indirect_dma semaphore(%arg7 : memref<!tpu.dma_semaphore, #tpu.memory_space<semaphore_mem>>) src(%dma_wait3A_8 : memref<100000x512xf32, #tpu.memory_space<hbm>>) dst(%arg6 : memref<8x512xf32, #tpu.memory_space<vmem>>)
      "tpu.region"() ({
        %run_scoped3A = tpu.sem_alloc : memref<!tpu.dma_semaphore, #tpu.memory_space<semaphore_mem>>
        %dma_start3A_9 = arith.constant 0 : i32
        %dma_start3A_10 = tpu.memref_slice %arg4[%mul3A_4, %dma_start3A_9] : memref<128x512xf32, #tpu.memory_space<hbm>> -> memref<8x512xf32, #tpu.memory_space<hbm>>
        %dma_start3A_11 = arith.constant 0 : i32
        %dma_start3A_12 = tpu.memref_slice %arg4[%mul3A_4, %dma_start3A_11] : memref<128x512xf32, #tpu.memory_space<hbm>> -> memref<8x512xf32, #tpu.memory_space<hbm>>
        tpu.enqueue_dma source(%arg6 : memref<8x512xf32, #tpu.memory_space<vmem>>) target(%dma_start3A_12 : memref<8x512xf32, #tpu.memory_space<hbm>>) target_semaphore(%run_scoped3A : memref<!tpu.dma_semaphore, #tpu.memory_space<semaphore_mem>>)
        %dma_wait3A_13 = arith.constant 0 : i32
        %dma_wait3A_14 = tpu.memref_slice %arg4[%mul3A_4, %dma_wait3A_13] : memref<128x512xf32, #tpu.memory_space<hbm>> -> memref<8x512xf32, #tpu.memory_space<hbm>>
        %dma_wait3A_15 = arith.constant 0 : i32
        %dma_wait3A_16 = tpu.memref_slice %arg4[%mul3A_4, %dma_wait3A_15] : memref<128x512xf32, #tpu.memory_space<hbm>> -> memref<8x512xf32, #tpu.memory_space<hbm>>
        tpu.wait_dma2 semaphore(%run_scoped3A : memref<!tpu.dma_semaphore, #tpu.memory_space<semaphore_mem>>) src(%arg6 : memref<8x512xf32, #tpu.memory_space<vmem>>) dst(%dma_wait3A_16 : memref<8x512xf32, #tpu.memory_space<hbm>>)
        tpu.yield
      }) : () -> ()
    } else {
    }
    return
  }
}

module attributes {stable_mosaic.version = 14 : i64} {
  func.func @_body(%arg0: i32, %arg1: memref<128x512xf32, #tpu.memory_space<vmem>>, %arg2: memref<64x512xf32, #tpu.memory_space<vmem>>, %arg3: memref<64x128xf32, #tpu.memory_space<vmem>>, %arg4: memref<512x512xf32, #tpu.memory_space<vmem>>, %arg5: memref<512x512xf32, #tpu.memory_space<vmem>>, %arg6: memref<512x512xf32, #tpu.memory_space<vmem>>, %arg7: memref<1x512xf32, #tpu.memory_space<vmem>>, %arg8: memref<4992x512xf32, #tpu.memory_space<vmem>>, %arg9: memref<1x4992x1xf32, #tpu.memory_space<vmem>>, %arg10: memref<1x128xf32, #tpu.memory_space<vmem>>, %arg11: memref<1x128xf32, #tpu.memory_space<vmem>>, %arg12: memref<1x128xi32, #tpu.memory_space<vmem>>, %arg13: memref<1x128xi32, #tpu.memory_space<vmem>>, %arg14: memref<64x512xf32, #tpu.memory_space<vmem>>, %arg15: memref<64x128xf32, #tpu.memory_space<vmem>>, %arg16: memref<64x128xf32, #tpu.memory_space<vmem>>, %arg17: memref<8x64x128xf32, #tpu.memory_space<vmem>>, %arg18: memref<8x64x128xi32, #tpu.memory_space<vmem>>, %arg19: memref<2x64x4992xf32, #tpu.memory_space<vmem>>) attributes {dimension_semantics = [#tpu.dimension_semantics<arbitrary>], iteration_bounds = array<i64: 22>, scalar_prefetch = 0 : i64, scratch_operands = 6 : i64, tpu.core_type = #tpu.core_type<tc>, window_params = [{pipeline_mode = #tpu.pipeline_mode<synchronous>, transform_indices = @transform_0, window_bounds = array<i64: 128, 512>}, {pipeline_mode = #tpu.pipeline_mode<synchronous>, transform_indices = @transform_1, window_bounds = array<i64: 64, 512>}, {pipeline_mode = #tpu.pipeline_mode<synchronous>, transform_indices = @transform_2, window_bounds = array<i64: 64, 128>}, {pipeline_mode = #tpu.pipeline_mode<synchronous>, transform_indices = @transform_3, window_bounds = array<i64: 512, 512>}, {pipeline_mode = #tpu.pipeline_mode<synchronous>, transform_indices = @transform_4, window_bounds = array<i64: 512, 512>}, {pipeline_mode = #tpu.pipeline_mode<synchronous>, transform_indices = @transform_5, window_bounds = array<i64: 512, 512>}, {pipeline_mode = #tpu.pipeline_mode<synchronous>, transform_indices = @transform_6, window_bounds = array<i64: 1, 512>}, {transform_indices = @transform_7, window_bounds = array<i64: 4992, 512>}, {transform_indices = @transform_8, window_bounds = array<i64: 1, 4992, 1>}, {pipeline_mode = #tpu.pipeline_mode<synchronous>, transform_indices = @transform_9, window_bounds = array<i64: 1, 128>}, {pipeline_mode = #tpu.pipeline_mode<synchronous>, transform_indices = @transform_10, window_bounds = array<i64: 1, 128>}, {pipeline_mode = #tpu.pipeline_mode<synchronous>, transform_indices = @transform_11, window_bounds = array<i64: 1, 128>}, {pipeline_mode = #tpu.pipeline_mode<synchronous>, transform_indices = @transform_12, window_bounds = array<i64: 1, 128>}]} {
    %eq3A = arith.constant 0 : i32
    %eq3A_0 = arith.cmpi eq, %arg0, %eq3A : i32
    %convert_element_type3A = arith.extui %eq3A_0 : i1 to i32
    %cond3A = arith.constant 0 : i32
    %cond3A_1 = arith.cmpi ne, %convert_element_type3A, %cond3A : i32
    scf.if %cond3A_1 {
      %get3A = arith.constant 0 : index
      %get3A_16 = arith.constant 0 : index
      %get3A_17 = vector.load %arg1[%get3A, %get3A_16] : memref<128x512xf32, #tpu.memory_space<vmem>>, vector<64x512xf32>
      %get3A_18 = arith.constant 64 : index
      %get3A_19 = arith.constant 0 : index
      %get3A_20 = vector.load %arg1[%get3A_18, %get3A_19] : memref<128x512xf32, #tpu.memory_space<vmem>>, vector<64x512xf32>
      %get3A_21 = arith.constant 0 : index
      %get3A_22 = arith.constant 0 : index
      %get3A_23 = vector.load %arg4[%get3A_21, %get3A_22] : memref<512x512xf32, #tpu.memory_space<vmem>>, vector<512x512xf32>
      %dot_general3A = arith.constant dense<0.000000e+00> : vector<64x512xf32>
      %dot_general3A_24 = tpu.matmul %get3A_17, %get3A_23, %dot_general3A {dimension_numbers = #tpu.dot_dimension_numbers<[1], [0], [0], [1], [0, 0, 1, 1], [], []>, transpose_lhs_hint = false} : vector<64x512xf32>, vector<512x512xf32>, vector<64x512xf32> -> vector<64x512xf32>
      %get3A_25 = arith.constant 0 : index
      %get3A_26 = arith.constant 0 : index
      %get3A_27 = vector.load %arg5[%get3A_25, %get3A_26] : memref<512x512xf32, #tpu.memory_space<vmem>>, vector<512x512xf32>
      %dot_general3A_28 = arith.constant dense<0.000000e+00> : vector<64x512xf32>
      %dot_general3A_29 = tpu.matmul %get3A_20, %get3A_27, %dot_general3A_28 {dimension_numbers = #tpu.dot_dimension_numbers<[1], [0], [0], [1], [0, 0, 1, 1], [], []>, transpose_lhs_hint = false} : vector<64x512xf32>, vector<512x512xf32>, vector<64x512xf32> -> vector<64x512xf32>
      %add3A = arith.addf %dot_general3A_24, %dot_general3A_29 : vector<64x512xf32>
      %max3A = arith.constant 0.000000e+00 : f32
      %max3A_30 = vector.broadcast %max3A : f32 to vector<64x512xf32>
      %max3A_31 = arith.maximumf %add3A, %max3A_30 : vector<64x512xf32>
      %get3A_32 = arith.constant 0 : index
      %get3A_33 = arith.constant 0 : index
      %get3A_34 = vector.load %arg6[%get3A_32, %get3A_33] : memref<512x512xf32, #tpu.memory_space<vmem>>, vector<512x512xf32>
      %dot_general3A_35 = arith.constant dense<0.000000e+00> : vector<64x512xf32>
      %dot_general3A_36 = tpu.matmul %max3A_31, %get3A_34, %dot_general3A_35 {dimension_numbers = #tpu.dot_dimension_numbers<[1], [1], [0], [0], [0, 0, 1, 0], [], []>, transpose_lhs_hint = false} : vector<64x512xf32>, vector<512x512xf32>, vector<64x512xf32> -> vector<64x512xf32>
      %get3A_37 = arith.constant 0 : index
      %get3A_38 = arith.constant 0 : index
      %get3A_39 = vector.load %arg2[%get3A_37, %get3A_38] : memref<64x512xf32, #tpu.memory_space<vmem>>, vector<64x512xf32>
      %add3A_40 = arith.addf %get3A_39, %dot_general3A_36 : vector<64x512xf32>
      %get3A_41 = arith.constant 0 : index
      %get3A_42 = arith.constant 0 : index
      %get3A_43 = vector.load %arg7[%get3A_41, %get3A_42] : memref<1x512xf32, #tpu.memory_space<vmem>>, vector<1x512xf32>
      %add3A_44 = vector.broadcast %get3A_43 : vector<1x512xf32> to vector<64x512xf32>
      %add3A_45 = arith.addf %add3A_40, %add3A_44 : vector<64x512xf32>
      %tanh3A = math.tanh %add3A_45 : vector<64x512xf32>
      %swap3A = arith.constant 0 : index
      %swap3A_46 = arith.constant 0 : index
      %swap3A_47 = vector.load %arg14[%swap3A, %swap3A_46] : memref<64x512xf32, #tpu.memory_space<vmem>>, vector<64x512xf32>
      tpu.vector_store %arg14[%swap3A, %swap3A_46], %tanh3A {strides = array<i32>} : memref<64x512xf32, #tpu.memory_space<vmem>>, vector<64x512xf32>,
      %broadcast_in_dim3A = arith.constant -1.000000e+30 : f32
      %broadcast_in_dim3A_48 = vector.broadcast %broadcast_in_dim3A : f32 to vector<64x128xf32>
      %swap3A_49 = arith.constant 0 : index
      %swap3A_50 = arith.constant 0 : index
      %swap3A_51 = vector.load %arg15[%swap3A_49, %swap3A_50] : memref<64x128xf32, #tpu.memory_space<vmem>>, vector<64x128xf32>
      tpu.vector_store %arg15[%swap3A_49, %swap3A_50], %broadcast_in_dim3A_48 {strides = array<i32>} : memref<64x128xf32, #tpu.memory_space<vmem>>, vector<64x128xf32>,
      %broadcast_in_dim3A_52 = arith.constant 0.000000e+00 : f32
      %broadcast_in_dim3A_53 = vector.broadcast %broadcast_in_dim3A_52 : f32 to vector<64x128xf32>
      %swap3A_54 = arith.constant 0 : index
      %swap3A_55 = arith.constant 0 : index
      %swap3A_56 = vector.load %arg16[%swap3A_54, %swap3A_55] : memref<64x128xf32, #tpu.memory_space<vmem>>, vector<64x128xf32>
      tpu.vector_store %arg16[%swap3A_54, %swap3A_55], %broadcast_in_dim3A_53 {strides = array<i32>} : memref<64x128xf32, #tpu.memory_space<vmem>>, vector<64x128xf32>,
      %broadcast_in_dim3A_57 = arith.constant -1.000000e+30 : f32
      %broadcast_in_dim3A_58 = vector.broadcast %broadcast_in_dim3A_57 : f32 to vector<8x64x128xf32>
      %swap3A_59 = arith.constant 0 : index
      %swap3A_60 = arith.constant 0 : index
      %swap3A_61 = arith.constant 0 : index
      %swap3A_62 = vector.load %arg17[%swap3A_59, %swap3A_60, %swap3A_61] : memref<8x64x128xf32, #tpu.memory_space<vmem>>, vector<8x64x128xf32>
      tpu.vector_store %arg17[%swap3A_59, %swap3A_60, %swap3A_61], %broadcast_in_dim3A_58 {strides = array<i32>} : memref<8x64x128xf32, #tpu.memory_space<vmem>>, vector<8x64x128xf32>,
      %broadcast_in_dim3A_63 = arith.constant 0 : i32
      %broadcast_in_dim3A_64 = vector.broadcast %broadcast_in_dim3A_63 : i32 to vector<8x64x128xi32>
      %swap3A_65 = arith.constant 0 : index
      %swap3A_66 = arith.constant 0 : index
      %swap3A_67 = arith.constant 0 : index
      %swap3A_68 = vector.load %arg18[%swap3A_65, %swap3A_66, %swap3A_67] : memref<8x64x128xi32, #tpu.memory_space<vmem>>, vector<8x64x128xi32>
      tpu.vector_store %arg18[%swap3A_65, %swap3A_66, %swap3A_67], %broadcast_in_dim3A_64 {strides = array<i32>} : memref<8x64x128xi32, #tpu.memory_space<vmem>>, vector<8x64x128xi32>,
    } else {
    }
    %rem3A = arith.constant 2 : i32
    %rem3A_2 = arith.remsi %arg0, %rem3A : i32
    %lt3A = arith.constant 21 : i32
    %lt3A_3 = arith.cmpi slt, %arg0, %lt3A : i32
    %convert_element_type3A_4 = arith.extui %lt3A_3 : i1 to i32
    %cond3A_5 = arith.constant 0 : i32
    %cond3A_6 = arith.cmpi ne, %convert_element_type3A_4, %cond3A_5 : i32
    scf.if %cond3A_6 {
      %get3A = arith.constant 0 : index
      %get3A_16 = arith.constant 0 : index
      %get3A_17 = vector.load %arg14[%get3A, %get3A_16] : memref<64x512xf32, #tpu.memory_space<vmem>>, vector<64x512xf32>
      %get3A_18 = arith.constant 0 : index
      %get3A_19 = arith.constant 0 : index
      %get3A_20 = vector.load %arg8[%get3A_18, %get3A_19] : memref<4992x512xf32, #tpu.memory_space<vmem>>, vector<4992x512xf32>
      %dot_general3A = arith.constant dense<0.000000e+00> : vector<64x4992xf32>
      %dot_general3A_21 = tpu.matmul %get3A_17, %get3A_20, %dot_general3A {dimension_numbers = #tpu.dot_dimension_numbers<[1], [1], [0], [0], [0, 0, 1, 0], [], []>, transpose_lhs_hint = false} : vector<64x512xf32>, vector<4992x512xf32>, vector<64x4992xf32> -> vector<64x4992xf32>
      %broadcast_in_dim3A = arith.constant 1.000000e+00 : f32
      %broadcast_in_dim3A_22 = vector.broadcast %broadcast_in_dim3A : f32 to vector<64x1xf32>
      %get3A_23 = arith.constant 0 : index
      %get3A_24 = arith.constant 0 : index
      %get3A_25 = arith.constant 0 : index
      %get3A_26 = vector.load %arg9[%get3A_23, %get3A_24, %get3A_25] : memref<1x4992x1xf32, #tpu.memory_space<vmem>>, vector<1x4992x1xf32>
      %get3A_27 = vector.shape_cast %get3A_26 : vector<1x4992x1xf32> to vector<4992x1xf32>
      %dot_general3A_28 = arith.constant dense<0.000000e+00> : vector<64x4992xf32>
      %dot_general3A_29 = tpu.matmul %broadcast_in_dim3A_22, %get3A_27, %dot_general3A_28 {dimension_numbers = #tpu.dot_dimension_numbers<[1], [1], [0], [0], [0, 0, 1, 0], [], []>, transpose_lhs_hint = false} : vector<64x1xf32>, vector<4992x1xf32>, vector<64x4992xf32> -> vector<64x4992xf32>
      %add3A = arith.addf %dot_general3A_21, %dot_general3A_29 : vector<64x4992xf32>
      %iota3A = tpu.iota {dimensions = array<i32: 1>} : vector<64x4992xi32>
      %eq3A_30 = arith.constant 20 : i32
      %eq3A_31 = arith.cmpi eq, %arg0, %eq3A_30 : i32
      %jit3A = arith.constant 160 : i32
      %jit3A_32 = arith.constant 4992 : i32
      %select_n3A = arith.select %eq3A_31, %jit3A, %jit3A_32 : i32
      %lt3A_33 = vector.broadcast %select_n3A : i32 to vector<64x4992xi32>
      %lt3A_34 = arith.cmpi slt, %iota3A, %lt3A_33 : vector<64x4992xi32>
      %jit3A_35 = arith.constant -1.000000e+30 : f32
      %broadcast_in_dim3A_36 = vector.broadcast %jit3A_35 : f32 to vector<64x4992xf32>
      %select_n3A_37 = arith.select %lt3A_34, %add3A, %broadcast_in_dim3A_36 : vector<64x4992xi1>, vector<64x4992xf32>
      %swap3A = arith.index_cast %rem3A_2 : i32 to index
      %swap3A_38 = arith.constant 0 : index
      %swap3A_39 = arith.constant 0 : index
      %swap3A_40 = vector.load %arg19[%swap3A, %swap3A_38, %swap3A_39] : memref<2x64x4992xf32, #tpu.memory_space<vmem>>, vector<1x64x4992xf32>
      %swap3A_41 = vector.shape_cast %swap3A_40 : vector<1x64x4992xf32> to vector<64x4992xf32>
      %swap3A_42 = vector.shape_cast %select_n3A_37 : vector<64x4992xf32> to vector<1x64x4992xf32>
      tpu.vector_store %arg19[%swap3A, %swap3A_38, %swap3A_39], %swap3A_42 {strides = array<i32>} : memref<2x64x4992xf32, #tpu.memory_space<vmem>>, vector<1x64x4992xf32>,
    } else {
    }
    %gt3A = arith.constant 0 : i32
    %gt3A_7 = arith.cmpi sgt, %arg0, %gt3A : i32
    %convert_element_type3A_8 = arith.extui %gt3A_7 : i1 to i32
    %cond3A_9 = arith.constant 0 : i32
    %cond3A_10 = arith.cmpi ne, %convert_element_type3A_8, %cond3A_9 : i32
    scf.if %cond3A_10 {
      %sub3A = arith.constant 1 : i32
      %sub3A_16 = arith.subi %arg0, %sub3A : i32
      %get3A = arith.constant 0 : index
      %get3A_17 = arith.constant 0 : index
      %get3A_18 = arith.constant 0 : index
      %get3A_19 = vector.load %arg17[%get3A, %get3A_17, %get3A_18] : memref<8x64x128xf32, #tpu.memory_space<vmem>>, vector<1x64x128xf32>
      %get3A_20 = vector.shape_cast %get3A_19 : vector<1x64x128xf32> to vector<64x128xf32>
      %get3A_21 = arith.constant 1 : index
      %get3A_22 = arith.constant 0 : index
      %get3A_23 = arith.constant 0 : index
      %get3A_24 = vector.load %arg17[%get3A_21, %get3A_22, %get3A_23] : memref<8x64x128xf32, #tpu.memory_space<vmem>>, vector<1x64x128xf32>
      %get3A_25 = vector.shape_cast %get3A_24 : vector<1x64x128xf32> to vector<64x128xf32>
      %get3A_26 = arith.constant 2 : index
      %get3A_27 = arith.constant 0 : index
      %get3A_28 = arith.constant 0 : index
      %get3A_29 = vector.load %arg17[%get3A_26, %get3A_27, %get3A_28] : memref<8x64x128xf32, #tpu.memory_space<vmem>>, vector<1x64x128xf32>
      %get3A_30 = vector.shape_cast %get3A_29 : vector<1x64x128xf32> to vector<64x128xf32>
      %get3A_31 = arith.constant 3 : index
      %get3A_32 = arith.constant 0 : index
      %get3A_33 = arith.constant 0 : index
      %get3A_34 = vector.load %arg17[%get3A_31, %get3A_32, %get3A_33] : memref<8x64x128xf32, #tpu.memory_space<vmem>>, vector<1x64x128xf32>
      %get3A_35 = vector.shape_cast %get3A_34 : vector<1x64x128xf32> to vector<64x128xf32>
      %get3A_36 = arith.constant 4 : index
      %get3A_37 = arith.constant 0 : index
      %get3A_38 = arith.constant 0 : index
      %get3A_39 = vector.load %arg17[%get3A_36, %get3A_37, %get3A_38] : memref<8x64x128xf32, #tpu.memory_space<vmem>>, vector<1x64x128xf32>
      %get3A_40 = vector.shape_cast %get3A_39 : vector<1x64x128xf32> to vector<64x128xf32>
      %get3A_41 = arith.constant 5 : index
      %get3A_42 = arith.constant 0 : index
      %get3A_43 = arith.constant 0 : index
      %get3A_44 = vector.load %arg17[%get3A_41, %get3A_42, %get3A_43] : memref<8x64x128xf32, #tpu.memory_space<vmem>>, vector<1x64x128xf32>
      %get3A_45 = vector.shape_cast %get3A_44 : vector<1x64x128xf32> to vector<64x128xf32>
      %get3A_46 = arith.constant 6 : index
      %get3A_47 = arith.constant 0 : index
      %get3A_48 = arith.constant 0 : index
      %get3A_49 = vector.load %arg17[%get3A_46, %get3A_47, %get3A_48] : memref<8x64x128xf32, #tpu.memory_space<vmem>>, vector<1x64x128xf32>
      %get3A_50 = vector.shape_cast %get3A_49 : vector<1x64x128xf32> to vector<64x128xf32>
      %get3A_51 = arith.constant 7 : index
      %get3A_52 = arith.constant 0 : index
      %get3A_53 = arith.constant 0 : index
      %get3A_54 = vector.load %arg17[%get3A_51, %get3A_52, %get3A_53] : memref<8x64x128xf32, #tpu.memory_space<vmem>>, vector<1x64x128xf32>
      %get3A_55 = vector.shape_cast %get3A_54 : vector<1x64x128xf32> to vector<64x128xf32>
      %get3A_56 = arith.constant 0 : index
      %get3A_57 = arith.constant 0 : index
      %get3A_58 = arith.constant 0 : index
      %get3A_59 = vector.load %arg18[%get3A_56, %get3A_57, %get3A_58] : memref<8x64x128xi32, #tpu.memory_space<vmem>>, vector<1x64x128xi32>
      %get3A_60 = vector.shape_cast %get3A_59 : vector<1x64x128xi32> to vector<64x128xi32>
      %get3A_61 = arith.constant 1 : index
      %get3A_62 = arith.constant 0 : index
      %get3A_63 = arith.constant 0 : index
      %get3A_64 = vector.load %arg18[%get3A_61, %get3A_62, %get3A_63] : memref<8x64x128xi32, #tpu.memory_space<vmem>>, vector<1x64x128xi32>
      %get3A_65 = vector.shape_cast %get3A_64 : vector<1x64x128xi32> to vector<64x128xi32>
      %get3A_66 = arith.constant 2 : index
      %get3A_67 = arith.constant 0 : index
      %get3A_68 = arith.constant 0 : index
      %get3A_69 = vector.load %arg18[%get3A_66, %get3A_67, %get3A_68] : memref<8x64x128xi32, #tpu.memory_space<vmem>>, vector<1x64x128xi32>
      %get3A_70 = vector.shape_cast %get3A_69 : vector<1x64x128xi32> to vector<64x128xi32>
      %get3A_71 = arith.constant 3 : index
      %get3A_72 = arith.constant 0 : index
      %get3A_73 = arith.constant 0 : index
      %get3A_74 = vector.load %arg18[%get3A_71, %get3A_72, %get3A_73] : memref<8x64x128xi32, #tpu.memory_space<vmem>>, vector<1x64x128xi32>
      %get3A_75 = vector.shape_cast %get3A_74 : vector<1x64x128xi32> to vector<64x128xi32>
      %get3A_76 = arith.constant 4 : index
      %get3A_77 = arith.constant 0 : index
      %get3A_78 = arith.constant 0 : index
      %get3A_79 = vector.load %arg18[%get3A_76, %get3A_77, %get3A_78] : memref<8x64x128xi32, #tpu.memory_space<vmem>>, vector<1x64x128xi32>
      %get3A_80 = vector.shape_cast %get3A_79 : vector<1x64x128xi32> to vector<64x128xi32>
      %get3A_81 = arith.constant 5 : index
      %get3A_82 = arith.constant 0 : index
      %get3A_83 = arith.constant 0 : index
      %get3A_84 = vector.load %arg18[%get3A_81, %get3A_82, %get3A_83] : memref<8x64x128xi32, #tpu.memory_space<vmem>>, vector<1x64x128xi32>
      %get3A_85 = vector.shape_cast %get3A_84 : vector<1x64x128xi32> to vector<64x128xi32>
      %get3A_86 = arith.constant 6 : index
      %get3A_87 = arith.constant 0 : index
      %get3A_88 = arith.constant 0 : index
      %get3A_89 = vector.load %arg18[%get3A_86, %get3A_87, %get3A_88] : memref<8x64x128xi32, #tpu.memory_space<vmem>>, vector<1x64x128xi32>
      %get3A_90 = vector.shape_cast %get3A_89 : vector<1x64x128xi32> to vector<64x128xi32>
      %get3A_91 = arith.constant 7 : index
      %get3A_92 = arith.constant 0 : index
      %get3A_93 = arith.constant 0 : index
      %get3A_94 = vector.load %arg18[%get3A_91, %get3A_92, %get3A_93] : memref<8x64x128xi32, #tpu.memory_space<vmem>>, vector<1x64x128xi32>
      %get3A_95 = vector.shape_cast %get3A_94 : vector<1x64x128xi32> to vector<64x128xi32>
      %broadcast_in_dim3A = arith.constant -1.000000e+30 : f32
      %broadcast_in_dim3A_96 = vector.broadcast %broadcast_in_dim3A : f32 to vector<64x128xf32>
      %sub3A_97 = arith.constant 1 : i32
      %sub3A_98 = arith.subi %sub3A_97, %rem3A_2 : i32
      %get3A_99 = arith.index_cast %sub3A_98 : i32 to index
      %get3A_100 = arith.constant 0 : index
      %get3A_101 = arith.constant 0 : index
      %get3A_102 = vector.load %arg19[%get3A_99, %get3A_100, %get3A_101] : memref<2x64x4992xf32, #tpu.memory_space<vmem>>, vector<1x64x128xf32>
      %get3A_103 = vector.shape_cast %get3A_102 : vector<1x64x128xf32> to vector<64x128xf32>
      %mul3A = arith.constant 4992 : i32
      %mul3A_104 = arith.muli %sub3A_16, %mul3A : i32
      %add3A = arith.constant 0 : i32
      %add3A_105 = arith.addi %mul3A_104, %add3A : i32
      %broadcast_in_dim3A_106 = vector.broadcast %add3A_105 : i32 to vector<64x128xi32>
      %max3A = arith.maximumf %broadcast_in_dim3A_96, %get3A_103 : vector<64x128xf32>
      %max3A_107 = arith.maximumf %get3A_103, %get3A_20 : vector<64x128xf32>
      %min3A = arith.minimumf %get3A_103, %get3A_20 : vector<64x128xf32>
      %gt3A_108 = arith.cmpf ogt, %get3A_103, %get3A_20 : vector<64x128xf32>
      %select_n3A = arith.select %gt3A_108, %broadcast_in_dim3A_106, %get3A_60 : vector<64x128xi1>, vector<64x128xi32>
      %select_n3A_109 = arith.select %gt3A_108, %get3A_60, %broadcast_in_dim3A_106 : vector<64x128xi1>, vector<64x128xi32>
      %max3A_110 = arith.maximumf %min3A, %get3A_25 : vector<64x128xf32>
      %min3A_111 = arith.minimumf %min3A, %get3A_25 : vector<64x128xf32>
      %gt3A_112 = arith.cmpf ogt, %min3A, %get3A_25 : vector<64x128xf32>
      %select_n3A_113 = arith.select %gt3A_112, %select_n3A_109, %get3A_65 : vector<64x128xi1>, vector<64x128xi32>
      %select_n3A_114 = arith.select %gt3A_112, %get3A_65, %select_n3A_109 : vector<64x128xi1>, vector<64x128xi32>
      %max3A_115 = arith.maximumf %min3A_111, %get3A_30 : vector<64x128xf32>
      %min3A_116 = arith.minimumf %min3A_111, %get3A_30 : vector<64x128xf32>
      %gt3A_117 = arith.cmpf ogt, %min3A_111, %get3A_30 : vector<64x128xf32>
      %select_n3A_118 = arith.select %gt3A_117, %select_n3A_114, %get3A_70 : vector<64x128xi1>, vector<64x128xi32>
      %select_n3A_119 = arith.select %gt3A_117, %get3A_70, %select_n3A_114 : vector<64x128xi1>, vector<64x128xi32>
      %max3A_120 = arith.maximumf %min3A_116, %get3A_35 : vector<64x128xf32>
      %min3A_121 = arith.minimumf %min3A_116, %get3A_35 : vector<64x128xf32>
      %gt3A_122 = arith.cmpf ogt, %min3A_116, %get3A_35 : vector<64x128xf32>
      %select_n3A_123 = arith.select %gt3A_122, %select_n3A_119, %get3A_75 : vector<64x128xi1>, vector<64x128xi32>
      %select_n3A_124 = arith.select %gt3A_122, %get3A_75, %select_n3A_119 : vector<64x128xi1>, vector<64x128xi32>
      %max3A_125 = arith.maximumf %min3A_121, %get3A_40 : vector<64x128xf32>
      %min3A_126 = arith.minimumf %min3A_121, %get3A_40 : vector<64x128xf32>
      %gt3A_127 = arith.cmpf ogt, %min3A_121, %get3A_40 : vector<64x128xf32>
      %select_n3A_128 = arith.select %gt3A_127, %select_n3A_124, %get3A_80 : vector<64x128xi1>, vector<64x128xi32>
      %select_n3A_129 = arith.select %gt3A_127, %get3A_80, %select_n3A_124 : vector<64x128xi1>, vector<64x128xi32>
      %max3A_130 = arith.maximumf %min3A_126, %get3A_45 : vector<64x128xf32>
      %min3A_131 = arith.minimumf %min3A_126, %get3A_45 : vector<64x128xf32>
      %gt3A_132 = arith.cmpf ogt, %min3A_126, %get3A_45 : vector<64x128xf32>
      %select_n3A_133 = arith.select %gt3A_132, %select_n3A_129, %get3A_85 : vector<64x128xi1>, vector<64x128xi32>
      %select_n3A_134 = arith.select %gt3A_132, %get3A_85, %select_n3A_129 : vector<64x128xi1>, vector<64x128xi32>
      %max3A_135 = arith.maximumf %min3A_131, %get3A_50 : vector<64x128xf32>
      %min3A_136 = arith.minimumf %min3A_131, %get3A_50 : vector<64x128xf32>
      %gt3A_137 = arith.cmpf ogt, %min3A_131, %get3A_50 : vector<64x128xf32>
      %select_n3A_138 = arith.select %gt3A_137, %select_n3A_134, %get3A_90 : vector<64x128xi1>, vector<64x128xi32>
      %select_n3A_139 = arith.select %gt3A_137, %get3A_90, %select_n3A_134 : vector<64x128xi1>, vector<64x128xi32>
      %max3A_140 = arith.maximumf %min3A_136, %get3A_55 : vector<64x128xf32>
      %gt3A_141 = arith.cmpf ogt, %min3A_136, %get3A_55 : vector<64x128xf32>
      %select_n3A_142 = arith.select %gt3A_141, %select_n3A_139, %get3A_95 : vector<64x128xi1>, vector<64x128xi32>
      %sub3A_143 = arith.constant 1 : i32
      %sub3A_144 = arith.subi %sub3A_143, %rem3A_2 : i32
      %get3A_145 = arith.index_cast %sub3A_144 : i32 to index
      %get3A_146 = arith.constant 0 : index
      %get3A_147 = arith.constant 128 : index
      %get3A_148 = vector.load %arg19[%get3A_145, %get3A_146, %get3A_147] : memref<2x64x4992xf32, #tpu.memory_space<vmem>>, vector<1x64x128xf32>
      %get3A_149 = vector.shape_cast %get3A_148 : vector<1x64x128xf32> to vector<64x128xf32>
      %mul3A_150 = arith.constant 4992 : i32
      %mul3A_151 = arith.muli %sub3A_16, %mul3A_150 : i32
      %add3A_152 = arith.constant 128 : i32
      %add3A_153 = arith.addi %mul3A_151, %add3A_152 : i32
      %broadcast_in_dim3A_154 = vector.broadcast %add3A_153 : i32 to vector<64x128xi32>
      %max3A_155 = arith.maximumf %max3A, %get3A_149 : vector<64x128xf32>
      %max3A_156 = arith.maximumf %get3A_149, %max3A_107 : vector<64x128xf32>
      %min3A_157 = arith.minimumf %get3A_149, %max3A_107 : vector<64x128xf32>
      %gt3A_158 = arith.cmpf ogt, %get3A_149, %max3A_107 : vector<64x128xf32>
      %select_n3A_159 = arith.select %gt3A_158, %broadcast_in_dim3A_154, %select_n3A : vector<64x128xi1>, vector<64x128xi32>
      %select_n3A_160 = arith.select %gt3A_158, %select_n3A, %broadcast_in_dim3A_154 : vector<64x128xi1>, vector<64x128xi32>
      %max3A_161 = arith.maximumf %min3A_157, %max3A_110 : vector<64x128xf32>
      %min3A_162 = arith.minimumf %min3A_157, %max3A_110 : vector<64x128xf32>
      %gt3A_163 = arith.cmpf ogt, %min3A_157, %max3A_110 : vector<64x128xf32>
      %select_n3A_164 = arith.select %gt3A_163, %select_n3A_160, %select_n3A_113 : vector<64x128xi1>, vector<64x128xi32>
      %select_n3A_165 = arith.select %gt3A_163, %select_n3A_113, %select_n3A_160 : vector<64x128xi1>, vector<64x128xi32>
      %max3A_166 = arith.maximumf %min3A_162, %max3A_115 : vector<64x128xf32>
      %min3A_167 = arith.minimumf %min3A_162, %max3A_115 : vector<64x128xf32>
      %gt3A_168 = arith.cmpf ogt, %min3A_162, %max3A_115 : vector<64x128xf32>
      %select_n3A_169 = arith.select %gt3A_168, %select_n3A_165, %select_n3A_118 : vector<64x128xi1>, vector<64x128xi32>
      %select_n3A_170 = arith.select %gt3A_168, %select_n3A_118, %select_n3A_165 : vector<64x128xi1>, vector<64x128xi32>
      %max3A_171 = arith.maximumf %min3A_167, %max3A_120 : vector<64x128xf32>
      %min3A_172 = arith.minimumf %min3A_167, %max3A_120 : vector<64x128xf32>
      %gt3A_173 = arith.cmpf ogt, %min3A_167, %max3A_120 : vector<64x128xf32>
      %select_n3A_174 = arith.select %gt3A_173, %select_n3A_170, %select_n3A_123 : vector<64x128xi1>, vector<64x128xi32>
      %select_n3A_175 = arith.select %gt3A_173, %select_n3A_123, %select_n3A_170 : vector<64x128xi1>, vector<64x128xi32>
      %max3A_176 = arith.maximumf %min3A_172, %max3A_125 : vector<64x128xf32>
      %min3A_177 = arith.minimumf %min3A_172, %max3A_125 : vector<64x128xf32>
      %gt3A_178 = arith.cmpf ogt, %min3A_172, %max3A_125 : vector<64x128xf32>
      %select_n3A_179 = arith.select %gt3A_178, %select_n3A_175, %select_n3A_128 : vector<64x128xi1>, vector<64x128xi32>
      %select_n3A_180 = arith.select %gt3A_178, %select_n3A_128, %select_n3A_175 : vector<64x128xi1>, vector<64x128xi32>
      %max3A_181 = arith.maximumf %min3A_177, %max3A_130 : vector<64x128xf32>
      %min3A_182 = arith.minimumf %min3A_177, %max3A_130 : vector<64x128xf32>
      %gt3A_183 = arith.cmpf ogt, %min3A_177, %max3A_130 : vector<64x128xf32>
      %select_n3A_184 = arith.select %gt3A_183, %select_n3A_180, %select_n3A_133 : vector<64x128xi1>, vector<64x128xi32>
      %select_n3A_185 = arith.select %gt3A_183, %select_n3A_133, %select_n3A_180 : vector<64x128xi1>, vector<64x128xi32>
      %max3A_186 = arith.maximumf %min3A_182, %max3A_135 : vector<64x128xf32>
      %min3A_187 = arith.minimumf %min3A_182, %max3A_135 : vector<64x128xf32>
      %gt3A_188 = arith.cmpf ogt, %min3A_182, %max3A_135 : vector<64x128xf32>
      %select_n3A_189 = arith.select %gt3A_188, %select_n3A_185, %select_n3A_138 : vector<64x128xi1>, vector<64x128xi32>
      %select_n3A_190 = arith.select %gt3A_188, %select_n3A_138, %select_n3A_185 : vector<64x128xi1>, vector<64x128xi32>
      %max3A_191 = arith.maximumf %min3A_187, %max3A_140 : vector<64x128xf32>
      %gt3A_192 = arith.cmpf ogt, %min3A_187, %max3A_140 : vector<64x128xf32>
      %select_n3A_193 = arith.select %gt3A_192, %select_n3A_190, %select_n3A_142 : vector<64x128xi1>, vector<64x128xi32>
      %sub3A_194 = arith.constant 1 : i32
      %sub3A_195 = arith.subi %sub3A_194, %rem3A_2 : i32
      %get3A_196 = arith.index_cast %sub3A_195 : i32 to index
      %get3A_197 = arith.constant 0 : index
      %get3A_198 = arith.constant 256 : index
      %get3A_199 = vector.load %arg19[%get3A_196, %get3A_197, %get3A_198] : memref<2x64x4992xf32, #tpu.memory_space<vmem>>, vector<1x64x128xf32>
      %get3A_200 = vector.shape_cast %get3A_199 : vector<1x64x128xf32> to vector<64x128xf32>
      %mul3A_201 = arith.constant 4992 : i32
      %mul3A_202 = arith.muli %sub3A_16, %mul3A_201 : i32
      %add3A_203 = arith.constant 256 : i32
      %add3A_204 = arith.addi %mul3A_202, %add3A_203 : i32
      %broadcast_in_dim3A_205 = vector.broadcast %add3A_204 : i32 to vector<64x128xi32>
      %max3A_206 = arith.maximumf %max3A_155, %get3A_200 : vector<64x128xf32>
      %max3A_207 = arith.maximumf %get3A_200, %max3A_156 : vector<64x128xf32>
      %min3A_208 = arith.minimumf %get3A_200, %max3A_156 : vector<64x128xf32>
      %gt3A_209 = arith.cmpf ogt, %get3A_200, %max3A_156 : vector<64x128xf32>
      %select_n3A_210 = arith.select %gt3A_209, %broadcast_in_dim3A_205, %select_n3A_159 : vector<64x128xi1>, vector<64x128xi32>
      %select_n3A_211 = arith.select %gt3A_209, %select_n3A_159, %broadcast_in_dim3A_205 : vector<64x128xi1>, vector<64x128xi32>
      %max3A_212 = arith.maximumf %min3A_208, %max3A_161 : vector<64x128xf32>
      %min3A_213 = arith.minimumf %min3A_208, %max3A_161 : vector<64x128xf32>
      %gt3A_214 = arith.cmpf ogt, %min3A_208, %max3A_161 : vector<64x128xf32>
      %select_n3A_215 = arith.select %gt3A_214, %select_n3A_211, %select_n3A_164 : vector<64x128xi1>, vector<64x128xi32>
      %select_n3A_216 = arith.select %gt3A_214, %select_n3A_164, %select_n3A_211 : vector<64x128xi1>, vector<64x128xi32>
      %max3A_217 = arith.maximumf %min3A_213, %max3A_166 : vector<64x128xf32>
      %min3A_218 = arith.minimumf %min3A_213, %max3A_166 : vector<64x128xf32>
      %gt3A_219 = arith.cmpf ogt, %min3A_213, %max3A_166 : vector<64x128xf32>
      %select_n3A_220 = arith.select %gt3A_219, %select_n3A_216, %select_n3A_169 : vector<64x128xi1>, vector<64x128xi32>
      %select_n3A_221 = arith.select %gt3A_219, %select_n3A_169, %select_n3A_216 : vector<64x128xi1>, vector<64x128xi32>
      %max3A_222 = arith.maximumf %min3A_218, %max3A_171 : vector<64x128xf32>
      %min3A_223 = arith.minimumf %min3A_218, %max3A_171 : vector<64x128xf32>
      %gt3A_224 = arith.cmpf ogt, %min3A_218, %max3A_171 : vector<64x128xf32>
      %select_n3A_225 = arith.select %gt3A_224, %select_n3A_221, %select_n3A_174 : vector<64x128xi1>, vector<64x128xi32>
      %select_n3A_226 = arith.select %gt3A_224, %select_n3A_174, %select_n3A_221 : vector<64x128xi1>, vector<64x128xi32>
      %max3A_227 = arith.maximumf %min3A_223, %max3A_176 : vector<64x128xf32>
      %min3A_228 = arith.minimumf %min3A_223, %max3A_176 : vector<64x128xf32>
      %gt3A_229 = arith.cmpf ogt, %min3A_223, %max3A_176 : vector<64x128xf32>
      %select_n3A_230 = arith.select %gt3A_229, %select_n3A_226, %select_n3A_179 : vector<64x128xi1>, vector<64x128xi32>
      %select_n3A_231 = arith.select %gt3A_229, %select_n3A_179, %select_n3A_226 : vector<64x128xi1>, vector<64x128xi32>
      %max3A_232 = arith.maximumf %min3A_228, %max3A_181 : vector<64x128xf32>
      %min3A_233 = arith.minimumf %min3A_228, %max3A_181 : vector<64x128xf32>
      %gt3A_234 = arith.cmpf ogt, %min3A_228, %max3A_181 : vector<64x128xf32>
      %select_n3A_235 = arith.select %gt3A_234, %select_n3A_231, %select_n3A_184 : vector<64x128xi1>, vector<64x128xi32>
      %select_n3A_236 = arith.select %gt3A_234, %select_n3A_184, %select_n3A_231 : vector<64x128xi1>, vector<64x128xi32>
      %max3A_237 = arith.maximumf %min3A_233, %max3A_186 : vector<64x128xf32>
      %min3A_238 = arith.minimumf %min3A_233, %max3A_186 : vector<64x128xf32>
      %gt3A_239 = arith.cmpf ogt, %min3A_233, %max3A_186 : vector<64x128xf32>
      %select_n3A_240 = arith.select %gt3A_239, %select_n3A_236, %select_n3A_189 : vector<64x128xi1>, vector<64x128xi32>
      %select_n3A_241 = arith.select %gt3A_239, %select_n3A_189, %select_n3A_236 : vector<64x128xi1>, vector<64x128xi32>
      %max3A_242 = arith.maximumf %min3A_238, %max3A_191 : vector<64x128xf32>
      %gt3A_243 = arith.cmpf ogt, %min3A_238, %max3A_191 : vector<64x128xf32>
      %select_n3A_244 = arith.select %gt3A_243, %select_n3A_241, %select_n3A_193 : vector<64x128xi1>, vector<64x128xi32>
      %sub3A_245 = arith.constant 1 : i32
      %sub3A_246 = arith.subi %sub3A_245, %rem3A_2 : i32
      %get3A_247 = arith.index_cast %sub3A_246 : i32 to index
      %get3A_248 = arith.constant 0 : index
      %get3A_249 = arith.constant 384 : index
      %get3A_250 = vector.load %arg19[%get3A_247, %get3A_248, %get3A_249] : memref<2x64x4992xf32, #tpu.memory_space<vmem>>, vector<1x64x128xf32>
      %get3A_251 = vector.shape_cast %get3A_250 : vector<1x64x128xf32> to vector<64x128xf32>
      %mul3A_252 = arith.constant 4992 : i32
      %mul3A_253 = arith.muli %sub3A_16, %mul3A_252 : i32
      %add3A_254 = arith.constant 384 : i32
      %add3A_255 = arith.addi %mul3A_253, %add3A_254 : i32
      %broadcast_in_dim3A_256 = vector.broadcast %add3A_255 : i32 to vector<64x128xi32>
      %max3A_257 = arith.maximumf %max3A_206, %get3A_251 : vector<64x128xf32>
      %max3A_258 = arith.maximumf %get3A_251, %max3A_207 : vector<64x128xf32>
      %min3A_259 = arith.minimumf %get3A_251, %max3A_207 : vector<64x128xf32>
      %gt3A_260 = arith.cmpf ogt, %get3A_251, %max3A_207 : vector<64x128xf32>
      %select_n3A_261 = arith.select %gt3A_260, %broadcast_in_dim3A_256, %select_n3A_210 : vector<64x128xi1>, vector<64x128xi32>
      %select_n3A_262 = arith.select %gt3A_260, %select_n3A_210, %broadcast_in_dim3A_256 : vector<64x128xi1>, vector<64x128xi32>
      %max3A_263 = arith.maximumf %min3A_259, %max3A_212 : vector<64x128xf32>
      %min3A_264 = arith.minimumf %min3A_259, %max3A_212 : vector<64x128xf32>
      %gt3A_265 = arith.cmpf ogt, %min3A_259, %max3A_212 : vector<64x128xf32>
      %select_n3A_266 = arith.select %gt3A_265, %select_n3A_262, %select_n3A_215 : vector<64x128xi1>, vector<64x128xi32>
      %select_n3A_267 = arith.select %gt3A_265, %select_n3A_215, %select_n3A_262 : vector<64x128xi1>, vector<64x128xi32>
      %max3A_268 = arith.maximumf %min3A_264, %max3A_217 : vector<64x128xf32>
      %min3A_269 = arith.minimumf %min3A_264, %max3A_217 : vector<64x128xf32>
      %gt3A_270 = arith.cmpf ogt, %min3A_264, %max3A_217 : vector<64x128xf32>
      %select_n3A_271 = arith.select %gt3A_270, %select_n3A_267, %select_n3A_220 : vector<64x128xi1>, vector<64x128xi32>
      %select_n3A_272 = arith.select %gt3A_270, %select_n3A_220, %select_n3A_267 : vector<64x128xi1>, vector<64x128xi32>
      %max3A_273 = arith.maximumf %min3A_269, %max3A_222 : vector<64x128xf32>
      %min3A_274 = arith.minimumf %min3A_269, %max3A_222 : vector<64x128xf32>
      %gt3A_275 = arith.cmpf ogt, %min3A_269, %max3A_222 : vector<64x128xf32>
      %select_n3A_276 = arith.select %gt3A_275, %select_n3A_272, %select_n3A_225 : vector<64x128xi1>, vector<64x128xi32>
      %select_n3A_277 = arith.select %gt3A_275, %select_n3A_225, %select_n3A_272 : vector<64x128xi1>, vector<64x128xi32>
      %max3A_278 = arith.maximumf %min3A_274, %max3A_227 : vector<64x128xf32>
      %min3A_279 = arith.minimumf %min3A_274, %max3A_227 : vector<64x128xf32>
      %gt3A_280 = arith.cmpf ogt, %min3A_274, %max3A_227 : vector<64x128xf32>
      %select_n3A_281 = arith.select %gt3A_280, %select_n3A_277, %select_n3A_230 : vector<64x128xi1>, vector<64x128xi32>
      %select_n3A_282 = arith.select %gt3A_280, %select_n3A_230, %select_n3A_277 : vector<64x128xi1>, vector<64x128xi32>
      %max3A_283 = arith.maximumf %min3A_279, %max3A_232 : vector<64x128xf32>
      %min3A_284 = arith.minimumf %min3A_279, %max3A_232 : vector<64x128xf32>
      %gt3A_285 = arith.cmpf ogt, %min3A_279, %max3A_232 : vector<64x128xf32>
      %select_n3A_286 = arith.select %gt3A_285, %select_n3A_282, %select_n3A_235 : vector<64x128xi1>, vector<64x128xi32>
      %select_n3A_287 = arith.select %gt3A_285, %select_n3A_235, %select_n3A_282 : vector<64x128xi1>, vector<64x128xi32>
      %max3A_288 = arith.maximumf %min3A_284, %max3A_237 : vector<64x128xf32>
      %min3A_289 = arith.minimumf %min3A_284, %max3A_237 : vector<64x128xf32>
      %gt3A_290 = arith.cmpf ogt, %min3A_284, %max3A_237 : vector<64x128xf32>
      %select_n3A_291 = arith.select %gt3A_290, %select_n3A_287, %select_n3A_240 : vector<64x128xi1>, vector<64x128xi32>
      %select_n3A_292 = arith.select %gt3A_290, %select_n3A_240, %select_n3A_287 : vector<64x128xi1>, vector<64x128xi32>
      %max3A_293 = arith.maximumf %min3A_289, %max3A_242 : vector<64x128xf32>
      %gt3A_294 = arith.cmpf ogt, %min3A_289, %max3A_242 : vector<64x128xf32>
      %select_n3A_295 = arith.select %gt3A_294, %select_n3A_292, %select_n3A_244 : vector<64x128xi1>, vector<64x128xi32>
      %sub3A_296 = arith.constant 1 : i32
      %sub3A_297 = arith.subi %sub3A_296, %rem3A_2 : i32
      %get3A_298 = arith.index_cast %sub3A_297 : i32 to index
      %get3A_299 = arith.constant 0 : index
      %get3A_300 = arith.constant 512 : index
      %get3A_301 = vector.load %arg19[%get3A_298, %get3A_299, %get3A_300] : memref<2x64x4992xf32, #tpu.memory_space<vmem>>, vector<1x64x128xf32>
      %get3A_302 = vector.shape_cast %get3A_301 : vector<1x64x128xf32> to vector<64x128xf32>
      %mul3A_303 = arith.constant 4992 : i32
      %mul3A_304 = arith.muli %sub3A_16, %mul3A_303 : i32
      %add3A_305 = arith.constant 512 : i32
      %add3A_306 = arith.addi %mul3A_304, %add3A_305 : i32
      %broadcast_in_dim3A_307 = vector.broadcast %add3A_306 : i32 to vector<64x128xi32>
      %max3A_308 = arith.maximumf %max3A_257, %get3A_302 : vector<64x128xf32>
      %max3A_309 = arith.maximumf %get3A_302, %max3A_258 : vector<64x128xf32>
      %min3A_310 = arith.minimumf %get3A_302, %max3A_258 : vector<64x128xf32>
      %gt3A_311 = arith.cmpf ogt, %get3A_302, %max3A_258 : vector<64x128xf32>
      %select_n3A_312 = arith.select %gt3A_311, %broadcast_in_dim3A_307, %select_n3A_261 : vector<64x128xi1>, vector<64x128xi32>
      %select_n3A_313 = arith.select %gt3A_311, %select_n3A_261, %broadcast_in_dim3A_307 : vector<64x128xi1>, vector<64x128xi32>
      %max3A_314 = arith.maximumf %min3A_310, %max3A_263 : vector<64x128xf32>
      %min3A_315 = arith.minimumf %min3A_310, %max3A_263 : vector<64x128xf32>
      %gt3A_316 = arith.cmpf ogt, %min3A_310, %max3A_263 : vector<64x128xf32>
      %select_n3A_317 = arith.select %gt3A_316, %select_n3A_313, %select_n3A_266 : vector<64x128xi1>, vector<64x128xi32>
      %select_n3A_318 = arith.select %gt3A_316, %select_n3A_266, %select_n3A_313 : vector<64x128xi1>, vector<64x128xi32>
      %max3A_319 = arith.maximumf %min3A_315, %max3A_268 : vector<64x128xf32>
      %min3A_320 = arith.minimumf %min3A_315, %max3A_268 : vector<64x128xf32>
      %gt3A_321 = arith.cmpf ogt, %min3A_315, %max3A_268 : vector<64x128xf32>
      %select_n3A_322 = arith.select %gt3A_321, %select_n3A_318, %select_n3A_271 : vector<64x128xi1>, vector<64x128xi32>
      %select_n3A_323 = arith.select %gt3A_321, %select_n3A_271, %select_n3A_318 : vector<64x128xi1>, vector<64x128xi32>
      %max3A_324 = arith.maximumf %min3A_320, %max3A_273 : vector<64x128xf32>
      %min3A_325 = arith.minimumf %min3A_320, %max3A_273 : vector<64x128xf32>
      %gt3A_326 = arith.cmpf ogt, %min3A_320, %max3A_273 : vector<64x128xf32>
      %select_n3A_327 = arith.select %gt3A_326, %select_n3A_323, %select_n3A_276 : vector<64x128xi1>, vector<64x128xi32>
      %select_n3A_328 = arith.select %gt3A_326, %select_n3A_276, %select_n3A_323 : vector<64x128xi1>, vector<64x128xi32>
      %max3A_329 = arith.maximumf %min3A_325, %max3A_278 : vector<64x128xf32>
      %min3A_330 = arith.minimumf %min3A_325, %max3A_278 : vector<64x128xf32>
      %gt3A_331 = arith.cmpf ogt, %min3A_325, %max3A_278 : vector<64x128xf32>
      %select_n3A_332 = arith.select %gt3A_331, %select_n3A_328, %select_n3A_281 : vector<64x128xi1>, vector<64x128xi32>
      %select_n3A_333 = arith.select %gt3A_331, %select_n3A_281, %select_n3A_328 : vector<64x128xi1>, vector<64x128xi32>
      %max3A_334 = arith.maximumf %min3A_330, %max3A_283 : vector<64x128xf32>
      %min3A_335 = arith.minimumf %min3A_330, %max3A_283 : vector<64x128xf32>
      %gt3A_336 = arith.cmpf ogt, %min3A_330, %max3A_283 : vector<64x128xf32>
      %select_n3A_337 = arith.select %gt3A_336, %select_n3A_333, %select_n3A_286 : vector<64x128xi1>, vector<64x128xi32>
      %select_n3A_338 = arith.select %gt3A_336, %select_n3A_286, %select_n3A_333 : vector<64x128xi1>, vector<64x128xi32>
      %max3A_339 = arith.maximumf %min3A_335, %max3A_288 : vector<64x128xf32>
      %min3A_340 = arith.minimumf %min3A_335, %max3A_288 : vector<64x128xf32>
      %gt3A_341 = arith.cmpf ogt, %min3A_335, %max3A_288 : vector<64x128xf32>
      %select_n3A_342 = arith.select %gt3A_341, %select_n3A_338, %select_n3A_291 : vector<64x128xi1>, vector<64x128xi32>
      %select_n3A_343 = arith.select %gt3A_341, %select_n3A_291, %select_n3A_338 : vector<64x128xi1>, vector<64x128xi32>
      %max3A_344 = arith.maximumf %min3A_340, %max3A_293 : vector<64x128xf32>
      %gt3A_345 = arith.cmpf ogt, %min3A_340, %max3A_293 : vector<64x128xf32>
      %select_n3A_346 = arith.select %gt3A_345, %select_n3A_343, %select_n3A_295 : vector<64x128xi1>, vector<64x128xi32>
      %sub3A_347 = arith.constant 1 : i32
      %sub3A_348 = arith.subi %sub3A_347, %rem3A_2 : i32
      %get3A_349 = arith.index_cast %sub3A_348 : i32 to index
      %get3A_350 = arith.constant 0 : index
      %get3A_351 = arith.constant 640 : index
      %get3A_352 = vector.load %arg19[%get3A_349, %get3A_350, %get3A_351] : memref<2x64x4992xf32, #tpu.memory_space<vmem>>, vector<1x64x128xf32>
      %get3A_353 = vector.shape_cast %get3A_352 : vector<1x64x128xf32> to vector<64x128xf32>
      %mul3A_354 = arith.constant 4992 : i32
      %mul3A_355 = arith.muli %sub3A_16, %mul3A_354 : i32
      %add3A_356 = arith.constant 640 : i32
      %add3A_357 = arith.addi %mul3A_355, %add3A_356 : i32
      %broadcast_in_dim3A_358 = vector.broadcast %add3A_357 : i32 to vector<64x128xi32>
      %max3A_359 = arith.maximumf %max3A_308, %get3A_353 : vector<64x128xf32>
      %max3A_360 = arith.maximumf %get3A_353, %max3A_309 : vector<64x128xf32>
      %min3A_361 = arith.minimumf %get3A_353, %max3A_309 : vector<64x128xf32>
      %gt3A_362 = arith.cmpf ogt, %get3A_353, %max3A_309 : vector<64x128xf32>
      %select_n3A_363 = arith.select %gt3A_362, %broadcast_in_dim3A_358, %select_n3A_312 : vector<64x128xi1>, vector<64x128xi32>
      %select_n3A_364 = arith.select %gt3A_362, %select_n3A_312, %broadcast_in_dim3A_358 : vector<64x128xi1>, vector<64x128xi32>
      %max3A_365 = arith.maximumf %min3A_361, %max3A_314 : vector<64x128xf32>
      %min3A_366 = arith.minimumf %min3A_361, %max3A_314 : vector<64x128xf32>
      %gt3A_367 = arith.cmpf ogt, %min3A_361, %max3A_314 : vector<64x128xf32>
      %select_n3A_368 = arith.select %gt3A_367, %select_n3A_364, %select_n3A_317 : vector<64x128xi1>, vector<64x128xi32>
      %select_n3A_369 = arith.select %gt3A_367, %select_n3A_317, %select_n3A_364 : vector<64x128xi1>, vector<64x128xi32>
      %max3A_370 = arith.maximumf %min3A_366, %max3A_319 : vector<64x128xf32>
      %min3A_371 = arith.minimumf %min3A_366, %max3A_319 : vector<64x128xf32>
      %gt3A_372 = arith.cmpf ogt, %min3A_366, %max3A_319 : vector<64x128xf32>
      %select_n3A_373 = arith.select %gt3A_372, %select_n3A_369, %select_n3A_322 : vector<64x128xi1>, vector<64x128xi32>
      %select_n3A_374 = arith.select %gt3A_372, %select_n3A_322, %select_n3A_369 : vector<64x128xi1>, vector<64x128xi32>
      %max3A_375 = arith.maximumf %min3A_371, %max3A_324 : vector<64x128xf32>
      %min3A_376 = arith.minimumf %min3A_371, %max3A_324 : vector<64x128xf32>
      %gt3A_377 = arith.cmpf ogt, %min3A_371, %max3A_324 : vector<64x128xf32>
      %select_n3A_378 = arith.select %gt3A_377, %select_n3A_374, %select_n3A_327 : vector<64x128xi1>, vector<64x128xi32>
      %select_n3A_379 = arith.select %gt3A_377, %select_n3A_327, %select_n3A_374 : vector<64x128xi1>, vector<64x128xi32>
      %max3A_380 = arith.maximumf %min3A_376, %max3A_329 : vector<64x128xf32>
      %min3A_381 = arith.minimumf %min3A_376, %max3A_329 : vector<64x128xf32>
      %gt3A_382 = arith.cmpf ogt, %min3A_376, %max3A_329 : vector<64x128xf32>
      %select_n3A_383 = arith.select %gt3A_382, %select_n3A_379, %select_n3A_332 : vector<64x128xi1>, vector<64x128xi32>
      %select_n3A_384 = arith.select %gt3A_382, %select_n3A_332, %select_n3A_379 : vector<64x128xi1>, vector<64x128xi32>
      %max3A_385 = arith.maximumf %min3A_381, %max3A_334 : vector<64x128xf32>
      %min3A_386 = arith.minimumf %min3A_381, %max3A_334 : vector<64x128xf32>
      %gt3A_387 = arith.cmpf ogt, %min3A_381, %max3A_334 : vector<64x128xf32>
      %select_n3A_388 = arith.select %gt3A_387, %select_n3A_384, %select_n3A_337 : vector<64x128xi1>, vector<64x128xi32>
      %select_n3A_389 = arith.select %gt3A_387, %select_n3A_337, %select_n3A_384 : vector<64x128xi1>, vector<64x128xi32>
      %max3A_390 = arith.maximumf %min3A_386, %max3A_339 : vector<64x128xf32>
      %min3A_391 = arith.minimumf %min3A_386, %max3A_339 : vector<64x128xf32>
      %gt3A_392 = arith.cmpf ogt, %min3A_386, %max3A_339 : vector<64x128xf32>
      %select_n3A_393 = arith.select %gt3A_392, %select_n3A_389, %select_n3A_342 : vector<64x128xi1>, vector<64x128xi32>
      %select_n3A_394 = arith.select %gt3A_392, %select_n3A_342, %select_n3A_389 : vector<64x128xi1>, vector<64x128xi32>
      %max3A_395 = arith.maximumf %min3A_391, %max3A_344 : vector<64x128xf32>
      %gt3A_396 = arith.cmpf ogt, %min3A_391, %max3A_344 : vector<64x128xf32>
      %select_n3A_397 = arith.select %gt3A_396, %select_n3A_394, %select_n3A_346 : vector<64x128xi1>, vector<64x128xi32>
      %sub3A_398 = arith.constant 1 : i32
      %sub3A_399 = arith.subi %sub3A_398, %rem3A_2 : i32
      %get3A_400 = arith.index_cast %sub3A_399 : i32 to index
      %get3A_401 = arith.constant 0 : index
      %get3A_402 = arith.constant 768 : index
      %get3A_403 = vector.load %arg19[%get3A_400, %get3A_401, %get3A_402] : memref<2x64x4992xf32, #tpu.memory_space<vmem>>, vector<1x64x128xf32>
      %get3A_404 = vector.shape_cast %get3A_403 : vector<1x64x128xf32> to vector<64x128xf32>
      %mul3A_405 = arith.constant 4992 : i32
      %mul3A_406 = arith.muli %sub3A_16, %mul3A_405 : i32
      %add3A_407 = arith.constant 768 : i32
      %add3A_408 = arith.addi %mul3A_406, %add3A_407 : i32
      %broadcast_in_dim3A_409 = vector.broadcast %add3A_408 : i32 to vector<64x128xi32>
      %max3A_410 = arith.maximumf %max3A_359, %get3A_404 : vector<64x128xf32>
      %max3A_411 = arith.maximumf %get3A_404, %max3A_360 : vector<64x128xf32>
      %min3A_412 = arith.minimumf %get3A_404, %max3A_360 : vector<64x128xf32>
      %gt3A_413 = arith.cmpf ogt, %get3A_404, %max3A_360 : vector<64x128xf32>
      %select_n3A_414 = arith.select %gt3A_413, %broadcast_in_dim3A_409, %select_n3A_363 : vector<64x128xi1>, vector<64x128xi32>
      %select_n3A_415 = arith.select %gt3A_413, %select_n3A_363, %broadcast_in_dim3A_409 : vector<64x128xi1>, vector<64x128xi32>
      %max3A_416 = arith.maximumf %min3A_412, %max3A_365 : vector<64x128xf32>
      %min3A_417 = arith.minimumf %min3A_412, %max3A_365 : vector<64x128xf32>
      %gt3A_418 = arith.cmpf ogt, %min3A_412, %max3A_365 : vector<64x128xf32>
      %select_n3A_419 = arith.select %gt3A_418, %select_n3A_415, %select_n3A_368 : vector<64x128xi1>, vector<64x128xi32>
      %select_n3A_420 = arith.select %gt3A_418, %select_n3A_368, %select_n3A_415 : vector<64x128xi1>, vector<64x128xi32>
      %max3A_421 = arith.maximumf %min3A_417, %max3A_370 : vector<64x128xf32>
      %min3A_422 = arith.minimumf %min3A_417, %max3A_370 : vector<64x128xf32>
      %gt3A_423 = arith.cmpf ogt, %min3A_417, %max3A_370 : vector<64x128xf32>
      %select_n3A_424 = arith.select %gt3A_423, %select_n3A_420, %select_n3A_373 : vector<64x128xi1>, vector<64x128xi32>
      %select_n3A_425 = arith.select %gt3A_423, %select_n3A_373, %select_n3A_420 : vector<64x128xi1>, vector<64x128xi32>
      %max3A_426 = arith.maximumf %min3A_422, %max3A_375 : vector<64x128xf32>
      %min3A_427 = arith.minimumf %min3A_422, %max3A_375 : vector<64x128xf32>
      %gt3A_428 = arith.cmpf ogt, %min3A_422, %max3A_375 : vector<64x128xf32>
      %select_n3A_429 = arith.select %gt3A_428, %select_n3A_425, %select_n3A_378 : vector<64x128xi1>, vector<64x128xi32>
      %select_n3A_430 = arith.select %gt3A_428, %select_n3A_378, %select_n3A_425 : vector<64x128xi1>, vector<64x128xi32>
      %max3A_431 = arith.maximumf %min3A_427, %max3A_380 : vector<64x128xf32>
      %min3A_432 = arith.minimumf %min3A_427, %max3A_380 : vector<64x128xf32>
      %gt3A_433 = arith.cmpf ogt, %min3A_427, %max3A_380 : vector<64x128xf32>
      %select_n3A_434 = arith.select %gt3A_433, %select_n3A_430, %select_n3A_383 : vector<64x128xi1>, vector<64x128xi32>
      %select_n3A_435 = arith.select %gt3A_433, %select_n3A_383, %select_n3A_430 : vector<64x128xi1>, vector<64x128xi32>
      %max3A_436 = arith.maximumf %min3A_432, %max3A_385 : vector<64x128xf32>
      %min3A_437 = arith.minimumf %min3A_432, %max3A_385 : vector<64x128xf32>
      %gt3A_438 = arith.cmpf ogt, %min3A_432, %max3A_385 : vector<64x128xf32>
      %select_n3A_439 = arith.select %gt3A_438, %select_n3A_435, %select_n3A_388 : vector<64x128xi1>, vector<64x128xi32>
      %select_n3A_440 = arith.select %gt3A_438, %select_n3A_388, %select_n3A_435 : vector<64x128xi1>, vector<64x128xi32>
      %max3A_441 = arith.maximumf %min3A_437, %max3A_390 : vector<64x128xf32>
      %min3A_442 = arith.minimumf %min3A_437, %max3A_390 : vector<64x128xf32>
      %gt3A_443 = arith.cmpf ogt, %min3A_437, %max3A_390 : vector<64x128xf32>
      %select_n3A_444 = arith.select %gt3A_443, %select_n3A_440, %select_n3A_393 : vector<64x128xi1>, vector<64x128xi32>
      %select_n3A_445 = arith.select %gt3A_443, %select_n3A_393, %select_n3A_440 : vector<64x128xi1>, vector<64x128xi32>
      %max3A_446 = arith.maximumf %min3A_442, %max3A_395 : vector<64x128xf32>
      %gt3A_447 = arith.cmpf ogt, %min3A_442, %max3A_395 : vector<64x128xf32>
      %select_n3A_448 = arith.select %gt3A_447, %select_n3A_445, %select_n3A_397 : vector<64x128xi1>, vector<64x128xi32>
      %sub3A_449 = arith.constant 1 : i32
      %sub3A_450 = arith.subi %sub3A_449, %rem3A_2 : i32
      %get3A_451 = arith.index_cast %sub3A_450 : i32 to index
      %get3A_452 = arith.constant 0 : index
      %get3A_453 = arith.constant 896 : index
      %get3A_454 = vector.load %arg19[%get3A_451, %get3A_452, %get3A_453] : memref<2x64x4992xf32, #tpu.memory_space<vmem>>, vector<1x64x128xf32>
      %get3A_455 = vector.shape_cast %get3A_454 : vector<1x64x128xf32> to vector<64x128xf32>
      %mul3A_456 = arith.constant 4992 : i32
      %mul3A_457 = arith.muli %sub3A_16, %mul3A_456 : i32
      %add3A_458 = arith.constant 896 : i32
      %add3A_459 = arith.addi %mul3A_457, %add3A_458 : i32
      %broadcast_in_dim3A_460 = vector.broadcast %add3A_459 : i32 to vector<64x128xi32>
      %max3A_461 = arith.maximumf %max3A_410, %get3A_455 : vector<64x128xf32>
      %max3A_462 = arith.maximumf %get3A_455, %max3A_411 : vector<64x128xf32>
      %min3A_463 = arith.minimumf %get3A_455, %max3A_411 : vector<64x128xf32>
      %gt3A_464 = arith.cmpf ogt, %get3A_455, %max3A_411 : vector<64x128xf32>
      %select_n3A_465 = arith.select %gt3A_464, %broadcast_in_dim3A_460, %select_n3A_414 : vector<64x128xi1>, vector<64x128xi32>
      %select_n3A_466 = arith.select %gt3A_464, %select_n3A_414, %broadcast_in_dim3A_460 : vector<64x128xi1>, vector<64x128xi32>
      %max3A_467 = arith.maximumf %min3A_463, %max3A_416 : vector<64x128xf32>
      %min3A_468 = arith.minimumf %min3A_463, %max3A_416 : vector<64x128xf32>
      %gt3A_469 = arith.cmpf ogt, %min3A_463, %max3A_416 : vector<64x128xf32>
      %select_n3A_470 = arith.select %gt3A_469, %select_n3A_466, %select_n3A_419 : vector<64x128xi1>, vector<64x128xi32>
      %select_n3A_471 = arith.select %gt3A_469, %select_n3A_419, %select_n3A_466 : vector<64x128xi1>, vector<64x128xi32>
      %max3A_472 = arith.maximumf %min3A_468, %max3A_421 : vector<64x128xf32>
      %min3A_473 = arith.minimumf %min3A_468, %max3A_421 : vector<64x128xf32>
      %gt3A_474 = arith.cmpf ogt, %min3A_468, %max3A_421 : vector<64x128xf32>
      %select_n3A_475 = arith.select %gt3A_474, %select_n3A_471, %select_n3A_424 : vector<64x128xi1>, vector<64x128xi32>
      %select_n3A_476 = arith.select %gt3A_474, %select_n3A_424, %select_n3A_471 : vector<64x128xi1>, vector<64x128xi32>
      %max3A_477 = arith.maximumf %min3A_473, %max3A_426 : vector<64x128xf32>
      %min3A_478 = arith.minimumf %min3A_473, %max3A_426 : vector<64x128xf32>
      %gt3A_479 = arith.cmpf ogt, %min3A_473, %max3A_426 : vector<64x128xf32>
      %select_n3A_480 = arith.select %gt3A_479, %select_n3A_476, %select_n3A_429 : vector<64x128xi1>, vector<64x128xi32>
      %select_n3A_481 = arith.select %gt3A_479, %select_n3A_429, %select_n3A_476 : vector<64x128xi1>, vector<64x128xi32>
      %max3A_482 = arith.maximumf %min3A_478, %max3A_431 : vector<64x128xf32>
      %min3A_483 = arith.minimumf %min3A_478, %max3A_431 : vector<64x128xf32>
      %gt3A_484 = arith.cmpf ogt, %min3A_478, %max3A_431 : vector<64x128xf32>
      %select_n3A_485 = arith.select %gt3A_484, %select_n3A_481, %select_n3A_434 : vector<64x128xi1>, vector<64x128xi32>
      %select_n3A_486 = arith.select %gt3A_484, %select_n3A_434, %select_n3A_481 : vector<64x128xi1>, vector<64x128xi32>
      %max3A_487 = arith.maximumf %min3A_483, %max3A_436 : vector<64x128xf32>
      %min3A_488 = arith.minimumf %min3A_483, %max3A_436 : vector<64x128xf32>
      %gt3A_489 = arith.cmpf ogt, %min3A_483, %max3A_436 : vector<64x128xf32>
      %select_n3A_490 = arith.select %gt3A_489, %select_n3A_486, %select_n3A_439 : vector<64x128xi1>, vector<64x128xi32>
      %select_n3A_491 = arith.select %gt3A_489, %select_n3A_439, %select_n3A_486 : vector<64x128xi1>, vector<64x128xi32>
      %max3A_492 = arith.maximumf %min3A_488, %max3A_441 : vector<64x128xf32>
      %min3A_493 = arith.minimumf %min3A_488, %max3A_441 : vector<64x128xf32>
      %gt3A_494 = arith.cmpf ogt, %min3A_488, %max3A_441 : vector<64x128xf32>
      %select_n3A_495 = arith.select %gt3A_494, %select_n3A_491, %select_n3A_444 : vector<64x128xi1>, vector<64x128xi32>
      %select_n3A_496 = arith.select %gt3A_494, %select_n3A_444, %select_n3A_491 : vector<64x128xi1>, vector<64x128xi32>
      %max3A_497 = arith.maximumf %min3A_493, %max3A_446 : vector<64x128xf32>
      %gt3A_498 = arith.cmpf ogt, %min3A_493, %max3A_446 : vector<64x128xf32>
      %select_n3A_499 = arith.select %gt3A_498, %select_n3A_496, %select_n3A_448 : vector<64x128xi1>, vector<64x128xi32>
      %sub3A_500 = arith.constant 1 : i32
      %sub3A_501 = arith.subi %sub3A_500, %rem3A_2 : i32
      %get3A_502 = arith.index_cast %sub3A_501 : i32 to index
      %get3A_503 = arith.constant 0 : index
      %get3A_504 = arith.constant 1024 : index
      %get3A_505 = vector.load %arg19[%get3A_502, %get3A_503, %get3A_504] : memref<2x64x4992xf32, #tpu.memory_space<vmem>>, vector<1x64x128xf32>
      %get3A_506 = vector.shape_cast %get3A_505 : vector<1x64x128xf32> to vector<64x128xf32>
      %mul3A_507 = arith.constant 4992 : i32
      %mul3A_508 = arith.muli %sub3A_16, %mul3A_507 : i32
      %add3A_509 = arith.constant 1024 : i32
      %add3A_510 = arith.addi %mul3A_508, %add3A_509 : i32
      %broadcast_in_dim3A_511 = vector.broadcast %add3A_510 : i32 to vector<64x128xi32>
      %max3A_512 = arith.maximumf %max3A_461, %get3A_506 : vector<64x128xf32>
      %max3A_513 = arith.maximumf %get3A_506, %max3A_462 : vector<64x128xf32>
      %min3A_514 = arith.minimumf %get3A_506, %max3A_462 : vector<64x128xf32>
      %gt3A_515 = arith.cmpf ogt, %get3A_506, %max3A_462 : vector<64x128xf32>
      %select_n3A_516 = arith.select %gt3A_515, %broadcast_in_dim3A_511, %select_n3A_465 : vector<64x128xi1>, vector<64x128xi32>
      %select_n3A_517 = arith.select %gt3A_515, %select_n3A_465, %broadcast_in_dim3A_511 : vector<64x128xi1>, vector<64x128xi32>
      %max3A_518 = arith.maximumf %min3A_514, %max3A_467 : vector<64x128xf32>
      %min3A_519 = arith.minimumf %min3A_514, %max3A_467 : vector<64x128xf32>
      %gt3A_520 = arith.cmpf ogt, %min3A_514, %max3A_467 : vector<64x128xf32>
      %select_n3A_521 = arith.select %gt3A_520, %select_n3A_517, %select_n3A_470 : vector<64x128xi1>, vector<64x128xi32>
      %select_n3A_522 = arith.select %gt3A_520, %select_n3A_470, %select_n3A_517 : vector<64x128xi1>, vector<64x128xi32>
      %max3A_523 = arith.maximumf %min3A_519, %max3A_472 : vector<64x128xf32>
      %min3A_524 = arith.minimumf %min3A_519, %max3A_472 : vector<64x128xf32>
      %gt3A_525 = arith.cmpf ogt, %min3A_519, %max3A_472 : vector<64x128xf32>
      %select_n3A_526 = arith.select %gt3A_525, %select_n3A_522, %select_n3A_475 : vector<64x128xi1>, vector<64x128xi32>
      %select_n3A_527 = arith.select %gt3A_525, %select_n3A_475, %select_n3A_522 : vector<64x128xi1>, vector<64x128xi32>
      %max3A_528 = arith.maximumf %min3A_524, %max3A_477 : vector<64x128xf32>
      %min3A_529 = arith.minimumf %min3A_524, %max3A_477 : vector<64x128xf32>
      %gt3A_530 = arith.cmpf ogt, %min3A_524, %max3A_477 : vector<64x128xf32>
      %select_n3A_531 = arith.select %gt3A_530, %select_n3A_527, %select_n3A_480 : vector<64x128xi1>, vector<64x128xi32>
      %select_n3A_532 = arith.select %gt3A_530, %select_n3A_480, %select_n3A_527 : vector<64x128xi1>, vector<64x128xi32>
      %max3A_533 = arith.maximumf %min3A_529, %max3A_482 : vector<64x128xf32>
      %min3A_534 = arith.minimumf %min3A_529, %max3A_482 : vector<64x128xf32>
      %gt3A_535 = arith.cmpf ogt, %min3A_529, %max3A_482 : vector<64x128xf32>
      %select_n3A_536 = arith.select %gt3A_535, %select_n3A_532, %select_n3A_485 : vector<64x128xi1>, vector<64x128xi32>
      %select_n3A_537 = arith.select %gt3A_535, %select_n3A_485, %select_n3A_532 : vector<64x128xi1>, vector<64x128xi32>
      %max3A_538 = arith.maximumf %min3A_534, %max3A_487 : vector<64x128xf32>
      %min3A_539 = arith.minimumf %min3A_534, %max3A_487 : vector<64x128xf32>
      %gt3A_540 = arith.cmpf ogt, %min3A_534, %max3A_487 : vector<64x128xf32>
      %select_n3A_541 = arith.select %gt3A_540, %select_n3A_537, %select_n3A_490 : vector<64x128xi1>, vector<64x128xi32>
      %select_n3A_542 = arith.select %gt3A_540, %select_n3A_490, %select_n3A_537 : vector<64x128xi1>, vector<64x128xi32>
      %max3A_543 = arith.maximumf %min3A_539, %max3A_492 : vector<64x128xf32>
      %min3A_544 = arith.minimumf %min3A_539, %max3A_492 : vector<64x128xf32>
      %gt3A_545 = arith.cmpf ogt, %min3A_539, %max3A_492 : vector<64x128xf32>
      %select_n3A_546 = arith.select %gt3A_545, %select_n3A_542, %select_n3A_495 : vector<64x128xi1>, vector<64x128xi32>
      %select_n3A_547 = arith.select %gt3A_545, %select_n3A_495, %select_n3A_542 : vector<64x128xi1>, vector<64x128xi32>
      %max3A_548 = arith.maximumf %min3A_544, %max3A_497 : vector<64x128xf32>
      %gt3A_549 = arith.cmpf ogt, %min3A_544, %max3A_497 : vector<64x128xf32>
      %select_n3A_550 = arith.select %gt3A_549, %select_n3A_547, %select_n3A_499 : vector<64x128xi1>, vector<64x128xi32>
      %sub3A_551 = arith.constant 1 : i32
      %sub3A_552 = arith.subi %sub3A_551, %rem3A_2 : i32
      %get3A_553 = arith.index_cast %sub3A_552 : i32 to index
      %get3A_554 = arith.constant 0 : index
      %get3A_555 = arith.constant 1152 : index
      %get3A_556 = vector.load %arg19[%get3A_553, %get3A_554, %get3A_555] : memref<2x64x4992xf32, #tpu.memory_space<vmem>>, vector<1x64x128xf32>
      %get3A_557 = vector.shape_cast %get3A_556 : vector<1x64x128xf32> to vector<64x128xf32>
      %mul3A_558 = arith.constant 4992 : i32
      %mul3A_559 = arith.muli %sub3A_16, %mul3A_558 : i32
      %add3A_560 = arith.constant 1152 : i32
      %add3A_561 = arith.addi %mul3A_559, %add3A_560 : i32
      %broadcast_in_dim3A_562 = vector.broadcast %add3A_561 : i32 to vector<64x128xi32>
      %max3A_563 = arith.maximumf %max3A_512, %get3A_557 : vector<64x128xf32>
      %max3A_564 = arith.maximumf %get3A_557, %max3A_513 : vector<64x128xf32>
      %min3A_565 = arith.minimumf %get3A_557, %max3A_513 : vector<64x128xf32>
      %gt3A_566 = arith.cmpf ogt, %get3A_557, %max3A_513 : vector<64x128xf32>
      %select_n3A_567 = arith.select %gt3A_566, %broadcast_in_dim3A_562, %select_n3A_516 : vector<64x128xi1>, vector<64x128xi32>
      %select_n3A_568 = arith.select %gt3A_566, %select_n3A_516, %broadcast_in_dim3A_562 : vector<64x128xi1>, vector<64x128xi32>
      %max3A_569 = arith.maximumf %min3A_565, %max3A_518 : vector<64x128xf32>
      %min3A_570 = arith.minimumf %min3A_565, %max3A_518 : vector<64x128xf32>
      %gt3A_571 = arith.cmpf ogt, %min3A_565, %max3A_518 : vector<64x128xf32>
      %select_n3A_572 = arith.select %gt3A_571, %select_n3A_568, %select_n3A_521 : vector<64x128xi1>, vector<64x128xi32>
      %select_n3A_573 = arith.select %gt3A_571, %select_n3A_521, %select_n3A_568 : vector<64x128xi1>, vector<64x128xi32>
      %max3A_574 = arith.maximumf %min3A_570, %max3A_523 : vector<64x128xf32>
      %min3A_575 = arith.minimumf %min3A_570, %max3A_523 : vector<64x128xf32>
      %gt3A_576 = arith.cmpf ogt, %min3A_570, %max3A_523 : vector<64x128xf32>
      %select_n3A_577 = arith.select %gt3A_576, %select_n3A_573, %select_n3A_526 : vector<64x128xi1>, vector<64x128xi32>
      %select_n3A_578 = arith.select %gt3A_576, %select_n3A_526, %select_n3A_573 : vector<64x128xi1>, vector<64x128xi32>
      %max3A_579 = arith.maximumf %min3A_575, %max3A_528 : vector<64x128xf32>
      %min3A_580 = arith.minimumf %min3A_575, %max3A_528 : vector<64x128xf32>
      %gt3A_581 = arith.cmpf ogt, %min3A_575, %max3A_528 : vector<64x128xf32>
      %select_n3A_582 = arith.select %gt3A_581, %select_n3A_578, %select_n3A_531 : vector<64x128xi1>, vector<64x128xi32>
      %select_n3A_583 = arith.select %gt3A_581, %select_n3A_531, %select_n3A_578 : vector<64x128xi1>, vector<64x128xi32>
      %max3A_584 = arith.maximumf %min3A_580, %max3A_533 : vector<64x128xf32>
      %min3A_585 = arith.minimumf %min3A_580, %max3A_533 : vector<64x128xf32>
      %gt3A_586 = arith.cmpf ogt, %min3A_580, %max3A_533 : vector<64x128xf32>
      %select_n3A_587 = arith.select %gt3A_586, %select_n3A_583, %select_n3A_536 : vector<64x128xi1>, vector<64x128xi32>
      %select_n3A_588 = arith.select %gt3A_586, %select_n3A_536, %select_n3A_583 : vector<64x128xi1>, vector<64x128xi32>
      %max3A_589 = arith.maximumf %min3A_585, %max3A_538 : vector<64x128xf32>
      %min3A_590 = arith.minimumf %min3A_585, %max3A_538 : vector<64x128xf32>
      %gt3A_591 = arith.cmpf ogt, %min3A_585, %max3A_538 : vector<64x128xf32>
      %select_n3A_592 = arith.select %gt3A_591, %select_n3A_588, %select_n3A_541 : vector<64x128xi1>, vector<64x128xi32>
      %select_n3A_593 = arith.select %gt3A_591, %select_n3A_541, %select_n3A_588 : vector<64x128xi1>, vector<64x128xi32>
      %max3A_594 = arith.maximumf %min3A_590, %max3A_543 : vector<64x128xf32>
      %min3A_595 = arith.minimumf %min3A_590, %max3A_543 : vector<64x128xf32>
      %gt3A_596 = arith.cmpf ogt, %min3A_590, %max3A_543 : vector<64x128xf32>
      %select_n3A_597 = arith.select %gt3A_596, %select_n3A_593, %select_n3A_546 : vector<64x128xi1>, vector<64x128xi32>
      %select_n3A_598 = arith.select %gt3A_596, %select_n3A_546, %select_n3A_593 : vector<64x128xi1>, vector<64x128xi32>
      %max3A_599 = arith.maximumf %min3A_595, %max3A_548 : vector<64x128xf32>
      %gt3A_600 = arith.cmpf ogt, %min3A_595, %max3A_548 : vector<64x128xf32>
      %select_n3A_601 = arith.select %gt3A_600, %select_n3A_598, %select_n3A_550 : vector<64x128xi1>, vector<64x128xi32>
      %sub3A_602 = arith.constant 1 : i32
      %sub3A_603 = arith.subi %sub3A_602, %rem3A_2 : i32
      %get3A_604 = arith.index_cast %sub3A_603 : i32 to index
      %get3A_605 = arith.constant 0 : index
      %get3A_606 = arith.constant 1280 : index
      %get3A_607 = vector.load %arg19[%get3A_604, %get3A_605, %get3A_606] : memref<2x64x4992xf32, #tpu.memory_space<vmem>>, vector<1x64x128xf32>
      %get3A_608 = vector.shape_cast %get3A_607 : vector<1x64x128xf32> to vector<64x128xf32>
      %mul3A_609 = arith.constant 4992 : i32
      %mul3A_610 = arith.muli %sub3A_16, %mul3A_609 : i32
      %add3A_611 = arith.constant 1280 : i32
      %add3A_612 = arith.addi %mul3A_610, %add3A_611 : i32
      %broadcast_in_dim3A_613 = vector.broadcast %add3A_612 : i32 to vector<64x128xi32>
      %max3A_614 = arith.maximumf %max3A_563, %get3A_608 : vector<64x128xf32>
      %max3A_615 = arith.maximumf %get3A_608, %max3A_564 : vector<64x128xf32>
      %min3A_616 = arith.minimumf %get3A_608, %max3A_564 : vector<64x128xf32>
      %gt3A_617 = arith.cmpf ogt, %get3A_608, %max3A_564 : vector<64x128xf32>
      %select_n3A_618 = arith.select %gt3A_617, %broadcast_in_dim3A_613, %select_n3A_567 : vector<64x128xi1>, vector<64x128xi32>
      %select_n3A_619 = arith.select %gt3A_617, %select_n3A_567, %broadcast_in_dim3A_613 : vector<64x128xi1>, vector<64x128xi32>
      %max3A_620 = arith.maximumf %min3A_616, %max3A_569 : vector<64x128xf32>
      %min3A_621 = arith.minimumf %min3A_616, %max3A_569 : vector<64x128xf32>
      %gt3A_622 = arith.cmpf ogt, %min3A_616, %max3A_569 : vector<64x128xf32>
      %select_n3A_623 = arith.select %gt3A_622, %select_n3A_619, %select_n3A_572 : vector<64x128xi1>, vector<64x128xi32>
      %select_n3A_624 = arith.select %gt3A_622, %select_n3A_572, %select_n3A_619 : vector<64x128xi1>, vector<64x128xi32>
      %max3A_625 = arith.maximumf %min3A_621, %max3A_574 : vector<64x128xf32>
      %min3A_626 = arith.minimumf %min3A_621, %max3A_574 : vector<64x128xf32>
      %gt3A_627 = arith.cmpf ogt, %min3A_621, %max3A_574 : vector<64x128xf32>
      %select_n3A_628 = arith.select %gt3A_627, %select_n3A_624, %select_n3A_577 : vector<64x128xi1>, vector<64x128xi32>
      %select_n3A_629 = arith.select %gt3A_627, %select_n3A_577, %select_n3A_624 : vector<64x128xi1>, vector<64x128xi32>
      %max3A_630 = arith.maximumf %min3A_626, %max3A_579 : vector<64x128xf32>
      %min3A_631 = arith.minimumf %min3A_626, %max3A_579 : vector<64x128xf32>
      %gt3A_632 = arith.cmpf ogt, %min3A_626, %max3A_579 : vector<64x128xf32>
      %select_n3A_633 = arith.select %gt3A_632, %select_n3A_629, %select_n3A_582 : vector<64x128xi1>, vector<64x128xi32>
      %select_n3A_634 = arith.select %gt3A_632, %select_n3A_582, %select_n3A_629 : vector<64x128xi1>, vector<64x128xi32>
      %max3A_635 = arith.maximumf %min3A_631, %max3A_584 : vector<64x128xf32>
      %min3A_636 = arith.minimumf %min3A_631, %max3A_584 : vector<64x128xf32>
      %gt3A_637 = arith.cmpf ogt, %min3A_631, %max3A_584 : vector<64x128xf32>
      %select_n3A_638 = arith.select %gt3A_637, %select_n3A_634, %select_n3A_587 : vector<64x128xi1>, vector<64x128xi32>
      %select_n3A_639 = arith.select %gt3A_637, %select_n3A_587, %select_n3A_634 : vector<64x128xi1>, vector<64x128xi32>
      %max3A_640 = arith.maximumf %min3A_636, %max3A_589 : vector<64x128xf32>
      %min3A_641 = arith.minimumf %min3A_636, %max3A_589 : vector<64x128xf32>
      %gt3A_642 = arith.cmpf ogt, %min3A_636, %max3A_589 : vector<64x128xf32>
      %select_n3A_643 = arith.select %gt3A_642, %select_n3A_639, %select_n3A_592 : vector<64x128xi1>, vector<64x128xi32>
      %select_n3A_644 = arith.select %gt3A_642, %select_n3A_592, %select_n3A_639 : vector<64x128xi1>, vector<64x128xi32>
      %max3A_645 = arith.maximumf %min3A_641, %max3A_594 : vector<64x128xf32>
      %min3A_646 = arith.minimumf %min3A_641, %max3A_594 : vector<64x128xf32>
      %gt3A_647 = arith.cmpf ogt, %min3A_641, %max3A_594 : vector<64x128xf32>
      %select_n3A_648 = arith.select %gt3A_647, %select_n3A_644, %select_n3A_597 : vector<64x128xi1>, vector<64x128xi32>
      %select_n3A_649 = arith.select %gt3A_647, %select_n3A_597, %select_n3A_644 : vector<64x128xi1>, vector<64x128xi32>
      %max3A_650 = arith.maximumf %min3A_646, %max3A_599 : vector<64x128xf32>
      %gt3A_651 = arith.cmpf ogt, %min3A_646, %max3A_599 : vector<64x128xf32>
      %select_n3A_652 = arith.select %gt3A_651, %select_n3A_649, %select_n3A_601 : vector<64x128xi1>, vector<64x128xi32>
      %sub3A_653 = arith.constant 1 : i32
      %sub3A_654 = arith.subi %sub3A_653, %rem3A_2 : i32
      %get3A_655 = arith.index_cast %sub3A_654 : i32 to index
      %get3A_656 = arith.constant 0 : index
      %get3A_657 = arith.constant 1408 : index
      %get3A_658 = vector.load %arg19[%get3A_655, %get3A_656, %get3A_657] : memref<2x64x4992xf32, #tpu.memory_space<vmem>>, vector<1x64x128xf32>
      %get3A_659 = vector.shape_cast %get3A_658 : vector<1x64x128xf32> to vector<64x128xf32>
      %mul3A_660 = arith.constant 4992 : i32
      %mul3A_661 = arith.muli %sub3A_16, %mul3A_660 : i32
      %add3A_662 = arith.constant 1408 : i32
      %add3A_663 = arith.addi %mul3A_661, %add3A_662 : i32
      %broadcast_in_dim3A_664 = vector.broadcast %add3A_663 : i32 to vector<64x128xi32>
      %max3A_665 = arith.maximumf %max3A_614, %get3A_659 : vector<64x128xf32>
      %max3A_666 = arith.maximumf %get3A_659, %max3A_615 : vector<64x128xf32>
      %min3A_667 = arith.minimumf %get3A_659, %max3A_615 : vector<64x128xf32>
      %gt3A_668 = arith.cmpf ogt, %get3A_659, %max3A_615 : vector<64x128xf32>
      %select_n3A_669 = arith.select %gt3A_668, %broadcast_in_dim3A_664, %select_n3A_618 : vector<64x128xi1>, vector<64x128xi32>
      %select_n3A_670 = arith.select %gt3A_668, %select_n3A_618, %broadcast_in_dim3A_664 : vector<64x128xi1>, vector<64x128xi32>
      %max3A_671 = arith.maximumf %min3A_667, %max3A_620 : vector<64x128xf32>
      %min3A_672 = arith.minimumf %min3A_667, %max3A_620 : vector<64x128xf32>
      %gt3A_673 = arith.cmpf ogt, %min3A_667, %max3A_620 : vector<64x128xf32>
      %select_n3A_674 = arith.select %gt3A_673, %select_n3A_670, %select_n3A_623 : vector<64x128xi1>, vector<64x128xi32>
      %select_n3A_675 = arith.select %gt3A_673, %select_n3A_623, %select_n3A_670 : vector<64x128xi1>, vector<64x128xi32>
      %max3A_676 = arith.maximumf %min3A_672, %max3A_625 : vector<64x128xf32>
      %min3A_677 = arith.minimumf %min3A_672, %max3A_625 : vector<64x128xf32>
      %gt3A_678 = arith.cmpf ogt, %min3A_672, %max3A_625 : vector<64x128xf32>
      %select_n3A_679 = arith.select %gt3A_678, %select_n3A_675, %select_n3A_628 : vector<64x128xi1>, vector<64x128xi32>
      %select_n3A_680 = arith.select %gt3A_678, %select_n3A_628, %select_n3A_675 : vector<64x128xi1>, vector<64x128xi32>
      %max3A_681 = arith.maximumf %min3A_677, %max3A_630 : vector<64x128xf32>
      %min3A_682 = arith.minimumf %min3A_677, %max3A_630 : vector<64x128xf32>
      %gt3A_683 = arith.cmpf ogt, %min3A_677, %max3A_630 : vector<64x128xf32>
      %select_n3A_684 = arith.select %gt3A_683, %select_n3A_680, %select_n3A_633 : vector<64x128xi1>, vector<64x128xi32>
      %select_n3A_685 = arith.select %gt3A_683, %select_n3A_633, %select_n3A_680 : vector<64x128xi1>, vector<64x128xi32>
      %max3A_686 = arith.maximumf %min3A_682, %max3A_635 : vector<64x128xf32>
      %min3A_687 = arith.minimumf %min3A_682, %max3A_635 : vector<64x128xf32>
      %gt3A_688 = arith.cmpf ogt, %min3A_682, %max3A_635 : vector<64x128xf32>
      %select_n3A_689 = arith.select %gt3A_688, %select_n3A_685, %select_n3A_638 : vector<64x128xi1>, vector<64x128xi32>
      %select_n3A_690 = arith.select %gt3A_688, %select_n3A_638, %select_n3A_685 : vector<64x128xi1>, vector<64x128xi32>
      %max3A_691 = arith.maximumf %min3A_687, %max3A_640 : vector<64x128xf32>
      %min3A_692 = arith.minimumf %min3A_687, %max3A_640 : vector<64x128xf32>
      %gt3A_693 = arith.cmpf ogt, %min3A_687, %max3A_640 : vector<64x128xf32>
      %select_n3A_694 = arith.select %gt3A_693, %select_n3A_690, %select_n3A_643 : vector<64x128xi1>, vector<64x128xi32>
      %select_n3A_695 = arith.select %gt3A_693, %select_n3A_643, %select_n3A_690 : vector<64x128xi1>, vector<64x128xi32>
      %max3A_696 = arith.maximumf %min3A_692, %max3A_645 : vector<64x128xf32>
      %min3A_697 = arith.minimumf %min3A_692, %max3A_645 : vector<64x128xf32>
      %gt3A_698 = arith.cmpf ogt, %min3A_692, %max3A_645 : vector<64x128xf32>
      %select_n3A_699 = arith.select %gt3A_698, %select_n3A_695, %select_n3A_648 : vector<64x128xi1>, vector<64x128xi32>
      %select_n3A_700 = arith.select %gt3A_698, %select_n3A_648, %select_n3A_695 : vector<64x128xi1>, vector<64x128xi32>
      %max3A_701 = arith.maximumf %min3A_697, %max3A_650 : vector<64x128xf32>
      %gt3A_702 = arith.cmpf ogt, %min3A_697, %max3A_650 : vector<64x128xf32>
      %select_n3A_703 = arith.select %gt3A_702, %select_n3A_700, %select_n3A_652 : vector<64x128xi1>, vector<64x128xi32>
      %sub3A_704 = arith.constant 1 : i32
      %sub3A_705 = arith.subi %sub3A_704, %rem3A_2 : i32
      %get3A_706 = arith.index_cast %sub3A_705 : i32 to index
      %get3A_707 = arith.constant 0 : index
      %get3A_708 = arith.constant 1536 : index
      %get3A_709 = vector.load %arg19[%get3A_706, %get3A_707, %get3A_708] : memref<2x64x4992xf32, #tpu.memory_space<vmem>>, vector<1x64x128xf32>
      %get3A_710 = vector.shape_cast %get3A_709 : vector<1x64x128xf32> to vector<64x128xf32>
      %mul3A_711 = arith.constant 4992 : i32
      %mul3A_712 = arith.muli %sub3A_16, %mul3A_711 : i32
      %add3A_713 = arith.constant 1536 : i32
      %add3A_714 = arith.addi %mul3A_712, %add3A_713 : i32
      %broadcast_in_dim3A_715 = vector.broadcast %add3A_714 : i32 to vector<64x128xi32>
      %max3A_716 = arith.maximumf %max3A_665, %get3A_710 : vector<64x128xf32>
      %max3A_717 = arith.maximumf %get3A_710, %max3A_666 : vector<64x128xf32>
      %min3A_718 = arith.minimumf %get3A_710, %max3A_666 : vector<64x128xf32>
      %gt3A_719 = arith.cmpf ogt, %get3A_710, %max3A_666 : vector<64x128xf32>
      %select_n3A_720 = arith.select %gt3A_719, %broadcast_in_dim3A_715, %select_n3A_669 : vector<64x128xi1>, vector<64x128xi32>
      %select_n3A_721 = arith.select %gt3A_719, %select_n3A_669, %broadcast_in_dim3A_715 : vector<64x128xi1>, vector<64x128xi32>
      %max3A_722 = arith.maximumf %min3A_718, %max3A_671 : vector<64x128xf32>
      %min3A_723 = arith.minimumf %min3A_718, %max3A_671 : vector<64x128xf32>
      %gt3A_724 = arith.cmpf ogt, %min3A_718, %max3A_671 : vector<64x128xf32>
      %select_n3A_725 = arith.select %gt3A_724, %select_n3A_721, %select_n3A_674 : vector<64x128xi1>, vector<64x128xi32>
      %select_n3A_726 = arith.select %gt3A_724, %select_n3A_674, %select_n3A_721 : vector<64x128xi1>, vector<64x128xi32>
      %max3A_727 = arith.maximumf %min3A_723, %max3A_676 : vector<64x128xf32>
      %min3A_728 = arith.minimumf %min3A_723, %max3A_676 : vector<64x128xf32>
      %gt3A_729 = arith.cmpf ogt, %min3A_723, %max3A_676 : vector<64x128xf32>
      %select_n3A_730 = arith.select %gt3A_729, %select_n3A_726, %select_n3A_679 : vector<64x128xi1>, vector<64x128xi32>
      %select_n3A_731 = arith.select %gt3A_729, %select_n3A_679, %select_n3A_726 : vector<64x128xi1>, vector<64x128xi32>
      %max3A_732 = arith.maximumf %min3A_728, %max3A_681 : vector<64x128xf32>
      %min3A_733 = arith.minimumf %min3A_728, %max3A_681 : vector<64x128xf32>
      %gt3A_734 = arith.cmpf ogt, %min3A_728, %max3A_681 : vector<64x128xf32>
      %select_n3A_735 = arith.select %gt3A_734, %select_n3A_731, %select_n3A_684 : vector<64x128xi1>, vector<64x128xi32>
      %select_n3A_736 = arith.select %gt3A_734, %select_n3A_684, %select_n3A_731 : vector<64x128xi1>, vector<64x128xi32>
      %max3A_737 = arith.maximumf %min3A_733, %max3A_686 : vector<64x128xf32>
      %min3A_738 = arith.minimumf %min3A_733, %max3A_686 : vector<64x128xf32>
      %gt3A_739 = arith.cmpf ogt, %min3A_733, %max3A_686 : vector<64x128xf32>
      %select_n3A_740 = arith.select %gt3A_739, %select_n3A_736, %select_n3A_689 : vector<64x128xi1>, vector<64x128xi32>
      %select_n3A_741 = arith.select %gt3A_739, %select_n3A_689, %select_n3A_736 : vector<64x128xi1>, vector<64x128xi32>
      %max3A_742 = arith.maximumf %min3A_738, %max3A_691 : vector<64x128xf32>
      %min3A_743 = arith.minimumf %min3A_738, %max3A_691 : vector<64x128xf32>
      %gt3A_744 = arith.cmpf ogt, %min3A_738, %max3A_691 : vector<64x128xf32>
      %select_n3A_745 = arith.select %gt3A_744, %select_n3A_741, %select_n3A_694 : vector<64x128xi1>, vector<64x128xi32>
      %select_n3A_746 = arith.select %gt3A_744, %select_n3A_694, %select_n3A_741 : vector<64x128xi1>, vector<64x128xi32>
      %max3A_747 = arith.maximumf %min3A_743, %max3A_696 : vector<64x128xf32>
      %min3A_748 = arith.minimumf %min3A_743, %max3A_696 : vector<64x128xf32>
      %gt3A_749 = arith.cmpf ogt, %min3A_743, %max3A_696 : vector<64x128xf32>
      %select_n3A_750 = arith.select %gt3A_749, %select_n3A_746, %select_n3A_699 : vector<64x128xi1>, vector<64x128xi32>
      %select_n3A_751 = arith.select %gt3A_749, %select_n3A_699, %select_n3A_746 : vector<64x128xi1>, vector<64x128xi32>
      %max3A_752 = arith.maximumf %min3A_748, %max3A_701 : vector<64x128xf32>
      %gt3A_753 = arith.cmpf ogt, %min3A_748, %max3A_701 : vector<64x128xf32>
      %select_n3A_754 = arith.select %gt3A_753, %select_n3A_751, %select_n3A_703 : vector<64x128xi1>, vector<64x128xi32>
      %sub3A_755 = arith.constant 1 : i32
      %sub3A_756 = arith.subi %sub3A_755, %rem3A_2 : i32
      %get3A_757 = arith.index_cast %sub3A_756 : i32 to index
      %get3A_758 = arith.constant 0 : index
      %get3A_759 = arith.constant 1664 : index
      %get3A_760 = vector.load %arg19[%get3A_757, %get3A_758, %get3A_759] : memref<2x64x4992xf32, #tpu.memory_space<vmem>>, vector<1x64x128xf32>
      %get3A_761 = vector.shape_cast %get3A_760 : vector<1x64x128xf32> to vector<64x128xf32>
      %mul3A_762 = arith.constant 4992 : i32
      %mul3A_763 = arith.muli %sub3A_16, %mul3A_762 : i32
      %add3A_764 = arith.constant 1664 : i32
      %add3A_765 = arith.addi %mul3A_763, %add3A_764 : i32
      %broadcast_in_dim3A_766 = vector.broadcast %add3A_765 : i32 to vector<64x128xi32>
      %max3A_767 = arith.maximumf %max3A_716, %get3A_761 : vector<64x128xf32>
      %max3A_768 = arith.maximumf %get3A_761, %max3A_717 : vector<64x128xf32>
      %min3A_769 = arith.minimumf %get3A_761, %max3A_717 : vector<64x128xf32>
      %gt3A_770 = arith.cmpf ogt, %get3A_761, %max3A_717 : vector<64x128xf32>
      %select_n3A_771 = arith.select %gt3A_770, %broadcast_in_dim3A_766, %select_n3A_720 : vector<64x128xi1>, vector<64x128xi32>
      %select_n3A_772 = arith.select %gt3A_770, %select_n3A_720, %broadcast_in_dim3A_766 : vector<64x128xi1>, vector<64x128xi32>
      %max3A_773 = arith.maximumf %min3A_769, %max3A_722 : vector<64x128xf32>
      %min3A_774 = arith.minimumf %min3A_769, %max3A_722 : vector<64x128xf32>
      %gt3A_775 = arith.cmpf ogt, %min3A_769, %max3A_722 : vector<64x128xf32>
      %select_n3A_776 = arith.select %gt3A_775, %select_n3A_772, %select_n3A_725 : vector<64x128xi1>, vector<64x128xi32>
      %select_n3A_777 = arith.select %gt3A_775, %select_n3A_725, %select_n3A_772 : vector<64x128xi1>, vector<64x128xi32>
      %max3A_778 = arith.maximumf %min3A_774, %max3A_727 : vector<64x128xf32>
      %min3A_779 = arith.minimumf %min3A_774, %max3A_727 : vector<64x128xf32>
      %gt3A_780 = arith.cmpf ogt, %min3A_774, %max3A_727 : vector<64x128xf32>
      %select_n3A_781 = arith.select %gt3A_780, %select_n3A_777, %select_n3A_730 : vector<64x128xi1>, vector<64x128xi32>
      %select_n3A_782 = arith.select %gt3A_780, %select_n3A_730, %select_n3A_777 : vector<64x128xi1>, vector<64x128xi32>
      %max3A_783 = arith.maximumf %min3A_779, %max3A_732 : vector<64x128xf32>
      %min3A_784 = arith.minimumf %min3A_779, %max3A_732 : vector<64x128xf32>
      %gt3A_785 = arith.cmpf ogt, %min3A_779, %max3A_732 : vector<64x128xf32>
      %select_n3A_786 = arith.select %gt3A_785, %select_n3A_782, %select_n3A_735 : vector<64x128xi1>, vector<64x128xi32>
      %select_n3A_787 = arith.select %gt3A_785, %select_n3A_735, %select_n3A_782 : vector<64x128xi1>, vector<64x128xi32>
      %max3A_788 = arith.maximumf %min3A_784, %max3A_737 : vector<64x128xf32>
      %min3A_789 = arith.minimumf %min3A_784, %max3A_737 : vector<64x128xf32>
      %gt3A_790 = arith.cmpf ogt, %min3A_784, %max3A_737 : vector<64x128xf32>
      %select_n3A_791 = arith.select %gt3A_790, %select_n3A_787, %select_n3A_740 : vector<64x128xi1>, vector<64x128xi32>
      %select_n3A_792 = arith.select %gt3A_790, %select_n3A_740, %select_n3A_787 : vector<64x128xi1>, vector<64x128xi32>
      %max3A_793 = arith.maximumf %min3A_789, %max3A_742 : vector<64x128xf32>
      %min3A_794 = arith.minimumf %min3A_789, %max3A_742 : vector<64x128xf32>
      %gt3A_795 = arith.cmpf ogt, %min3A_789, %max3A_742 : vector<64x128xf32>
      %select_n3A_796 = arith.select %gt3A_795, %select_n3A_792, %select_n3A_745 : vector<64x128xi1>, vector<64x128xi32>
      %select_n3A_797 = arith.select %gt3A_795, %select_n3A_745, %select_n3A_792 : vector<64x128xi1>, vector<64x128xi32>
      %max3A_798 = arith.maximumf %min3A_794, %max3A_747 : vector<64x128xf32>
      %min3A_799 = arith.minimumf %min3A_794, %max3A_747 : vector<64x128xf32>
      %gt3A_800 = arith.cmpf ogt, %min3A_794, %max3A_747 : vector<64x128xf32>
      %select_n3A_801 = arith.select %gt3A_800, %select_n3A_797, %select_n3A_750 : vector<64x128xi1>, vector<64x128xi32>
      %select_n3A_802 = arith.select %gt3A_800, %select_n3A_750, %select_n3A_797 : vector<64x128xi1>, vector<64x128xi32>
      %max3A_803 = arith.maximumf %min3A_799, %max3A_752 : vector<64x128xf32>
      %gt3A_804 = arith.cmpf ogt, %min3A_799, %max3A_752 : vector<64x128xf32>
      %select_n3A_805 = arith.select %gt3A_804, %select_n3A_802, %select_n3A_754 : vector<64x128xi1>, vector<64x128xi32>
      %sub3A_806 = arith.constant 1 : i32
      %sub3A_807 = arith.subi %sub3A_806, %rem3A_2 : i32
      %get3A_808 = arith.index_cast %sub3A_807 : i32 to index
      %get3A_809 = arith.constant 0 : index
      %get3A_810 = arith.constant 1792 : index
      %get3A_811 = vector.load %arg19[%get3A_808, %get3A_809, %get3A_810] : memref<2x64x4992xf32, #tpu.memory_space<vmem>>, vector<1x64x128xf32>
      %get3A_812 = vector.shape_cast %get3A_811 : vector<1x64x128xf32> to vector<64x128xf32>
      %mul3A_813 = arith.constant 4992 : i32
      %mul3A_814 = arith.muli %sub3A_16, %mul3A_813 : i32
      %add3A_815 = arith.constant 1792 : i32
      %add3A_816 = arith.addi %mul3A_814, %add3A_815 : i32
      %broadcast_in_dim3A_817 = vector.broadcast %add3A_816 : i32 to vector<64x128xi32>
      %max3A_818 = arith.maximumf %max3A_767, %get3A_812 : vector<64x128xf32>
      %max3A_819 = arith.maximumf %get3A_812, %max3A_768 : vector<64x128xf32>
      %min3A_820 = arith.minimumf %get3A_812, %max3A_768 : vector<64x128xf32>
      %gt3A_821 = arith.cmpf ogt, %get3A_812, %max3A_768 : vector<64x128xf32>
      %select_n3A_822 = arith.select %gt3A_821, %broadcast_in_dim3A_817, %select_n3A_771 : vector<64x128xi1>, vector<64x128xi32>
      %select_n3A_823 = arith.select %gt3A_821, %select_n3A_771, %broadcast_in_dim3A_817 : vector<64x128xi1>, vector<64x128xi32>
      %max3A_824 = arith.maximumf %min3A_820, %max3A_773 : vector<64x128xf32>
      %min3A_825 = arith.minimumf %min3A_820, %max3A_773 : vector<64x128xf32>
      %gt3A_826 = arith.cmpf ogt, %min3A_820, %max3A_773 : vector<64x128xf32>
      %select_n3A_827 = arith.select %gt3A_826, %select_n3A_823, %select_n3A_776 : vector<64x128xi1>, vector<64x128xi32>
      %select_n3A_828 = arith.select %gt3A_826, %select_n3A_776, %select_n3A_823 : vector<64x128xi1>, vector<64x128xi32>
      %max3A_829 = arith.maximumf %min3A_825, %max3A_778 : vector<64x128xf32>
      %min3A_830 = arith.minimumf %min3A_825, %max3A_778 : vector<64x128xf32>
      %gt3A_831 = arith.cmpf ogt, %min3A_825, %max3A_778 : vector<64x128xf32>
      %select_n3A_832 = arith.select %gt3A_831, %select_n3A_828, %select_n3A_781 : vector<64x128xi1>, vector<64x128xi32>
      %select_n3A_833 = arith.select %gt3A_831, %select_n3A_781, %select_n3A_828 : vector<64x128xi1>, vector<64x128xi32>
      %max3A_834 = arith.maximumf %min3A_830, %max3A_783 : vector<64x128xf32>
      %min3A_835 = arith.minimumf %min3A_830, %max3A_783 : vector<64x128xf32>
      %gt3A_836 = arith.cmpf ogt, %min3A_830, %max3A_783 : vector<64x128xf32>
      %select_n3A_837 = arith.select %gt3A_836, %select_n3A_833, %select_n3A_786 : vector<64x128xi1>, vector<64x128xi32>
      %select_n3A_838 = arith.select %gt3A_836, %select_n3A_786, %select_n3A_833 : vector<64x128xi1>, vector<64x128xi32>
      %max3A_839 = arith.maximumf %min3A_835, %max3A_788 : vector<64x128xf32>
      %min3A_840 = arith.minimumf %min3A_835, %max3A_788 : vector<64x128xf32>
      %gt3A_841 = arith.cmpf ogt, %min3A_835, %max3A_788 : vector<64x128xf32>
      %select_n3A_842 = arith.select %gt3A_841, %select_n3A_838, %select_n3A_791 : vector<64x128xi1>, vector<64x128xi32>
      %select_n3A_843 = arith.select %gt3A_841, %select_n3A_791, %select_n3A_838 : vector<64x128xi1>, vector<64x128xi32>
      %max3A_844 = arith.maximumf %min3A_840, %max3A_793 : vector<64x128xf32>
      %min3A_845 = arith.minimumf %min3A_840, %max3A_793 : vector<64x128xf32>
      %gt3A_846 = arith.cmpf ogt, %min3A_840, %max3A_793 : vector<64x128xf32>
      %select_n3A_847 = arith.select %gt3A_846, %select_n3A_843, %select_n3A_796 : vector<64x128xi1>, vector<64x128xi32>
      %select_n3A_848 = arith.select %gt3A_846, %select_n3A_796, %select_n3A_843 : vector<64x128xi1>, vector<64x128xi32>
      %max3A_849 = arith.maximumf %min3A_845, %max3A_798 : vector<64x128xf32>
      %min3A_850 = arith.minimumf %min3A_845, %max3A_798 : vector<64x128xf32>
      %gt3A_851 = arith.cmpf ogt, %min3A_845, %max3A_798 : vector<64x128xf32>
      %select_n3A_852 = arith.select %gt3A_851, %select_n3A_848, %select_n3A_801 : vector<64x128xi1>, vector<64x128xi32>
      %select_n3A_853 = arith.select %gt3A_851, %select_n3A_801, %select_n3A_848 : vector<64x128xi1>, vector<64x128xi32>
      %max3A_854 = arith.maximumf %min3A_850, %max3A_803 : vector<64x128xf32>
      %gt3A_855 = arith.cmpf ogt, %min3A_850, %max3A_803 : vector<64x128xf32>
      %select_n3A_856 = arith.select %gt3A_855, %select_n3A_853, %select_n3A_805 : vector<64x128xi1>, vector<64x128xi32>
      %sub3A_857 = arith.constant 1 : i32
      %sub3A_858 = arith.subi %sub3A_857, %rem3A_2 : i32
      %get3A_859 = arith.index_cast %sub3A_858 : i32 to index
      %get3A_860 = arith.constant 0 : index
      %get3A_861 = arith.constant 1920 : index
      %get3A_862 = vector.load %arg19[%get3A_859, %get3A_860, %get3A_861] : memref<2x64x4992xf32, #tpu.memory_space<vmem>>, vector<1x64x128xf32>
      %get3A_863 = vector.shape_cast %get3A_862 : vector<1x64x128xf32> to vector<64x128xf32>
      %mul3A_864 = arith.constant 4992 : i32
      %mul3A_865 = arith.muli %sub3A_16, %mul3A_864 : i32
      %add3A_866 = arith.constant 1920 : i32
      %add3A_867 = arith.addi %mul3A_865, %add3A_866 : i32
      %broadcast_in_dim3A_868 = vector.broadcast %add3A_867 : i32 to vector<64x128xi32>
      %max3A_869 = arith.maximumf %max3A_818, %get3A_863 : vector<64x128xf32>
      %max3A_870 = arith.maximumf %get3A_863, %max3A_819 : vector<64x128xf32>
      %min3A_871 = arith.minimumf %get3A_863, %max3A_819 : vector<64x128xf32>
      %gt3A_872 = arith.cmpf ogt, %get3A_863, %max3A_819 : vector<64x128xf32>
      %select_n3A_873 = arith.select %gt3A_872, %broadcast_in_dim3A_868, %select_n3A_822 : vector<64x128xi1>, vector<64x128xi32>
      %select_n3A_874 = arith.select %gt3A_872, %select_n3A_822, %broadcast_in_dim3A_868 : vector<64x128xi1>, vector<64x128xi32>
      %max3A_875 = arith.maximumf %min3A_871, %max3A_824 : vector<64x128xf32>
      %min3A_876 = arith.minimumf %min3A_871, %max3A_824 : vector<64x128xf32>
      %gt3A_877 = arith.cmpf ogt, %min3A_871, %max3A_824 : vector<64x128xf32>
      %select_n3A_878 = arith.select %gt3A_877, %select_n3A_874, %select_n3A_827 : vector<64x128xi1>, vector<64x128xi32>
      %select_n3A_879 = arith.select %gt3A_877, %select_n3A_827, %select_n3A_874 : vector<64x128xi1>, vector<64x128xi32>
      %max3A_880 = arith.maximumf %min3A_876, %max3A_829 : vector<64x128xf32>
      %min3A_881 = arith.minimumf %min3A_876, %max3A_829 : vector<64x128xf32>
      %gt3A_882 = arith.cmpf ogt, %min3A_876, %max3A_829 : vector<64x128xf32>
      %select_n3A_883 = arith.select %gt3A_882, %select_n3A_879, %select_n3A_832 : vector<64x128xi1>, vector<64x128xi32>
      %select_n3A_884 = arith.select %gt3A_882, %select_n3A_832, %select_n3A_879 : vector<64x128xi1>, vector<64x128xi32>
      %max3A_885 = arith.maximumf %min3A_881, %max3A_834 : vector<64x128xf32>
      %min3A_886 = arith.minimumf %min3A_881, %max3A_834 : vector<64x128xf32>
      %gt3A_887 = arith.cmpf ogt, %min3A_881, %max3A_834 : vector<64x128xf32>
      %select_n3A_888 = arith.select %gt3A_887, %select_n3A_884, %select_n3A_837 : vector<64x128xi1>, vector<64x128xi32>
      %select_n3A_889 = arith.select %gt3A_887, %select_n3A_837, %select_n3A_884 : vector<64x128xi1>, vector<64x128xi32>
      %max3A_890 = arith.maximumf %min3A_886, %max3A_839 : vector<64x128xf32>
      %min3A_891 = arith.minimumf %min3A_886, %max3A_839 : vector<64x128xf32>
      %gt3A_892 = arith.cmpf ogt, %min3A_886, %max3A_839 : vector<64x128xf32>
      %select_n3A_893 = arith.select %gt3A_892, %select_n3A_889, %select_n3A_842 : vector<64x128xi1>, vector<64x128xi32>
      %select_n3A_894 = arith.select %gt3A_892, %select_n3A_842, %select_n3A_889 : vector<64x128xi1>, vector<64x128xi32>
      %max3A_895 = arith.maximumf %min3A_891, %max3A_844 : vector<64x128xf32>
      %min3A_896 = arith.minimumf %min3A_891, %max3A_844 : vector<64x128xf32>
      %gt3A_897 = arith.cmpf ogt, %min3A_891, %max3A_844 : vector<64x128xf32>
      %select_n3A_898 = arith.select %gt3A_897, %select_n3A_894, %select_n3A_847 : vector<64x128xi1>, vector<64x128xi32>
      %select_n3A_899 = arith.select %gt3A_897, %select_n3A_847, %select_n3A_894 : vector<64x128xi1>, vector<64x128xi32>
      %max3A_900 = arith.maximumf %min3A_896, %max3A_849 : vector<64x128xf32>
      %min3A_901 = arith.minimumf %min3A_896, %max3A_849 : vector<64x128xf32>
      %gt3A_902 = arith.cmpf ogt, %min3A_896, %max3A_849 : vector<64x128xf32>
      %select_n3A_903 = arith.select %gt3A_902, %select_n3A_899, %select_n3A_852 : vector<64x128xi1>, vector<64x128xi32>
      %select_n3A_904 = arith.select %gt3A_902, %select_n3A_852, %select_n3A_899 : vector<64x128xi1>, vector<64x128xi32>
      %max3A_905 = arith.maximumf %min3A_901, %max3A_854 : vector<64x128xf32>
      %gt3A_906 = arith.cmpf ogt, %min3A_901, %max3A_854 : vector<64x128xf32>
      %select_n3A_907 = arith.select %gt3A_906, %select_n3A_904, %select_n3A_856 : vector<64x128xi1>, vector<64x128xi32>
      %sub3A_908 = arith.constant 1 : i32
      %sub3A_909 = arith.subi %sub3A_908, %rem3A_2 : i32
      %get3A_910 = arith.index_cast %sub3A_909 : i32 to index
      %get3A_911 = arith.constant 0 : index
      %get3A_912 = arith.constant 2048 : index
      %get3A_913 = vector.load %arg19[%get3A_910, %get3A_911, %get3A_912] : memref<2x64x4992xf32, #tpu.memory_space<vmem>>, vector<1x64x128xf32>
      %get3A_914 = vector.shape_cast %get3A_913 : vector<1x64x128xf32> to vector<64x128xf32>
      %mul3A_915 = arith.constant 4992 : i32
      %mul3A_916 = arith.muli %sub3A_16, %mul3A_915 : i32
      %add3A_917 = arith.constant 2048 : i32
      %add3A_918 = arith.addi %mul3A_916, %add3A_917 : i32
      %broadcast_in_dim3A_919 = vector.broadcast %add3A_918 : i32 to vector<64x128xi32>
      %max3A_920 = arith.maximumf %max3A_869, %get3A_914 : vector<64x128xf32>
      %max3A_921 = arith.maximumf %get3A_914, %max3A_870 : vector<64x128xf32>
      %min3A_922 = arith.minimumf %get3A_914, %max3A_870 : vector<64x128xf32>
      %gt3A_923 = arith.cmpf ogt, %get3A_914, %max3A_870 : vector<64x128xf32>
      %select_n3A_924 = arith.select %gt3A_923, %broadcast_in_dim3A_919, %select_n3A_873 : vector<64x128xi1>, vector<64x128xi32>
      %select_n3A_925 = arith.select %gt3A_923, %select_n3A_873, %broadcast_in_dim3A_919 : vector<64x128xi1>, vector<64x128xi32>
      %max3A_926 = arith.maximumf %min3A_922, %max3A_875 : vector<64x128xf32>
      %min3A_927 = arith.minimumf %min3A_922, %max3A_875 : vector<64x128xf32>
      %gt3A_928 = arith.cmpf ogt, %min3A_922, %max3A_875 : vector<64x128xf32>
      %select_n3A_929 = arith.select %gt3A_928, %select_n3A_925, %select_n3A_878 : vector<64x128xi1>, vector<64x128xi32>
      %select_n3A_930 = arith.select %gt3A_928, %select_n3A_878, %select_n3A_925 : vector<64x128xi1>, vector<64x128xi32>
      %max3A_931 = arith.maximumf %min3A_927, %max3A_880 : vector<64x128xf32>
      %min3A_932 = arith.minimumf %min3A_927, %max3A_880 : vector<64x128xf32>
      %gt3A_933 = arith.cmpf ogt, %min3A_927, %max3A_880 : vector<64x128xf32>
      %select_n3A_934 = arith.select %gt3A_933, %select_n3A_930, %select_n3A_883 : vector<64x128xi1>, vector<64x128xi32>
      %select_n3A_935 = arith.select %gt3A_933, %select_n3A_883, %select_n3A_930 : vector<64x128xi1>, vector<64x128xi32>
      %max3A_936 = arith.maximumf %min3A_932, %max3A_885 : vector<64x128xf32>
      %min3A_937 = arith.minimumf %min3A_932, %max3A_885 : vector<64x128xf32>
      %gt3A_938 = arith.cmpf ogt, %min3A_932, %max3A_885 : vector<64x128xf32>
      %select_n3A_939 = arith.select %gt3A_938, %select_n3A_935, %select_n3A_888 : vector<64x128xi1>, vector<64x128xi32>
      %select_n3A_940 = arith.select %gt3A_938, %select_n3A_888, %select_n3A_935 : vector<64x128xi1>, vector<64x128xi32>
      %max3A_941 = arith.maximumf %min3A_937, %max3A_890 : vector<64x128xf32>
      %min3A_942 = arith.minimumf %min3A_937, %max3A_890 : vector<64x128xf32>
      %gt3A_943 = arith.cmpf ogt, %min3A_937, %max3A_890 : vector<64x128xf32>
      %select_n3A_944 = arith.select %gt3A_943, %select_n3A_940, %select_n3A_893 : vector<64x128xi1>, vector<64x128xi32>
      %select_n3A_945 = arith.select %gt3A_943, %select_n3A_893, %select_n3A_940 : vector<64x128xi1>, vector<64x128xi32>
      %max3A_946 = arith.maximumf %min3A_942, %max3A_895 : vector<64x128xf32>
      %min3A_947 = arith.minimumf %min3A_942, %max3A_895 : vector<64x128xf32>
      %gt3A_948 = arith.cmpf ogt, %min3A_942, %max3A_895 : vector<64x128xf32>
      %select_n3A_949 = arith.select %gt3A_948, %select_n3A_945, %select_n3A_898 : vector<64x128xi1>, vector<64x128xi32>
      %select_n3A_950 = arith.select %gt3A_948, %select_n3A_898, %select_n3A_945 : vector<64x128xi1>, vector<64x128xi32>
      %max3A_951 = arith.maximumf %min3A_947, %max3A_900 : vector<64x128xf32>
      %min3A_952 = arith.minimumf %min3A_947, %max3A_900 : vector<64x128xf32>
      %gt3A_953 = arith.cmpf ogt, %min3A_947, %max3A_900 : vector<64x128xf32>
      %select_n3A_954 = arith.select %gt3A_953, %select_n3A_950, %select_n3A_903 : vector<64x128xi1>, vector<64x128xi32>
      %select_n3A_955 = arith.select %gt3A_953, %select_n3A_903, %select_n3A_950 : vector<64x128xi1>, vector<64x128xi32>
      %max3A_956 = arith.maximumf %min3A_952, %max3A_905 : vector<64x128xf32>
      %gt3A_957 = arith.cmpf ogt, %min3A_952, %max3A_905 : vector<64x128xf32>
      %select_n3A_958 = arith.select %gt3A_957, %select_n3A_955, %select_n3A_907 : vector<64x128xi1>, vector<64x128xi32>
      %sub3A_959 = arith.constant 1 : i32
      %sub3A_960 = arith.subi %sub3A_959, %rem3A_2 : i32
      %get3A_961 = arith.index_cast %sub3A_960 : i32 to index
      %get3A_962 = arith.constant 0 : index
      %get3A_963 = arith.constant 2176 : index
      %get3A_964 = vector.load %arg19[%get3A_961, %get3A_962, %get3A_963] : memref<2x64x4992xf32, #tpu.memory_space<vmem>>, vector<1x64x128xf32>
      %get3A_965 = vector.shape_cast %get3A_964 : vector<1x64x128xf32> to vector<64x128xf32>
      %mul3A_966 = arith.constant 4992 : i32
      %mul3A_967 = arith.muli %sub3A_16, %mul3A_966 : i32
      %add3A_968 = arith.constant 2176 : i32
      %add3A_969 = arith.addi %mul3A_967, %add3A_968 : i32
      %broadcast_in_dim3A_970 = vector.broadcast %add3A_969 : i32 to vector<64x128xi32>
      %max3A_971 = arith.maximumf %max3A_920, %get3A_965 : vector<64x128xf32>
      %max3A_972 = arith.maximumf %get3A_965, %max3A_921 : vector<64x128xf32>
      %min3A_973 = arith.minimumf %get3A_965, %max3A_921 : vector<64x128xf32>
      %gt3A_974 = arith.cmpf ogt, %get3A_965, %max3A_921 : vector<64x128xf32>
      %select_n3A_975 = arith.select %gt3A_974, %broadcast_in_dim3A_970, %select_n3A_924 : vector<64x128xi1>, vector<64x128xi32>
      %select_n3A_976 = arith.select %gt3A_974, %select_n3A_924, %broadcast_in_dim3A_970 : vector<64x128xi1>, vector<64x128xi32>
      %max3A_977 = arith.maximumf %min3A_973, %max3A_926 : vector<64x128xf32>
      %min3A_978 = arith.minimumf %min3A_973, %max3A_926 : vector<64x128xf32>
      %gt3A_979 = arith.cmpf ogt, %min3A_973, %max3A_926 : vector<64x128xf32>
      %select_n3A_980 = arith.select %gt3A_979, %select_n3A_976, %select_n3A_929 : vector<64x128xi1>, vector<64x128xi32>
      %select_n3A_981 = arith.select %gt3A_979, %select_n3A_929, %select_n3A_976 : vector<64x128xi1>, vector<64x128xi32>
      %max3A_982 = arith.maximumf %min3A_978, %max3A_931 : vector<64x128xf32>
      %min3A_983 = arith.minimumf %min3A_978, %max3A_931 : vector<64x128xf32>
      %gt3A_984 = arith.cmpf ogt, %min3A_978, %max3A_931 : vector<64x128xf32>
      %select_n3A_985 = arith.select %gt3A_984, %select_n3A_981, %select_n3A_934 : vector<64x128xi1>, vector<64x128xi32>
      %select_n3A_986 = arith.select %gt3A_984, %select_n3A_934, %select_n3A_981 : vector<64x128xi1>, vector<64x128xi32>
      %max3A_987 = arith.maximumf %min3A_983, %max3A_936 : vector<64x128xf32>
      %min3A_988 = arith.minimumf %min3A_983, %max3A_936 : vector<64x128xf32>
      %gt3A_989 = arith.cmpf ogt, %min3A_983, %max3A_936 : vector<64x128xf32>
      %select_n3A_990 = arith.select %gt3A_989, %select_n3A_986, %select_n3A_939 : vector<64x128xi1>, vector<64x128xi32>
      %select_n3A_991 = arith.select %gt3A_989, %select_n3A_939, %select_n3A_986 : vector<64x128xi1>, vector<64x128xi32>
      %max3A_992 = arith.maximumf %min3A_988, %max3A_941 : vector<64x128xf32>
      %min3A_993 = arith.minimumf %min3A_988, %max3A_941 : vector<64x128xf32>
      %gt3A_994 = arith.cmpf ogt, %min3A_988, %max3A_941 : vector<64x128xf32>
      %select_n3A_995 = arith.select %gt3A_994, %select_n3A_991, %select_n3A_944 : vector<64x128xi1>, vector<64x128xi32>
      %select_n3A_996 = arith.select %gt3A_994, %select_n3A_944, %select_n3A_991 : vector<64x128xi1>, vector<64x128xi32>
      %max3A_997 = arith.maximumf %min3A_993, %max3A_946 : vector<64x128xf32>
      %min3A_998 = arith.minimumf %min3A_993, %max3A_946 : vector<64x128xf32>
      %gt3A_999 = arith.cmpf ogt, %min3A_993, %max3A_946 : vector<64x128xf32>
      %select_n3A_1000 = arith.select %gt3A_999, %select_n3A_996, %select_n3A_949 : vector<64x128xi1>, vector<64x128xi32>
      %select_n3A_1001 = arith.select %gt3A_999, %select_n3A_949, %select_n3A_996 : vector<64x128xi1>, vector<64x128xi32>
      %max3A_1002 = arith.maximumf %min3A_998, %max3A_951 : vector<64x128xf32>
      %min3A_1003 = arith.minimumf %min3A_998, %max3A_951 : vector<64x128xf32>
      %gt3A_1004 = arith.cmpf ogt, %min3A_998, %max3A_951 : vector<64x128xf32>
      %select_n3A_1005 = arith.select %gt3A_1004, %select_n3A_1001, %select_n3A_954 : vector<64x128xi1>, vector<64x128xi32>
      %select_n3A_1006 = arith.select %gt3A_1004, %select_n3A_954, %select_n3A_1001 : vector<64x128xi1>, vector<64x128xi32>
      %max3A_1007 = arith.maximumf %min3A_1003, %max3A_956 : vector<64x128xf32>
      %gt3A_1008 = arith.cmpf ogt, %min3A_1003, %max3A_956 : vector<64x128xf32>
      %select_n3A_1009 = arith.select %gt3A_1008, %select_n3A_1006, %select_n3A_958 : vector<64x128xi1>, vector<64x128xi32>
      %sub3A_1010 = arith.constant 1 : i32
      %sub3A_1011 = arith.subi %sub3A_1010, %rem3A_2 : i32
      %get3A_1012 = arith.index_cast %sub3A_1011 : i32 to index
      %get3A_1013 = arith.constant 0 : index
      %get3A_1014 = arith.constant 2304 : index
      %get3A_1015 = vector.load %arg19[%get3A_1012, %get3A_1013, %get3A_1014] : memref<2x64x4992xf32, #tpu.memory_space<vmem>>, vector<1x64x128xf32>
      %get3A_1016 = vector.shape_cast %get3A_1015 : vector<1x64x128xf32> to vector<64x128xf32>
      %mul3A_1017 = arith.constant 4992 : i32
      %mul3A_1018 = arith.muli %sub3A_16, %mul3A_1017 : i32
      %add3A_1019 = arith.constant 2304 : i32
      %add3A_1020 = arith.addi %mul3A_1018, %add3A_1019 : i32
      %broadcast_in_dim3A_1021 = vector.broadcast %add3A_1020 : i32 to vector<64x128xi32>
      %max3A_1022 = arith.maximumf %max3A_971, %get3A_1016 : vector<64x128xf32>
      %max3A_1023 = arith.maximumf %get3A_1016, %max3A_972 : vector<64x128xf32>
      %min3A_1024 = arith.minimumf %get3A_1016, %max3A_972 : vector<64x128xf32>
      %gt3A_1025 = arith.cmpf ogt, %get3A_1016, %max3A_972 : vector<64x128xf32>
      %select_n3A_1026 = arith.select %gt3A_1025, %broadcast_in_dim3A_1021, %select_n3A_975 : vector<64x128xi1>, vector<64x128xi32>
      %select_n3A_1027 = arith.select %gt3A_1025, %select_n3A_975, %broadcast_in_dim3A_1021 : vector<64x128xi1>, vector<64x128xi32>
      %max3A_1028 = arith.maximumf %min3A_1024, %max3A_977 : vector<64x128xf32>
      %min3A_1029 = arith.minimumf %min3A_1024, %max3A_977 : vector<64x128xf32>
      %gt3A_1030 = arith.cmpf ogt, %min3A_1024, %max3A_977 : vector<64x128xf32>
      %select_n3A_1031 = arith.select %gt3A_1030, %select_n3A_1027, %select_n3A_980 : vector<64x128xi1>, vector<64x128xi32>
      %select_n3A_1032 = arith.select %gt3A_1030, %select_n3A_980, %select_n3A_1027 : vector<64x128xi1>, vector<64x128xi32>
      %max3A_1033 = arith.maximumf %min3A_1029, %max3A_982 : vector<64x128xf32>
      %min3A_1034 = arith.minimumf %min3A_1029, %max3A_982 : vector<64x128xf32>
      %gt3A_1035 = arith.cmpf ogt, %min3A_1029, %max3A_982 : vector<64x128xf32>
      %select_n3A_1036 = arith.select %gt3A_1035, %select_n3A_1032, %select_n3A_985 : vector<64x128xi1>, vector<64x128xi32>
      %select_n3A_1037 = arith.select %gt3A_1035, %select_n3A_985, %select_n3A_1032 : vector<64x128xi1>, vector<64x128xi32>
      %max3A_1038 = arith.maximumf %min3A_1034, %max3A_987 : vector<64x128xf32>
      %min3A_1039 = arith.minimumf %min3A_1034, %max3A_987 : vector<64x128xf32>
      %gt3A_1040 = arith.cmpf ogt, %min3A_1034, %max3A_987 : vector<64x128xf32>
      %select_n3A_1041 = arith.select %gt3A_1040, %select_n3A_1037, %select_n3A_990 : vector<64x128xi1>, vector<64x128xi32>
      %select_n3A_1042 = arith.select %gt3A_1040, %select_n3A_990, %select_n3A_1037 : vector<64x128xi1>, vector<64x128xi32>
      %max3A_1043 = arith.maximumf %min3A_1039, %max3A_992 : vector<64x128xf32>
      %min3A_1044 = arith.minimumf %min3A_1039, %max3A_992 : vector<64x128xf32>
      %gt3A_1045 = arith.cmpf ogt, %min3A_1039, %max3A_992 : vector<64x128xf32>
      %select_n3A_1046 = arith.select %gt3A_1045, %select_n3A_1042, %select_n3A_995 : vector<64x128xi1>, vector<64x128xi32>
      %select_n3A_1047 = arith.select %gt3A_1045, %select_n3A_995, %select_n3A_1042 : vector<64x128xi1>, vector<64x128xi32>
      %max3A_1048 = arith.maximumf %min3A_1044, %max3A_997 : vector<64x128xf32>
      %min3A_1049 = arith.minimumf %min3A_1044, %max3A_997 : vector<64x128xf32>
      %gt3A_1050 = arith.cmpf ogt, %min3A_1044, %max3A_997 : vector<64x128xf32>
      %select_n3A_1051 = arith.select %gt3A_1050, %select_n3A_1047, %select_n3A_1000 : vector<64x128xi1>, vector<64x128xi32>
      %select_n3A_1052 = arith.select %gt3A_1050, %select_n3A_1000, %select_n3A_1047 : vector<64x128xi1>, vector<64x128xi32>
      %max3A_1053 = arith.maximumf %min3A_1049, %max3A_1002 : vector<64x128xf32>
      %min3A_1054 = arith.minimumf %min3A_1049, %max3A_1002 : vector<64x128xf32>
      %gt3A_1055 = arith.cmpf ogt, %min3A_1049, %max3A_1002 : vector<64x128xf32>
      %select_n3A_1056 = arith.select %gt3A_1055, %select_n3A_1052, %select_n3A_1005 : vector<64x128xi1>, vector<64x128xi32>
      %select_n3A_1057 = arith.select %gt3A_1055, %select_n3A_1005, %select_n3A_1052 : vector<64x128xi1>, vector<64x128xi32>
      %max3A_1058 = arith.maximumf %min3A_1054, %max3A_1007 : vector<64x128xf32>
      %gt3A_1059 = arith.cmpf ogt, %min3A_1054, %max3A_1007 : vector<64x128xf32>
      %select_n3A_1060 = arith.select %gt3A_1059, %select_n3A_1057, %select_n3A_1009 : vector<64x128xi1>, vector<64x128xi32>
      %sub3A_1061 = arith.constant 1 : i32
      %sub3A_1062 = arith.subi %sub3A_1061, %rem3A_2 : i32
      %get3A_1063 = arith.index_cast %sub3A_1062 : i32 to index
      %get3A_1064 = arith.constant 0 : index
      %get3A_1065 = arith.constant 2432 : index
      %get3A_1066 = vector.load %arg19[%get3A_1063, %get3A_1064, %get3A_1065] : memref<2x64x4992xf32, #tpu.memory_space<vmem>>, vector<1x64x128xf32>
      %get3A_1067 = vector.shape_cast %get3A_1066 : vector<1x64x128xf32> to vector<64x128xf32>
      %mul3A_1068 = arith.constant 4992 : i32
      %mul3A_1069 = arith.muli %sub3A_16, %mul3A_1068 : i32
      %add3A_1070 = arith.constant 2432 : i32
      %add3A_1071 = arith.addi %mul3A_1069, %add3A_1070 : i32
      %broadcast_in_dim3A_1072 = vector.broadcast %add3A_1071 : i32 to vector<64x128xi32>
      %max3A_1073 = arith.maximumf %max3A_1022, %get3A_1067 : vector<64x128xf32>
      %max3A_1074 = arith.maximumf %get3A_1067, %max3A_1023 : vector<64x128xf32>
      %min3A_1075 = arith.minimumf %get3A_1067, %max3A_1023 : vector<64x128xf32>
      %gt3A_1076 = arith.cmpf ogt, %get3A_1067, %max3A_1023 : vector<64x128xf32>
      %select_n3A_1077 = arith.select %gt3A_1076, %broadcast_in_dim3A_1072, %select_n3A_1026 : vector<64x128xi1>, vector<64x128xi32>
      %select_n3A_1078 = arith.select %gt3A_1076, %select_n3A_1026, %broadcast_in_dim3A_1072 : vector<64x128xi1>, vector<64x128xi32>
      %max3A_1079 = arith.maximumf %min3A_1075, %max3A_1028 : vector<64x128xf32>
      %min3A_1080 = arith.minimumf %min3A_1075, %max3A_1028 : vector<64x128xf32>
      %gt3A_1081 = arith.cmpf ogt, %min3A_1075, %max3A_1028 : vector<64x128xf32>
      %select_n3A_1082 = arith.select %gt3A_1081, %select_n3A_1078, %select_n3A_1031 : vector<64x128xi1>, vector<64x128xi32>
      %select_n3A_1083 = arith.select %gt3A_1081, %select_n3A_1031, %select_n3A_1078 : vector<64x128xi1>, vector<64x128xi32>
      %max3A_1084 = arith.maximumf %min3A_1080, %max3A_1033 : vector<64x128xf32>
      %min3A_1085 = arith.minimumf %min3A_1080, %max3A_1033 : vector<64x128xf32>
      %gt3A_1086 = arith.cmpf ogt, %min3A_1080, %max3A_1033 : vector<64x128xf32>
      %select_n3A_1087 = arith.select %gt3A_1086, %select_n3A_1083, %select_n3A_1036 : vector<64x128xi1>, vector<64x128xi32>
      %select_n3A_1088 = arith.select %gt3A_1086, %select_n3A_1036, %select_n3A_1083 : vector<64x128xi1>, vector<64x128xi32>
      %max3A_1089 = arith.maximumf %min3A_1085, %max3A_1038 : vector<64x128xf32>
      %min3A_1090 = arith.minimumf %min3A_1085, %max3A_1038 : vector<64x128xf32>
      %gt3A_1091 = arith.cmpf ogt, %min3A_1085, %max3A_1038 : vector<64x128xf32>
      %select_n3A_1092 = arith.select %gt3A_1091, %select_n3A_1088, %select_n3A_1041 : vector<64x128xi1>, vector<64x128xi32>
      %select_n3A_1093 = arith.select %gt3A_1091, %select_n3A_1041, %select_n3A_1088 : vector<64x128xi1>, vector<64x128xi32>
      %max3A_1094 = arith.maximumf %min3A_1090, %max3A_1043 : vector<64x128xf32>
      %min3A_1095 = arith.minimumf %min3A_1090, %max3A_1043 : vector<64x128xf32>
      %gt3A_1096 = arith.cmpf ogt, %min3A_1090, %max3A_1043 : vector<64x128xf32>
      %select_n3A_1097 = arith.select %gt3A_1096, %select_n3A_1093, %select_n3A_1046 : vector<64x128xi1>, vector<64x128xi32>
      %select_n3A_1098 = arith.select %gt3A_1096, %select_n3A_1046, %select_n3A_1093 : vector<64x128xi1>, vector<64x128xi32>
      %max3A_1099 = arith.maximumf %min3A_1095, %max3A_1048 : vector<64x128xf32>
      %min3A_1100 = arith.minimumf %min3A_1095, %max3A_1048 : vector<64x128xf32>
      %gt3A_1101 = arith.cmpf ogt, %min3A_1095, %max3A_1048 : vector<64x128xf32>
      %select_n3A_1102 = arith.select %gt3A_1101, %select_n3A_1098, %select_n3A_1051 : vector<64x128xi1>, vector<64x128xi32>
      %select_n3A_1103 = arith.select %gt3A_1101, %select_n3A_1051, %select_n3A_1098 : vector<64x128xi1>, vector<64x128xi32>
      %max3A_1104 = arith.maximumf %min3A_1100, %max3A_1053 : vector<64x128xf32>
      %min3A_1105 = arith.minimumf %min3A_1100, %max3A_1053 : vector<64x128xf32>
      %gt3A_1106 = arith.cmpf ogt, %min3A_1100, %max3A_1053 : vector<64x128xf32>
      %select_n3A_1107 = arith.select %gt3A_1106, %select_n3A_1103, %select_n3A_1056 : vector<64x128xi1>, vector<64x128xi32>
      %select_n3A_1108 = arith.select %gt3A_1106, %select_n3A_1056, %select_n3A_1103 : vector<64x128xi1>, vector<64x128xi32>
      %max3A_1109 = arith.maximumf %min3A_1105, %max3A_1058 : vector<64x128xf32>
      %gt3A_1110 = arith.cmpf ogt, %min3A_1105, %max3A_1058 : vector<64x128xf32>
      %select_n3A_1111 = arith.select %gt3A_1110, %select_n3A_1108, %select_n3A_1060 : vector<64x128xi1>, vector<64x128xi32>
      %sub3A_1112 = arith.constant 1 : i32
      %sub3A_1113 = arith.subi %sub3A_1112, %rem3A_2 : i32
      %get3A_1114 = arith.index_cast %sub3A_1113 : i32 to index
      %get3A_1115 = arith.constant 0 : index
      %get3A_1116 = arith.constant 2560 : index
      %get3A_1117 = vector.load %arg19[%get3A_1114, %get3A_1115, %get3A_1116] : memref<2x64x4992xf32, #tpu.memory_space<vmem>>, vector<1x64x128xf32>
      %get3A_1118 = vector.shape_cast %get3A_1117 : vector<1x64x128xf32> to vector<64x128xf32>
      %mul3A_1119 = arith.constant 4992 : i32
      %mul3A_1120 = arith.muli %sub3A_16, %mul3A_1119 : i32
      %add3A_1121 = arith.constant 2560 : i32
      %add3A_1122 = arith.addi %mul3A_1120, %add3A_1121 : i32
      %broadcast_in_dim3A_1123 = vector.broadcast %add3A_1122 : i32 to vector<64x128xi32>
      %max3A_1124 = arith.maximumf %max3A_1073, %get3A_1118 : vector<64x128xf32>
      %max3A_1125 = arith.maximumf %get3A_1118, %max3A_1074 : vector<64x128xf32>
      %min3A_1126 = arith.minimumf %get3A_1118, %max3A_1074 : vector<64x128xf32>
      %gt3A_1127 = arith.cmpf ogt, %get3A_1118, %max3A_1074 : vector<64x128xf32>
      %select_n3A_1128 = arith.select %gt3A_1127, %broadcast_in_dim3A_1123, %select_n3A_1077 : vector<64x128xi1>, vector<64x128xi32>
      %select_n3A_1129 = arith.select %gt3A_1127, %select_n3A_1077, %broadcast_in_dim3A_1123 : vector<64x128xi1>, vector<64x128xi32>
      %max3A_1130 = arith.maximumf %min3A_1126, %max3A_1079 : vector<64x128xf32>
      %min3A_1131 = arith.minimumf %min3A_1126, %max3A_1079 : vector<64x128xf32>
      %gt3A_1132 = arith.cmpf ogt, %min3A_1126, %max3A_1079 : vector<64x128xf32>
      %select_n3A_1133 = arith.select %gt3A_1132, %select_n3A_1129, %select_n3A_1082 : vector<64x128xi1>, vector<64x128xi32>
      %select_n3A_1134 = arith.select %gt3A_1132, %select_n3A_1082, %select_n3A_1129 : vector<64x128xi1>, vector<64x128xi32>
      %max3A_1135 = arith.maximumf %min3A_1131, %max3A_1084 : vector<64x128xf32>
      %min3A_1136 = arith.minimumf %min3A_1131, %max3A_1084 : vector<64x128xf32>
      %gt3A_1137 = arith.cmpf ogt, %min3A_1131, %max3A_1084 : vector<64x128xf32>
      %select_n3A_1138 = arith.select %gt3A_1137, %select_n3A_1134, %select_n3A_1087 : vector<64x128xi1>, vector<64x128xi32>
      %select_n3A_1139 = arith.select %gt3A_1137, %select_n3A_1087, %select_n3A_1134 : vector<64x128xi1>, vector<64x128xi32>
      %max3A_1140 = arith.maximumf %min3A_1136, %max3A_1089 : vector<64x128xf32>
      %min3A_1141 = arith.minimumf %min3A_1136, %max3A_1089 : vector<64x128xf32>
      %gt3A_1142 = arith.cmpf ogt, %min3A_1136, %max3A_1089 : vector<64x128xf32>
      %select_n3A_1143 = arith.select %gt3A_1142, %select_n3A_1139, %select_n3A_1092 : vector<64x128xi1>, vector<64x128xi32>
      %select_n3A_1144 = arith.select %gt3A_1142, %select_n3A_1092, %select_n3A_1139 : vector<64x128xi1>, vector<64x128xi32>
      %max3A_1145 = arith.maximumf %min3A_1141, %max3A_1094 : vector<64x128xf32>
      %min3A_1146 = arith.minimumf %min3A_1141, %max3A_1094 : vector<64x128xf32>
      %gt3A_1147 = arith.cmpf ogt, %min3A_1141, %max3A_1094 : vector<64x128xf32>
      %select_n3A_1148 = arith.select %gt3A_1147, %select_n3A_1144, %select_n3A_1097 : vector<64x128xi1>, vector<64x128xi32>
      %select_n3A_1149 = arith.select %gt3A_1147, %select_n3A_1097, %select_n3A_1144 : vector<64x128xi1>, vector<64x128xi32>
      %max3A_1150 = arith.maximumf %min3A_1146, %max3A_1099 : vector<64x128xf32>
      %min3A_1151 = arith.minimumf %min3A_1146, %max3A_1099 : vector<64x128xf32>
      %gt3A_1152 = arith.cmpf ogt, %min3A_1146, %max3A_1099 : vector<64x128xf32>
      %select_n3A_1153 = arith.select %gt3A_1152, %select_n3A_1149, %select_n3A_1102 : vector<64x128xi1>, vector<64x128xi32>
      %select_n3A_1154 = arith.select %gt3A_1152, %select_n3A_1102, %select_n3A_1149 : vector<64x128xi1>, vector<64x128xi32>
      %max3A_1155 = arith.maximumf %min3A_1151, %max3A_1104 : vector<64x128xf32>
      %min3A_1156 = arith.minimumf %min3A_1151, %max3A_1104 : vector<64x128xf32>
      %gt3A_1157 = arith.cmpf ogt, %min3A_1151, %max3A_1104 : vector<64x128xf32>
      %select_n3A_1158 = arith.select %gt3A_1157, %select_n3A_1154, %select_n3A_1107 : vector<64x128xi1>, vector<64x128xi32>
      %select_n3A_1159 = arith.select %gt3A_1157, %select_n3A_1107, %select_n3A_1154 : vector<64x128xi1>, vector<64x128xi32>
      %max3A_1160 = arith.maximumf %min3A_1156, %max3A_1109 : vector<64x128xf32>
      %gt3A_1161 = arith.cmpf ogt, %min3A_1156, %max3A_1109 : vector<64x128xf32>
      %select_n3A_1162 = arith.select %gt3A_1161, %select_n3A_1159, %select_n3A_1111 : vector<64x128xi1>, vector<64x128xi32>
      %sub3A_1163 = arith.constant 1 : i32
      %sub3A_1164 = arith.subi %sub3A_1163, %rem3A_2 : i32
      %get3A_1165 = arith.index_cast %sub3A_1164 : i32 to index
      %get3A_1166 = arith.constant 0 : index
      %get3A_1167 = arith.constant 2688 : index
      %get3A_1168 = vector.load %arg19[%get3A_1165, %get3A_1166, %get3A_1167] : memref<2x64x4992xf32, #tpu.memory_space<vmem>>, vector<1x64x128xf32>
      %get3A_1169 = vector.shape_cast %get3A_1168 : vector<1x64x128xf32> to vector<64x128xf32>
      %mul3A_1170 = arith.constant 4992 : i32
      %mul3A_1171 = arith.muli %sub3A_16, %mul3A_1170 : i32
      %add3A_1172 = arith.constant 2688 : i32
      %add3A_1173 = arith.addi %mul3A_1171, %add3A_1172 : i32
      %broadcast_in_dim3A_1174 = vector.broadcast %add3A_1173 : i32 to vector<64x128xi32>
      %max3A_1175 = arith.maximumf %max3A_1124, %get3A_1169 : vector<64x128xf32>
      %max3A_1176 = arith.maximumf %get3A_1169, %max3A_1125 : vector<64x128xf32>
      %min3A_1177 = arith.minimumf %get3A_1169, %max3A_1125 : vector<64x128xf32>
      %gt3A_1178 = arith.cmpf ogt, %get3A_1169, %max3A_1125 : vector<64x128xf32>
      %select_n3A_1179 = arith.select %gt3A_1178, %broadcast_in_dim3A_1174, %select_n3A_1128 : vector<64x128xi1>, vector<64x128xi32>
      %select_n3A_1180 = arith.select %gt3A_1178, %select_n3A_1128, %broadcast_in_dim3A_1174 : vector<64x128xi1>, vector<64x128xi32>
      %max3A_1181 = arith.maximumf %min3A_1177, %max3A_1130 : vector<64x128xf32>
      %min3A_1182 = arith.minimumf %min3A_1177, %max3A_1130 : vector<64x128xf32>
      %gt3A_1183 = arith.cmpf ogt, %min3A_1177, %max3A_1130 : vector<64x128xf32>
      %select_n3A_1184 = arith.select %gt3A_1183, %select_n3A_1180, %select_n3A_1133 : vector<64x128xi1>, vector<64x128xi32>
      %select_n3A_1185 = arith.select %gt3A_1183, %select_n3A_1133, %select_n3A_1180 : vector<64x128xi1>, vector<64x128xi32>
      %max3A_1186 = arith.maximumf %min3A_1182, %max3A_1135 : vector<64x128xf32>
      %min3A_1187 = arith.minimumf %min3A_1182, %max3A_1135 : vector<64x128xf32>
      %gt3A_1188 = arith.cmpf ogt, %min3A_1182, %max3A_1135 : vector<64x128xf32>
      %select_n3A_1189 = arith.select %gt3A_1188, %select_n3A_1185, %select_n3A_1138 : vector<64x128xi1>, vector<64x128xi32>
      %select_n3A_1190 = arith.select %gt3A_1188, %select_n3A_1138, %select_n3A_1185 : vector<64x128xi1>, vector<64x128xi32>
      %max3A_1191 = arith.maximumf %min3A_1187, %max3A_1140 : vector<64x128xf32>
      %min3A_1192 = arith.minimumf %min3A_1187, %max3A_1140 : vector<64x128xf32>
      %gt3A_1193 = arith.cmpf ogt, %min3A_1187, %max3A_1140 : vector<64x128xf32>
      %select_n3A_1194 = arith.select %gt3A_1193, %select_n3A_1190, %select_n3A_1143 : vector<64x128xi1>, vector<64x128xi32>
      %select_n3A_1195 = arith.select %gt3A_1193, %select_n3A_1143, %select_n3A_1190 : vector<64x128xi1>, vector<64x128xi32>
      %max3A_1196 = arith.maximumf %min3A_1192, %max3A_1145 : vector<64x128xf32>
      %min3A_1197 = arith.minimumf %min3A_1192, %max3A_1145 : vector<64x128xf32>
      %gt3A_1198 = arith.cmpf ogt, %min3A_1192, %max3A_1145 : vector<64x128xf32>
      %select_n3A_1199 = arith.select %gt3A_1198, %select_n3A_1195, %select_n3A_1148 : vector<64x128xi1>, vector<64x128xi32>
      %select_n3A_1200 = arith.select %gt3A_1198, %select_n3A_1148, %select_n3A_1195 : vector<64x128xi1>, vector<64x128xi32>
      %max3A_1201 = arith.maximumf %min3A_1197, %max3A_1150 : vector<64x128xf32>
      %min3A_1202 = arith.minimumf %min3A_1197, %max3A_1150 : vector<64x128xf32>
      %gt3A_1203 = arith.cmpf ogt, %min3A_1197, %max3A_1150 : vector<64x128xf32>
      %select_n3A_1204 = arith.select %gt3A_1203, %select_n3A_1200, %select_n3A_1153 : vector<64x128xi1>, vector<64x128xi32>
      %select_n3A_1205 = arith.select %gt3A_1203, %select_n3A_1153, %select_n3A_1200 : vector<64x128xi1>, vector<64x128xi32>
      %max3A_1206 = arith.maximumf %min3A_1202, %max3A_1155 : vector<64x128xf32>
      %min3A_1207 = arith.minimumf %min3A_1202, %max3A_1155 : vector<64x128xf32>
      %gt3A_1208 = arith.cmpf ogt, %min3A_1202, %max3A_1155 : vector<64x128xf32>
      %select_n3A_1209 = arith.select %gt3A_1208, %select_n3A_1205, %select_n3A_1158 : vector<64x128xi1>, vector<64x128xi32>
      %select_n3A_1210 = arith.select %gt3A_1208, %select_n3A_1158, %select_n3A_1205 : vector<64x128xi1>, vector<64x128xi32>
      %max3A_1211 = arith.maximumf %min3A_1207, %max3A_1160 : vector<64x128xf32>
      %gt3A_1212 = arith.cmpf ogt, %min3A_1207, %max3A_1160 : vector<64x128xf32>
      %select_n3A_1213 = arith.select %gt3A_1212, %select_n3A_1210, %select_n3A_1162 : vector<64x128xi1>, vector<64x128xi32>
      %sub3A_1214 = arith.constant 1 : i32
      %sub3A_1215 = arith.subi %sub3A_1214, %rem3A_2 : i32
      %get3A_1216 = arith.index_cast %sub3A_1215 : i32 to index
      %get3A_1217 = arith.constant 0 : index
      %get3A_1218 = arith.constant 2816 : index
      %get3A_1219 = vector.load %arg19[%get3A_1216, %get3A_1217, %get3A_1218] : memref<2x64x4992xf32, #tpu.memory_space<vmem>>, vector<1x64x128xf32>
      %get3A_1220 = vector.shape_cast %get3A_1219 : vector<1x64x128xf32> to vector<64x128xf32>
      %mul3A_1221 = arith.constant 4992 : i32
      %mul3A_1222 = arith.muli %sub3A_16, %mul3A_1221 : i32
      %add3A_1223 = arith.constant 2816 : i32
      %add3A_1224 = arith.addi %mul3A_1222, %add3A_1223 : i32
      %broadcast_in_dim3A_1225 = vector.broadcast %add3A_1224 : i32 to vector<64x128xi32>
      %max3A_1226 = arith.maximumf %max3A_1175, %get3A_1220 : vector<64x128xf32>
      %max3A_1227 = arith.maximumf %get3A_1220, %max3A_1176 : vector<64x128xf32>
      %min3A_1228 = arith.minimumf %get3A_1220, %max3A_1176 : vector<64x128xf32>
      %gt3A_1229 = arith.cmpf ogt, %get3A_1220, %max3A_1176 : vector<64x128xf32>
      %select_n3A_1230 = arith.select %gt3A_1229, %broadcast_in_dim3A_1225, %select_n3A_1179 : vector<64x128xi1>, vector<64x128xi32>
      %select_n3A_1231 = arith.select %gt3A_1229, %select_n3A_1179, %broadcast_in_dim3A_1225 : vector<64x128xi1>, vector<64x128xi32>
      %max3A_1232 = arith.maximumf %min3A_1228, %max3A_1181 : vector<64x128xf32>
      %min3A_1233 = arith.minimumf %min3A_1228, %max3A_1181 : vector<64x128xf32>
      %gt3A_1234 = arith.cmpf ogt, %min3A_1228, %max3A_1181 : vector<64x128xf32>
      %select_n3A_1235 = arith.select %gt3A_1234, %select_n3A_1231, %select_n3A_1184 : vector<64x128xi1>, vector<64x128xi32>
      %select_n3A_1236 = arith.select %gt3A_1234, %select_n3A_1184, %select_n3A_1231 : vector<64x128xi1>, vector<64x128xi32>
      %max3A_1237 = arith.maximumf %min3A_1233, %max3A_1186 : vector<64x128xf32>
      %min3A_1238 = arith.minimumf %min3A_1233, %max3A_1186 : vector<64x128xf32>
      %gt3A_1239 = arith.cmpf ogt, %min3A_1233, %max3A_1186 : vector<64x128xf32>
      %select_n3A_1240 = arith.select %gt3A_1239, %select_n3A_1236, %select_n3A_1189 : vector<64x128xi1>, vector<64x128xi32>
      %select_n3A_1241 = arith.select %gt3A_1239, %select_n3A_1189, %select_n3A_1236 : vector<64x128xi1>, vector<64x128xi32>
      %max3A_1242 = arith.maximumf %min3A_1238, %max3A_1191 : vector<64x128xf32>
      %min3A_1243 = arith.minimumf %min3A_1238, %max3A_1191 : vector<64x128xf32>
      %gt3A_1244 = arith.cmpf ogt, %min3A_1238, %max3A_1191 : vector<64x128xf32>
      %select_n3A_1245 = arith.select %gt3A_1244, %select_n3A_1241, %select_n3A_1194 : vector<64x128xi1>, vector<64x128xi32>
      %select_n3A_1246 = arith.select %gt3A_1244, %select_n3A_1194, %select_n3A_1241 : vector<64x128xi1>, vector<64x128xi32>
      %max3A_1247 = arith.maximumf %min3A_1243, %max3A_1196 : vector<64x128xf32>
      %min3A_1248 = arith.minimumf %min3A_1243, %max3A_1196 : vector<64x128xf32>
      %gt3A_1249 = arith.cmpf ogt, %min3A_1243, %max3A_1196 : vector<64x128xf32>
      %select_n3A_1250 = arith.select %gt3A_1249, %select_n3A_1246, %select_n3A_1199 : vector<64x128xi1>, vector<64x128xi32>
      %select_n3A_1251 = arith.select %gt3A_1249, %select_n3A_1199, %select_n3A_1246 : vector<64x128xi1>, vector<64x128xi32>
      %max3A_1252 = arith.maximumf %min3A_1248, %max3A_1201 : vector<64x128xf32>
      %min3A_1253 = arith.minimumf %min3A_1248, %max3A_1201 : vector<64x128xf32>
      %gt3A_1254 = arith.cmpf ogt, %min3A_1248, %max3A_1201 : vector<64x128xf32>
      %select_n3A_1255 = arith.select %gt3A_1254, %select_n3A_1251, %select_n3A_1204 : vector<64x128xi1>, vector<64x128xi32>
      %select_n3A_1256 = arith.select %gt3A_1254, %select_n3A_1204, %select_n3A_1251 : vector<64x128xi1>, vector<64x128xi32>
      %max3A_1257 = arith.maximumf %min3A_1253, %max3A_1206 : vector<64x128xf32>
      %min3A_1258 = arith.minimumf %min3A_1253, %max3A_1206 : vector<64x128xf32>
      %gt3A_1259 = arith.cmpf ogt, %min3A_1253, %max3A_1206 : vector<64x128xf32>
      %select_n3A_1260 = arith.select %gt3A_1259, %select_n3A_1256, %select_n3A_1209 : vector<64x128xi1>, vector<64x128xi32>
      %select_n3A_1261 = arith.select %gt3A_1259, %select_n3A_1209, %select_n3A_1256 : vector<64x128xi1>, vector<64x128xi32>
      %max3A_1262 = arith.maximumf %min3A_1258, %max3A_1211 : vector<64x128xf32>
      %gt3A_1263 = arith.cmpf ogt, %min3A_1258, %max3A_1211 : vector<64x128xf32>
      %select_n3A_1264 = arith.select %gt3A_1263, %select_n3A_1261, %select_n3A_1213 : vector<64x128xi1>, vector<64x128xi32>
      %sub3A_1265 = arith.constant 1 : i32
      %sub3A_1266 = arith.subi %sub3A_1265, %rem3A_2 : i32
      %get3A_1267 = arith.index_cast %sub3A_1266 : i32 to index
      %get3A_1268 = arith.constant 0 : index
      %get3A_1269 = arith.constant 2944 : index
      %get3A_1270 = vector.load %arg19[%get3A_1267, %get3A_1268, %get3A_1269] : memref<2x64x4992xf32, #tpu.memory_space<vmem>>, vector<1x64x128xf32>
      %get3A_1271 = vector.shape_cast %get3A_1270 : vector<1x64x128xf32> to vector<64x128xf32>
      %mul3A_1272 = arith.constant 4992 : i32
      %mul3A_1273 = arith.muli %sub3A_16, %mul3A_1272 : i32
      %add3A_1274 = arith.constant 2944 : i32
      %add3A_1275 = arith.addi %mul3A_1273, %add3A_1274 : i32
      %broadcast_in_dim3A_1276 = vector.broadcast %add3A_1275 : i32 to vector<64x128xi32>
      %max3A_1277 = arith.maximumf %max3A_1226, %get3A_1271 : vector<64x128xf32>
      %max3A_1278 = arith.maximumf %get3A_1271, %max3A_1227 : vector<64x128xf32>
      %min3A_1279 = arith.minimumf %get3A_1271, %max3A_1227 : vector<64x128xf32>
      %gt3A_1280 = arith.cmpf ogt, %get3A_1271, %max3A_1227 : vector<64x128xf32>
      %select_n3A_1281 = arith.select %gt3A_1280, %broadcast_in_dim3A_1276, %select_n3A_1230 : vector<64x128xi1>, vector<64x128xi32>
      %select_n3A_1282 = arith.select %gt3A_1280, %select_n3A_1230, %broadcast_in_dim3A_1276 : vector<64x128xi1>, vector<64x128xi32>
      %max3A_1283 = arith.maximumf %min3A_1279, %max3A_1232 : vector<64x128xf32>
      %min3A_1284 = arith.minimumf %min3A_1279, %max3A_1232 : vector<64x128xf32>
      %gt3A_1285 = arith.cmpf ogt, %min3A_1279, %max3A_1232 : vector<64x128xf32>
      %select_n3A_1286 = arith.select %gt3A_1285, %select_n3A_1282, %select_n3A_1235 : vector<64x128xi1>, vector<64x128xi32>
      %select_n3A_1287 = arith.select %gt3A_1285, %select_n3A_1235, %select_n3A_1282 : vector<64x128xi1>, vector<64x128xi32>
      %max3A_1288 = arith.maximumf %min3A_1284, %max3A_1237 : vector<64x128xf32>
      %min3A_1289 = arith.minimumf %min3A_1284, %max3A_1237 : vector<64x128xf32>
      %gt3A_1290 = arith.cmpf ogt, %min3A_1284, %max3A_1237 : vector<64x128xf32>
      %select_n3A_1291 = arith.select %gt3A_1290, %select_n3A_1287, %select_n3A_1240 : vector<64x128xi1>, vector<64x128xi32>
      %select_n3A_1292 = arith.select %gt3A_1290, %select_n3A_1240, %select_n3A_1287 : vector<64x128xi1>, vector<64x128xi32>
      %max3A_1293 = arith.maximumf %min3A_1289, %max3A_1242 : vector<64x128xf32>
      %min3A_1294 = arith.minimumf %min3A_1289, %max3A_1242 : vector<64x128xf32>
      %gt3A_1295 = arith.cmpf ogt, %min3A_1289, %max3A_1242 : vector<64x128xf32>
      %select_n3A_1296 = arith.select %gt3A_1295, %select_n3A_1292, %select_n3A_1245 : vector<64x128xi1>, vector<64x128xi32>
      %select_n3A_1297 = arith.select %gt3A_1295, %select_n3A_1245, %select_n3A_1292 : vector<64x128xi1>, vector<64x128xi32>
      %max3A_1298 = arith.maximumf %min3A_1294, %max3A_1247 : vector<64x128xf32>
      %min3A_1299 = arith.minimumf %min3A_1294, %max3A_1247 : vector<64x128xf32>
      %gt3A_1300 = arith.cmpf ogt, %min3A_1294, %max3A_1247 : vector<64x128xf32>
      %select_n3A_1301 = arith.select %gt3A_1300, %select_n3A_1297, %select_n3A_1250 : vector<64x128xi1>, vector<64x128xi32>
      %select_n3A_1302 = arith.select %gt3A_1300, %select_n3A_1250, %select_n3A_1297 : vector<64x128xi1>, vector<64x128xi32>
      %max3A_1303 = arith.maximumf %min3A_1299, %max3A_1252 : vector<64x128xf32>
      %min3A_1304 = arith.minimumf %min3A_1299, %max3A_1252 : vector<64x128xf32>
      %gt3A_1305 = arith.cmpf ogt, %min3A_1299, %max3A_1252 : vector<64x128xf32>
      %select_n3A_1306 = arith.select %gt3A_1305, %select_n3A_1302, %select_n3A_1255 : vector<64x128xi1>, vector<64x128xi32>
      %select_n3A_1307 = arith.select %gt3A_1305, %select_n3A_1255, %select_n3A_1302 : vector<64x128xi1>, vector<64x128xi32>
      %max3A_1308 = arith.maximumf %min3A_1304, %max3A_1257 : vector<64x128xf32>
      %min3A_1309 = arith.minimumf %min3A_1304, %max3A_1257 : vector<64x128xf32>
      %gt3A_1310 = arith.cmpf ogt, %min3A_1304, %max3A_1257 : vector<64x128xf32>
      %select_n3A_1311 = arith.select %gt3A_1310, %select_n3A_1307, %select_n3A_1260 : vector<64x128xi1>, vector<64x128xi32>
      %select_n3A_1312 = arith.select %gt3A_1310, %select_n3A_1260, %select_n3A_1307 : vector<64x128xi1>, vector<64x128xi32>
      %max3A_1313 = arith.maximumf %min3A_1309, %max3A_1262 : vector<64x128xf32>
      %gt3A_1314 = arith.cmpf ogt, %min3A_1309, %max3A_1262 : vector<64x128xf32>
      %select_n3A_1315 = arith.select %gt3A_1314, %select_n3A_1312, %select_n3A_1264 : vector<64x128xi1>, vector<64x128xi32>
      %sub3A_1316 = arith.constant 1 : i32
      %sub3A_1317 = arith.subi %sub3A_1316, %rem3A_2 : i32
      %get3A_1318 = arith.index_cast %sub3A_1317 : i32 to index
      %get3A_1319 = arith.constant 0 : index
      %get3A_1320 = arith.constant 3072 : index
      %get3A_1321 = vector.load %arg19[%get3A_1318, %get3A_1319, %get3A_1320] : memref<2x64x4992xf32, #tpu.memory_space<vmem>>, vector<1x64x128xf32>
      %get3A_1322 = vector.shape_cast %get3A_1321 : vector<1x64x128xf32> to vector<64x128xf32>
      %mul3A_1323 = arith.constant 4992 : i32
      %mul3A_1324 = arith.muli %sub3A_16, %mul3A_1323 : i32
      %add3A_1325 = arith.constant 3072 : i32
      %add3A_1326 = arith.addi %mul3A_1324, %add3A_1325 : i32
      %broadcast_in_dim3A_1327 = vector.broadcast %add3A_1326 : i32 to vector<64x128xi32>
      %max3A_1328 = arith.maximumf %max3A_1277, %get3A_1322 : vector<64x128xf32>
      %max3A_1329 = arith.maximumf %get3A_1322, %max3A_1278 : vector<64x128xf32>
      %min3A_1330 = arith.minimumf %get3A_1322, %max3A_1278 : vector<64x128xf32>
      %gt3A_1331 = arith.cmpf ogt, %get3A_1322, %max3A_1278 : vector<64x128xf32>
      %select_n3A_1332 = arith.select %gt3A_1331, %broadcast_in_dim3A_1327, %select_n3A_1281 : vector<64x128xi1>, vector<64x128xi32>
      %select_n3A_1333 = arith.select %gt3A_1331, %select_n3A_1281, %broadcast_in_dim3A_1327 : vector<64x128xi1>, vector<64x128xi32>
      %max3A_1334 = arith.maximumf %min3A_1330, %max3A_1283 : vector<64x128xf32>
      %min3A_1335 = arith.minimumf %min3A_1330, %max3A_1283 : vector<64x128xf32>
      %gt3A_1336 = arith.cmpf ogt, %min3A_1330, %max3A_1283 : vector<64x128xf32>
      %select_n3A_1337 = arith.select %gt3A_1336, %select_n3A_1333, %select_n3A_1286 : vector<64x128xi1>, vector<64x128xi32>
      %select_n3A_1338 = arith.select %gt3A_1336, %select_n3A_1286, %select_n3A_1333 : vector<64x128xi1>, vector<64x128xi32>
      %max3A_1339 = arith.maximumf %min3A_1335, %max3A_1288 : vector<64x128xf32>
      %min3A_1340 = arith.minimumf %min3A_1335, %max3A_1288 : vector<64x128xf32>
      %gt3A_1341 = arith.cmpf ogt, %min3A_1335, %max3A_1288 : vector<64x128xf32>
      %select_n3A_1342 = arith.select %gt3A_1341, %select_n3A_1338, %select_n3A_1291 : vector<64x128xi1>, vector<64x128xi32>
      %select_n3A_1343 = arith.select %gt3A_1341, %select_n3A_1291, %select_n3A_1338 : vector<64x128xi1>, vector<64x128xi32>
      %max3A_1344 = arith.maximumf %min3A_1340, %max3A_1293 : vector<64x128xf32>
      %min3A_1345 = arith.minimumf %min3A_1340, %max3A_1293 : vector<64x128xf32>
      %gt3A_1346 = arith.cmpf ogt, %min3A_1340, %max3A_1293 : vector<64x128xf32>
      %select_n3A_1347 = arith.select %gt3A_1346, %select_n3A_1343, %select_n3A_1296 : vector<64x128xi1>, vector<64x128xi32>
      %select_n3A_1348 = arith.select %gt3A_1346, %select_n3A_1296, %select_n3A_1343 : vector<64x128xi1>, vector<64x128xi32>
      %max3A_1349 = arith.maximumf %min3A_1345, %max3A_1298 : vector<64x128xf32>
      %min3A_1350 = arith.minimumf %min3A_1345, %max3A_1298 : vector<64x128xf32>
      %gt3A_1351 = arith.cmpf ogt, %min3A_1345, %max3A_1298 : vector<64x128xf32>
      %select_n3A_1352 = arith.select %gt3A_1351, %select_n3A_1348, %select_n3A_1301 : vector<64x128xi1>, vector<64x128xi32>
      %select_n3A_1353 = arith.select %gt3A_1351, %select_n3A_1301, %select_n3A_1348 : vector<64x128xi1>, vector<64x128xi32>
      %max3A_1354 = arith.maximumf %min3A_1350, %max3A_1303 : vector<64x128xf32>
      %min3A_1355 = arith.minimumf %min3A_1350, %max3A_1303 : vector<64x128xf32>
      %gt3A_1356 = arith.cmpf ogt, %min3A_1350, %max3A_1303 : vector<64x128xf32>
      %select_n3A_1357 = arith.select %gt3A_1356, %select_n3A_1353, %select_n3A_1306 : vector<64x128xi1>, vector<64x128xi32>
      %select_n3A_1358 = arith.select %gt3A_1356, %select_n3A_1306, %select_n3A_1353 : vector<64x128xi1>, vector<64x128xi32>
      %max3A_1359 = arith.maximumf %min3A_1355, %max3A_1308 : vector<64x128xf32>
      %min3A_1360 = arith.minimumf %min3A_1355, %max3A_1308 : vector<64x128xf32>
      %gt3A_1361 = arith.cmpf ogt, %min3A_1355, %max3A_1308 : vector<64x128xf32>
      %select_n3A_1362 = arith.select %gt3A_1361, %select_n3A_1358, %select_n3A_1311 : vector<64x128xi1>, vector<64x128xi32>
      %select_n3A_1363 = arith.select %gt3A_1361, %select_n3A_1311, %select_n3A_1358 : vector<64x128xi1>, vector<64x128xi32>
      %max3A_1364 = arith.maximumf %min3A_1360, %max3A_1313 : vector<64x128xf32>
      %gt3A_1365 = arith.cmpf ogt, %min3A_1360, %max3A_1313 : vector<64x128xf32>
      %select_n3A_1366 = arith.select %gt3A_1365, %select_n3A_1363, %select_n3A_1315 : vector<64x128xi1>, vector<64x128xi32>
      %sub3A_1367 = arith.constant 1 : i32
      %sub3A_1368 = arith.subi %sub3A_1367, %rem3A_2 : i32
      %get3A_1369 = arith.index_cast %sub3A_1368 : i32 to index
      %get3A_1370 = arith.constant 0 : index
      %get3A_1371 = arith.constant 3200 : index
      %get3A_1372 = vector.load %arg19[%get3A_1369, %get3A_1370, %get3A_1371] : memref<2x64x4992xf32, #tpu.memory_space<vmem>>, vector<1x64x128xf32>
      %get3A_1373 = vector.shape_cast %get3A_1372 : vector<1x64x128xf32> to vector<64x128xf32>
      %mul3A_1374 = arith.constant 4992 : i32
      %mul3A_1375 = arith.muli %sub3A_16, %mul3A_1374 : i32
      %add3A_1376 = arith.constant 3200 : i32
      %add3A_1377 = arith.addi %mul3A_1375, %add3A_1376 : i32
      %broadcast_in_dim3A_1378 = vector.broadcast %add3A_1377 : i32 to vector<64x128xi32>
      %max3A_1379 = arith.maximumf %max3A_1328, %get3A_1373 : vector<64x128xf32>
      %max3A_1380 = arith.maximumf %get3A_1373, %max3A_1329 : vector<64x128xf32>
      %min3A_1381 = arith.minimumf %get3A_1373, %max3A_1329 : vector<64x128xf32>
      %gt3A_1382 = arith.cmpf ogt, %get3A_1373, %max3A_1329 : vector<64x128xf32>
      %select_n3A_1383 = arith.select %gt3A_1382, %broadcast_in_dim3A_1378, %select_n3A_1332 : vector<64x128xi1>, vector<64x128xi32>
      %select_n3A_1384 = arith.select %gt3A_1382, %select_n3A_1332, %broadcast_in_dim3A_1378 : vector<64x128xi1>, vector<64x128xi32>
      %max3A_1385 = arith.maximumf %min3A_1381, %max3A_1334 : vector<64x128xf32>
      %min3A_1386 = arith.minimumf %min3A_1381, %max3A_1334 : vector<64x128xf32>
      %gt3A_1387 = arith.cmpf ogt, %min3A_1381, %max3A_1334 : vector<64x128xf32>
      %select_n3A_1388 = arith.select %gt3A_1387, %select_n3A_1384, %select_n3A_1337 : vector<64x128xi1>, vector<64x128xi32>
      %select_n3A_1389 = arith.select %gt3A_1387, %select_n3A_1337, %select_n3A_1384 : vector<64x128xi1>, vector<64x128xi32>
      %max3A_1390 = arith.maximumf %min3A_1386, %max3A_1339 : vector<64x128xf32>
      %min3A_1391 = arith.minimumf %min3A_1386, %max3A_1339 : vector<64x128xf32>
      %gt3A_1392 = arith.cmpf ogt, %min3A_1386, %max3A_1339 : vector<64x128xf32>
      %select_n3A_1393 = arith.select %gt3A_1392, %select_n3A_1389, %select_n3A_1342 : vector<64x128xi1>, vector<64x128xi32>
      %select_n3A_1394 = arith.select %gt3A_1392, %select_n3A_1342, %select_n3A_1389 : vector<64x128xi1>, vector<64x128xi32>
      %max3A_1395 = arith.maximumf %min3A_1391, %max3A_1344 : vector<64x128xf32>
      %min3A_1396 = arith.minimumf %min3A_1391, %max3A_1344 : vector<64x128xf32>
      %gt3A_1397 = arith.cmpf ogt, %min3A_1391, %max3A_1344 : vector<64x128xf32>
      %select_n3A_1398 = arith.select %gt3A_1397, %select_n3A_1394, %select_n3A_1347 : vector<64x128xi1>, vector<64x128xi32>
      %select_n3A_1399 = arith.select %gt3A_1397, %select_n3A_1347, %select_n3A_1394 : vector<64x128xi1>, vector<64x128xi32>
      %max3A_1400 = arith.maximumf %min3A_1396, %max3A_1349 : vector<64x128xf32>
      %min3A_1401 = arith.minimumf %min3A_1396, %max3A_1349 : vector<64x128xf32>
      %gt3A_1402 = arith.cmpf ogt, %min3A_1396, %max3A_1349 : vector<64x128xf32>
      %select_n3A_1403 = arith.select %gt3A_1402, %select_n3A_1399, %select_n3A_1352 : vector<64x128xi1>, vector<64x128xi32>
      %select_n3A_1404 = arith.select %gt3A_1402, %select_n3A_1352, %select_n3A_1399 : vector<64x128xi1>, vector<64x128xi32>
      %max3A_1405 = arith.maximumf %min3A_1401, %max3A_1354 : vector<64x128xf32>
      %min3A_1406 = arith.minimumf %min3A_1401, %max3A_1354 : vector<64x128xf32>
      %gt3A_1407 = arith.cmpf ogt, %min3A_1401, %max3A_1354 : vector<64x128xf32>
      %select_n3A_1408 = arith.select %gt3A_1407, %select_n3A_1404, %select_n3A_1357 : vector<64x128xi1>, vector<64x128xi32>
      %select_n3A_1409 = arith.select %gt3A_1407, %select_n3A_1357, %select_n3A_1404 : vector<64x128xi1>, vector<64x128xi32>
      %max3A_1410 = arith.maximumf %min3A_1406, %max3A_1359 : vector<64x128xf32>
      %min3A_1411 = arith.minimumf %min3A_1406, %max3A_1359 : vector<64x128xf32>
      %gt3A_1412 = arith.cmpf ogt, %min3A_1406, %max3A_1359 : vector<64x128xf32>
      %select_n3A_1413 = arith.select %gt3A_1412, %select_n3A_1409, %select_n3A_1362 : vector<64x128xi1>, vector<64x128xi32>
      %select_n3A_1414 = arith.select %gt3A_1412, %select_n3A_1362, %select_n3A_1409 : vector<64x128xi1>, vector<64x128xi32>
      %max3A_1415 = arith.maximumf %min3A_1411, %max3A_1364 : vector<64x128xf32>
      %gt3A_1416 = arith.cmpf ogt, %min3A_1411, %max3A_1364 : vector<64x128xf32>
      %select_n3A_1417 = arith.select %gt3A_1416, %select_n3A_1414, %select_n3A_1366 : vector<64x128xi1>, vector<64x128xi32>
      %sub3A_1418 = arith.constant 1 : i32
      %sub3A_1419 = arith.subi %sub3A_1418, %rem3A_2 : i32
      %get3A_1420 = arith.index_cast %sub3A_1419 : i32 to index
      %get3A_1421 = arith.constant 0 : index
      %get3A_1422 = arith.constant 3328 : index
      %get3A_1423 = vector.load %arg19[%get3A_1420, %get3A_1421, %get3A_1422] : memref<2x64x4992xf32, #tpu.memory_space<vmem>>, vector<1x64x128xf32>
      %get3A_1424 = vector.shape_cast %get3A_1423 : vector<1x64x128xf32> to vector<64x128xf32>
      %mul3A_1425 = arith.constant 4992 : i32
      %mul3A_1426 = arith.muli %sub3A_16, %mul3A_1425 : i32
      %add3A_1427 = arith.constant 3328 : i32
      %add3A_1428 = arith.addi %mul3A_1426, %add3A_1427 : i32
      %broadcast_in_dim3A_1429 = vector.broadcast %add3A_1428 : i32 to vector<64x128xi32>
      %max3A_1430 = arith.maximumf %max3A_1379, %get3A_1424 : vector<64x128xf32>
      %max3A_1431 = arith.maximumf %get3A_1424, %max3A_1380 : vector<64x128xf32>
      %min3A_1432 = arith.minimumf %get3A_1424, %max3A_1380 : vector<64x128xf32>
      %gt3A_1433 = arith.cmpf ogt, %get3A_1424, %max3A_1380 : vector<64x128xf32>
      %select_n3A_1434 = arith.select %gt3A_1433, %broadcast_in_dim3A_1429, %select_n3A_1383 : vector<64x128xi1>, vector<64x128xi32>
      %select_n3A_1435 = arith.select %gt3A_1433, %select_n3A_1383, %broadcast_in_dim3A_1429 : vector<64x128xi1>, vector<64x128xi32>
      %max3A_1436 = arith.maximumf %min3A_1432, %max3A_1385 : vector<64x128xf32>
      %min3A_1437 = arith.minimumf %min3A_1432, %max3A_1385 : vector<64x128xf32>
      %gt3A_1438 = arith.cmpf ogt, %min3A_1432, %max3A_1385 : vector<64x128xf32>
      %select_n3A_1439 = arith.select %gt3A_1438, %select_n3A_1435, %select_n3A_1388 : vector<64x128xi1>, vector<64x128xi32>
      %select_n3A_1440 = arith.select %gt3A_1438, %select_n3A_1388, %select_n3A_1435 : vector<64x128xi1>, vector<64x128xi32>
      %max3A_1441 = arith.maximumf %min3A_1437, %max3A_1390 : vector<64x128xf32>
      %min3A_1442 = arith.minimumf %min3A_1437, %max3A_1390 : vector<64x128xf32>
      %gt3A_1443 = arith.cmpf ogt, %min3A_1437, %max3A_1390 : vector<64x128xf32>
      %select_n3A_1444 = arith.select %gt3A_1443, %select_n3A_1440, %select_n3A_1393 : vector<64x128xi1>, vector<64x128xi32>
      %select_n3A_1445 = arith.select %gt3A_1443, %select_n3A_1393, %select_n3A_1440 : vector<64x128xi1>, vector<64x128xi32>
      %max3A_1446 = arith.maximumf %min3A_1442, %max3A_1395 : vector<64x128xf32>
      %min3A_1447 = arith.minimumf %min3A_1442, %max3A_1395 : vector<64x128xf32>
      %gt3A_1448 = arith.cmpf ogt, %min3A_1442, %max3A_1395 : vector<64x128xf32>
      %select_n3A_1449 = arith.select %gt3A_1448, %select_n3A_1445, %select_n3A_1398 : vector<64x128xi1>, vector<64x128xi32>
      %select_n3A_1450 = arith.select %gt3A_1448, %select_n3A_1398, %select_n3A_1445 : vector<64x128xi1>, vector<64x128xi32>
      %max3A_1451 = arith.maximumf %min3A_1447, %max3A_1400 : vector<64x128xf32>
      %min3A_1452 = arith.minimumf %min3A_1447, %max3A_1400 : vector<64x128xf32>
      %gt3A_1453 = arith.cmpf ogt, %min3A_1447, %max3A_1400 : vector<64x128xf32>
      %select_n3A_1454 = arith.select %gt3A_1453, %select_n3A_1450, %select_n3A_1403 : vector<64x128xi1>, vector<64x128xi32>
      %select_n3A_1455 = arith.select %gt3A_1453, %select_n3A_1403, %select_n3A_1450 : vector<64x128xi1>, vector<64x128xi32>
      %max3A_1456 = arith.maximumf %min3A_1452, %max3A_1405 : vector<64x128xf32>
      %min3A_1457 = arith.minimumf %min3A_1452, %max3A_1405 : vector<64x128xf32>
      %gt3A_1458 = arith.cmpf ogt, %min3A_1452, %max3A_1405 : vector<64x128xf32>
      %select_n3A_1459 = arith.select %gt3A_1458, %select_n3A_1455, %select_n3A_1408 : vector<64x128xi1>, vector<64x128xi32>
      %select_n3A_1460 = arith.select %gt3A_1458, %select_n3A_1408, %select_n3A_1455 : vector<64x128xi1>, vector<64x128xi32>
      %max3A_1461 = arith.maximumf %min3A_1457, %max3A_1410 : vector<64x128xf32>
      %min3A_1462 = arith.minimumf %min3A_1457, %max3A_1410 : vector<64x128xf32>
      %gt3A_1463 = arith.cmpf ogt, %min3A_1457, %max3A_1410 : vector<64x128xf32>
      %select_n3A_1464 = arith.select %gt3A_1463, %select_n3A_1460, %select_n3A_1413 : vector<64x128xi1>, vector<64x128xi32>
      %select_n3A_1465 = arith.select %gt3A_1463, %select_n3A_1413, %select_n3A_1460 : vector<64x128xi1>, vector<64x128xi32>
      %max3A_1466 = arith.maximumf %min3A_1462, %max3A_1415 : vector<64x128xf32>
      %gt3A_1467 = arith.cmpf ogt, %min3A_1462, %max3A_1415 : vector<64x128xf32>
      %select_n3A_1468 = arith.select %gt3A_1467, %select_n3A_1465, %select_n3A_1417 : vector<64x128xi1>, vector<64x128xi32>
      %sub3A_1469 = arith.constant 1 : i32
      %sub3A_1470 = arith.subi %sub3A_1469, %rem3A_2 : i32
      %get3A_1471 = arith.index_cast %sub3A_1470 : i32 to index
      %get3A_1472 = arith.constant 0 : index
      %get3A_1473 = arith.constant 3456 : index
      %get3A_1474 = vector.load %arg19[%get3A_1471, %get3A_1472, %get3A_1473] : memref<2x64x4992xf32, #tpu.memory_space<vmem>>, vector<1x64x128xf32>
      %get3A_1475 = vector.shape_cast %get3A_1474 : vector<1x64x128xf32> to vector<64x128xf32>
      %mul3A_1476 = arith.constant 4992 : i32
      %mul3A_1477 = arith.muli %sub3A_16, %mul3A_1476 : i32
      %add3A_1478 = arith.constant 3456 : i32
      %add3A_1479 = arith.addi %mul3A_1477, %add3A_1478 : i32
      %broadcast_in_dim3A_1480 = vector.broadcast %add3A_1479 : i32 to vector<64x128xi32>
      %max3A_1481 = arith.maximumf %max3A_1430, %get3A_1475 : vector<64x128xf32>
      %max3A_1482 = arith.maximumf %get3A_1475, %max3A_1431 : vector<64x128xf32>
      %min3A_1483 = arith.minimumf %get3A_1475, %max3A_1431 : vector<64x128xf32>
      %gt3A_1484 = arith.cmpf ogt, %get3A_1475, %max3A_1431 : vector<64x128xf32>
      %select_n3A_1485 = arith.select %gt3A_1484, %broadcast_in_dim3A_1480, %select_n3A_1434 : vector<64x128xi1>, vector<64x128xi32>
      %select_n3A_1486 = arith.select %gt3A_1484, %select_n3A_1434, %broadcast_in_dim3A_1480 : vector<64x128xi1>, vector<64x128xi32>
      %max3A_1487 = arith.maximumf %min3A_1483, %max3A_1436 : vector<64x128xf32>
      %min3A_1488 = arith.minimumf %min3A_1483, %max3A_1436 : vector<64x128xf32>
      %gt3A_1489 = arith.cmpf ogt, %min3A_1483, %max3A_1436 : vector<64x128xf32>
      %select_n3A_1490 = arith.select %gt3A_1489, %select_n3A_1486, %select_n3A_1439 : vector<64x128xi1>, vector<64x128xi32>
      %select_n3A_1491 = arith.select %gt3A_1489, %select_n3A_1439, %select_n3A_1486 : vector<64x128xi1>, vector<64x128xi32>
      %max3A_1492 = arith.maximumf %min3A_1488, %max3A_1441 : vector<64x128xf32>
      %min3A_1493 = arith.minimumf %min3A_1488, %max3A_1441 : vector<64x128xf32>
      %gt3A_1494 = arith.cmpf ogt, %min3A_1488, %max3A_1441 : vector<64x128xf32>
      %select_n3A_1495 = arith.select %gt3A_1494, %select_n3A_1491, %select_n3A_1444 : vector<64x128xi1>, vector<64x128xi32>
      %select_n3A_1496 = arith.select %gt3A_1494, %select_n3A_1444, %select_n3A_1491 : vector<64x128xi1>, vector<64x128xi32>
      %max3A_1497 = arith.maximumf %min3A_1493, %max3A_1446 : vector<64x128xf32>
      %min3A_1498 = arith.minimumf %min3A_1493, %max3A_1446 : vector<64x128xf32>
      %gt3A_1499 = arith.cmpf ogt, %min3A_1493, %max3A_1446 : vector<64x128xf32>
      %select_n3A_1500 = arith.select %gt3A_1499, %select_n3A_1496, %select_n3A_1449 : vector<64x128xi1>, vector<64x128xi32>
      %select_n3A_1501 = arith.select %gt3A_1499, %select_n3A_1449, %select_n3A_1496 : vector<64x128xi1>, vector<64x128xi32>
      %max3A_1502 = arith.maximumf %min3A_1498, %max3A_1451 : vector<64x128xf32>
      %min3A_1503 = arith.minimumf %min3A_1498, %max3A_1451 : vector<64x128xf32>
      %gt3A_1504 = arith.cmpf ogt, %min3A_1498, %max3A_1451 : vector<64x128xf32>
      %select_n3A_1505 = arith.select %gt3A_1504, %select_n3A_1501, %select_n3A_1454 : vector<64x128xi1>, vector<64x128xi32>
      %select_n3A_1506 = arith.select %gt3A_1504, %select_n3A_1454, %select_n3A_1501 : vector<64x128xi1>, vector<64x128xi32>
      %max3A_1507 = arith.maximumf %min3A_1503, %max3A_1456 : vector<64x128xf32>
      %min3A_1508 = arith.minimumf %min3A_1503, %max3A_1456 : vector<64x128xf32>
      %gt3A_1509 = arith.cmpf ogt, %min3A_1503, %max3A_1456 : vector<64x128xf32>
      %select_n3A_1510 = arith.select %gt3A_1509, %select_n3A_1506, %select_n3A_1459 : vector<64x128xi1>, vector<64x128xi32>
      %select_n3A_1511 = arith.select %gt3A_1509, %select_n3A_1459, %select_n3A_1506 : vector<64x128xi1>, vector<64x128xi32>
      %max3A_1512 = arith.maximumf %min3A_1508, %max3A_1461 : vector<64x128xf32>
      %min3A_1513 = arith.minimumf %min3A_1508, %max3A_1461 : vector<64x128xf32>
      %gt3A_1514 = arith.cmpf ogt, %min3A_1508, %max3A_1461 : vector<64x128xf32>
      %select_n3A_1515 = arith.select %gt3A_1514, %select_n3A_1511, %select_n3A_1464 : vector<64x128xi1>, vector<64x128xi32>
      %select_n3A_1516 = arith.select %gt3A_1514, %select_n3A_1464, %select_n3A_1511 : vector<64x128xi1>, vector<64x128xi32>
      %max3A_1517 = arith.maximumf %min3A_1513, %max3A_1466 : vector<64x128xf32>
      %gt3A_1518 = arith.cmpf ogt, %min3A_1513, %max3A_1466 : vector<64x128xf32>
      %select_n3A_1519 = arith.select %gt3A_1518, %select_n3A_1516, %select_n3A_1468 : vector<64x128xi1>, vector<64x128xi32>
      %sub3A_1520 = arith.constant 1 : i32
      %sub3A_1521 = arith.subi %sub3A_1520, %rem3A_2 : i32
      %get3A_1522 = arith.index_cast %sub3A_1521 : i32 to index
      %get3A_1523 = arith.constant 0 : index
      %get3A_1524 = arith.constant 3584 : index
      %get3A_1525 = vector.load %arg19[%get3A_1522, %get3A_1523, %get3A_1524] : memref<2x64x4992xf32, #tpu.memory_space<vmem>>, vector<1x64x128xf32>
      %get3A_1526 = vector.shape_cast %get3A_1525 : vector<1x64x128xf32> to vector<64x128xf32>
      %mul3A_1527 = arith.constant 4992 : i32
      %mul3A_1528 = arith.muli %sub3A_16, %mul3A_1527 : i32
      %add3A_1529 = arith.constant 3584 : i32
      %add3A_1530 = arith.addi %mul3A_1528, %add3A_1529 : i32
      %broadcast_in_dim3A_1531 = vector.broadcast %add3A_1530 : i32 to vector<64x128xi32>
      %max3A_1532 = arith.maximumf %max3A_1481, %get3A_1526 : vector<64x128xf32>
      %max3A_1533 = arith.maximumf %get3A_1526, %max3A_1482 : vector<64x128xf32>
      %min3A_1534 = arith.minimumf %get3A_1526, %max3A_1482 : vector<64x128xf32>
      %gt3A_1535 = arith.cmpf ogt, %get3A_1526, %max3A_1482 : vector<64x128xf32>
      %select_n3A_1536 = arith.select %gt3A_1535, %broadcast_in_dim3A_1531, %select_n3A_1485 : vector<64x128xi1>, vector<64x128xi32>
      %select_n3A_1537 = arith.select %gt3A_1535, %select_n3A_1485, %broadcast_in_dim3A_1531 : vector<64x128xi1>, vector<64x128xi32>
      %max3A_1538 = arith.maximumf %min3A_1534, %max3A_1487 : vector<64x128xf32>
      %min3A_1539 = arith.minimumf %min3A_1534, %max3A_1487 : vector<64x128xf32>
      %gt3A_1540 = arith.cmpf ogt, %min3A_1534, %max3A_1487 : vector<64x128xf32>
      %select_n3A_1541 = arith.select %gt3A_1540, %select_n3A_1537, %select_n3A_1490 : vector<64x128xi1>, vector<64x128xi32>
      %select_n3A_1542 = arith.select %gt3A_1540, %select_n3A_1490, %select_n3A_1537 : vector<64x128xi1>, vector<64x128xi32>
      %max3A_1543 = arith.maximumf %min3A_1539, %max3A_1492 : vector<64x128xf32>
      %min3A_1544 = arith.minimumf %min3A_1539, %max3A_1492 : vector<64x128xf32>
      %gt3A_1545 = arith.cmpf ogt, %min3A_1539, %max3A_1492 : vector<64x128xf32>
      %select_n3A_1546 = arith.select %gt3A_1545, %select_n3A_1542, %select_n3A_1495 : vector<64x128xi1>, vector<64x128xi32>
      %select_n3A_1547 = arith.select %gt3A_1545, %select_n3A_1495, %select_n3A_1542 : vector<64x128xi1>, vector<64x128xi32>
      %max3A_1548 = arith.maximumf %min3A_1544, %max3A_1497 : vector<64x128xf32>
      %min3A_1549 = arith.minimumf %min3A_1544, %max3A_1497 : vector<64x128xf32>
      %gt3A_1550 = arith.cmpf ogt, %min3A_1544, %max3A_1497 : vector<64x128xf32>
      %select_n3A_1551 = arith.select %gt3A_1550, %select_n3A_1547, %select_n3A_1500 : vector<64x128xi1>, vector<64x128xi32>
      %select_n3A_1552 = arith.select %gt3A_1550, %select_n3A_1500, %select_n3A_1547 : vector<64x128xi1>, vector<64x128xi32>
      %max3A_1553 = arith.maximumf %min3A_1549, %max3A_1502 : vector<64x128xf32>
      %min3A_1554 = arith.minimumf %min3A_1549, %max3A_1502 : vector<64x128xf32>
      %gt3A_1555 = arith.cmpf ogt, %min3A_1549, %max3A_1502 : vector<64x128xf32>
      %select_n3A_1556 = arith.select %gt3A_1555, %select_n3A_1552, %select_n3A_1505 : vector<64x128xi1>, vector<64x128xi32>
      %select_n3A_1557 = arith.select %gt3A_1555, %select_n3A_1505, %select_n3A_1552 : vector<64x128xi1>, vector<64x128xi32>
      %max3A_1558 = arith.maximumf %min3A_1554, %max3A_1507 : vector<64x128xf32>
      %min3A_1559 = arith.minimumf %min3A_1554, %max3A_1507 : vector<64x128xf32>
      %gt3A_1560 = arith.cmpf ogt, %min3A_1554, %max3A_1507 : vector<64x128xf32>
      %select_n3A_1561 = arith.select %gt3A_1560, %select_n3A_1557, %select_n3A_1510 : vector<64x128xi1>, vector<64x128xi32>
      %select_n3A_1562 = arith.select %gt3A_1560, %select_n3A_1510, %select_n3A_1557 : vector<64x128xi1>, vector<64x128xi32>
      %max3A_1563 = arith.maximumf %min3A_1559, %max3A_1512 : vector<64x128xf32>
      %min3A_1564 = arith.minimumf %min3A_1559, %max3A_1512 : vector<64x128xf32>
      %gt3A_1565 = arith.cmpf ogt, %min3A_1559, %max3A_1512 : vector<64x128xf32>
      %select_n3A_1566 = arith.select %gt3A_1565, %select_n3A_1562, %select_n3A_1515 : vector<64x128xi1>, vector<64x128xi32>
      %select_n3A_1567 = arith.select %gt3A_1565, %select_n3A_1515, %select_n3A_1562 : vector<64x128xi1>, vector<64x128xi32>
      %max3A_1568 = arith.maximumf %min3A_1564, %max3A_1517 : vector<64x128xf32>
      %gt3A_1569 = arith.cmpf ogt, %min3A_1564, %max3A_1517 : vector<64x128xf32>
      %select_n3A_1570 = arith.select %gt3A_1569, %select_n3A_1567, %select_n3A_1519 : vector<64x128xi1>, vector<64x128xi32>
      %sub3A_1571 = arith.constant 1 : i32
      %sub3A_1572 = arith.subi %sub3A_1571, %rem3A_2 : i32
      %get3A_1573 = arith.index_cast %sub3A_1572 : i32 to index
      %get3A_1574 = arith.constant 0 : index
      %get3A_1575 = arith.constant 3712 : index
      %get3A_1576 = vector.load %arg19[%get3A_1573, %get3A_1574, %get3A_1575] : memref<2x64x4992xf32, #tpu.memory_space<vmem>>, vector<1x64x128xf32>
      %get3A_1577 = vector.shape_cast %get3A_1576 : vector<1x64x128xf32> to vector<64x128xf32>
      %mul3A_1578 = arith.constant 4992 : i32
      %mul3A_1579 = arith.muli %sub3A_16, %mul3A_1578 : i32
      %add3A_1580 = arith.constant 3712 : i32
      %add3A_1581 = arith.addi %mul3A_1579, %add3A_1580 : i32
      %broadcast_in_dim3A_1582 = vector.broadcast %add3A_1581 : i32 to vector<64x128xi32>
      %max3A_1583 = arith.maximumf %max3A_1532, %get3A_1577 : vector<64x128xf32>
      %max3A_1584 = arith.maximumf %get3A_1577, %max3A_1533 : vector<64x128xf32>
      %min3A_1585 = arith.minimumf %get3A_1577, %max3A_1533 : vector<64x128xf32>
      %gt3A_1586 = arith.cmpf ogt, %get3A_1577, %max3A_1533 : vector<64x128xf32>
      %select_n3A_1587 = arith.select %gt3A_1586, %broadcast_in_dim3A_1582, %select_n3A_1536 : vector<64x128xi1>, vector<64x128xi32>
      %select_n3A_1588 = arith.select %gt3A_1586, %select_n3A_1536, %broadcast_in_dim3A_1582 : vector<64x128xi1>, vector<64x128xi32>
      %max3A_1589 = arith.maximumf %min3A_1585, %max3A_1538 : vector<64x128xf32>
      %min3A_1590 = arith.minimumf %min3A_1585, %max3A_1538 : vector<64x128xf32>
      %gt3A_1591 = arith.cmpf ogt, %min3A_1585, %max3A_1538 : vector<64x128xf32>
      %select_n3A_1592 = arith.select %gt3A_1591, %select_n3A_1588, %select_n3A_1541 : vector<64x128xi1>, vector<64x128xi32>
      %select_n3A_1593 = arith.select %gt3A_1591, %select_n3A_1541, %select_n3A_1588 : vector<64x128xi1>, vector<64x128xi32>
      %max3A_1594 = arith.maximumf %min3A_1590, %max3A_1543 : vector<64x128xf32>
      %min3A_1595 = arith.minimumf %min3A_1590, %max3A_1543 : vector<64x128xf32>
      %gt3A_1596 = arith.cmpf ogt, %min3A_1590, %max3A_1543 : vector<64x128xf32>
      %select_n3A_1597 = arith.select %gt3A_1596, %select_n3A_1593, %select_n3A_1546 : vector<64x128xi1>, vector<64x128xi32>
      %select_n3A_1598 = arith.select %gt3A_1596, %select_n3A_1546, %select_n3A_1593 : vector<64x128xi1>, vector<64x128xi32>
      %max3A_1599 = arith.maximumf %min3A_1595, %max3A_1548 : vector<64x128xf32>
      %min3A_1600 = arith.minimumf %min3A_1595, %max3A_1548 : vector<64x128xf32>
      %gt3A_1601 = arith.cmpf ogt, %min3A_1595, %max3A_1548 : vector<64x128xf32>
      %select_n3A_1602 = arith.select %gt3A_1601, %select_n3A_1598, %select_n3A_1551 : vector<64x128xi1>, vector<64x128xi32>
      %select_n3A_1603 = arith.select %gt3A_1601, %select_n3A_1551, %select_n3A_1598 : vector<64x128xi1>, vector<64x128xi32>
      %max3A_1604 = arith.maximumf %min3A_1600, %max3A_1553 : vector<64x128xf32>
      %min3A_1605 = arith.minimumf %min3A_1600, %max3A_1553 : vector<64x128xf32>
      %gt3A_1606 = arith.cmpf ogt, %min3A_1600, %max3A_1553 : vector<64x128xf32>
      %select_n3A_1607 = arith.select %gt3A_1606, %select_n3A_1603, %select_n3A_1556 : vector<64x128xi1>, vector<64x128xi32>
      %select_n3A_1608 = arith.select %gt3A_1606, %select_n3A_1556, %select_n3A_1603 : vector<64x128xi1>, vector<64x128xi32>
      %max3A_1609 = arith.maximumf %min3A_1605, %max3A_1558 : vector<64x128xf32>
      %min3A_1610 = arith.minimumf %min3A_1605, %max3A_1558 : vector<64x128xf32>
      %gt3A_1611 = arith.cmpf ogt, %min3A_1605, %max3A_1558 : vector<64x128xf32>
      %select_n3A_1612 = arith.select %gt3A_1611, %select_n3A_1608, %select_n3A_1561 : vector<64x128xi1>, vector<64x128xi32>
      %select_n3A_1613 = arith.select %gt3A_1611, %select_n3A_1561, %select_n3A_1608 : vector<64x128xi1>, vector<64x128xi32>
      %max3A_1614 = arith.maximumf %min3A_1610, %max3A_1563 : vector<64x128xf32>
      %min3A_1615 = arith.minimumf %min3A_1610, %max3A_1563 : vector<64x128xf32>
      %gt3A_1616 = arith.cmpf ogt, %min3A_1610, %max3A_1563 : vector<64x128xf32>
      %select_n3A_1617 = arith.select %gt3A_1616, %select_n3A_1613, %select_n3A_1566 : vector<64x128xi1>, vector<64x128xi32>
      %select_n3A_1618 = arith.select %gt3A_1616, %select_n3A_1566, %select_n3A_1613 : vector<64x128xi1>, vector<64x128xi32>
      %max3A_1619 = arith.maximumf %min3A_1615, %max3A_1568 : vector<64x128xf32>
      %gt3A_1620 = arith.cmpf ogt, %min3A_1615, %max3A_1568 : vector<64x128xf32>
      %select_n3A_1621 = arith.select %gt3A_1620, %select_n3A_1618, %select_n3A_1570 : vector<64x128xi1>, vector<64x128xi32>
      %sub3A_1622 = arith.constant 1 : i32
      %sub3A_1623 = arith.subi %sub3A_1622, %rem3A_2 : i32
      %get3A_1624 = arith.index_cast %sub3A_1623 : i32 to index
      %get3A_1625 = arith.constant 0 : index
      %get3A_1626 = arith.constant 3840 : index
      %get3A_1627 = vector.load %arg19[%get3A_1624, %get3A_1625, %get3A_1626] : memref<2x64x4992xf32, #tpu.memory_space<vmem>>, vector<1x64x128xf32>
      %get3A_1628 = vector.shape_cast %get3A_1627 : vector<1x64x128xf32> to vector<64x128xf32>
      %mul3A_1629 = arith.constant 4992 : i32
      %mul3A_1630 = arith.muli %sub3A_16, %mul3A_1629 : i32
      %add3A_1631 = arith.constant 3840 : i32
      %add3A_1632 = arith.addi %mul3A_1630, %add3A_1631 : i32
      %broadcast_in_dim3A_1633 = vector.broadcast %add3A_1632 : i32 to vector<64x128xi32>
      %max3A_1634 = arith.maximumf %max3A_1583, %get3A_1628 : vector<64x128xf32>
      %max3A_1635 = arith.maximumf %get3A_1628, %max3A_1584 : vector<64x128xf32>
      %min3A_1636 = arith.minimumf %get3A_1628, %max3A_1584 : vector<64x128xf32>
      %gt3A_1637 = arith.cmpf ogt, %get3A_1628, %max3A_1584 : vector<64x128xf32>
      %select_n3A_1638 = arith.select %gt3A_1637, %broadcast_in_dim3A_1633, %select_n3A_1587 : vector<64x128xi1>, vector<64x128xi32>
      %select_n3A_1639 = arith.select %gt3A_1637, %select_n3A_1587, %broadcast_in_dim3A_1633 : vector<64x128xi1>, vector<64x128xi32>
      %max3A_1640 = arith.maximumf %min3A_1636, %max3A_1589 : vector<64x128xf32>
      %min3A_1641 = arith.minimumf %min3A_1636, %max3A_1589 : vector<64x128xf32>
      %gt3A_1642 = arith.cmpf ogt, %min3A_1636, %max3A_1589 : vector<64x128xf32>
      %select_n3A_1643 = arith.select %gt3A_1642, %select_n3A_1639, %select_n3A_1592 : vector<64x128xi1>, vector<64x128xi32>
      %select_n3A_1644 = arith.select %gt3A_1642, %select_n3A_1592, %select_n3A_1639 : vector<64x128xi1>, vector<64x128xi32>
      %max3A_1645 = arith.maximumf %min3A_1641, %max3A_1594 : vector<64x128xf32>
      %min3A_1646 = arith.minimumf %min3A_1641, %max3A_1594 : vector<64x128xf32>
      %gt3A_1647 = arith.cmpf ogt, %min3A_1641, %max3A_1594 : vector<64x128xf32>
      %select_n3A_1648 = arith.select %gt3A_1647, %select_n3A_1644, %select_n3A_1597 : vector<64x128xi1>, vector<64x128xi32>
      %select_n3A_1649 = arith.select %gt3A_1647, %select_n3A_1597, %select_n3A_1644 : vector<64x128xi1>, vector<64x128xi32>
      %max3A_1650 = arith.maximumf %min3A_1646, %max3A_1599 : vector<64x128xf32>
      %min3A_1651 = arith.minimumf %min3A_1646, %max3A_1599 : vector<64x128xf32>
      %gt3A_1652 = arith.cmpf ogt, %min3A_1646, %max3A_1599 : vector<64x128xf32>
      %select_n3A_1653 = arith.select %gt3A_1652, %select_n3A_1649, %select_n3A_1602 : vector<64x128xi1>, vector<64x128xi32>
      %select_n3A_1654 = arith.select %gt3A_1652, %select_n3A_1602, %select_n3A_1649 : vector<64x128xi1>, vector<64x128xi32>
      %max3A_1655 = arith.maximumf %min3A_1651, %max3A_1604 : vector<64x128xf32>
      %min3A_1656 = arith.minimumf %min3A_1651, %max3A_1604 : vector<64x128xf32>
      %gt3A_1657 = arith.cmpf ogt, %min3A_1651, %max3A_1604 : vector<64x128xf32>
      %select_n3A_1658 = arith.select %gt3A_1657, %select_n3A_1654, %select_n3A_1607 : vector<64x128xi1>, vector<64x128xi32>
      %select_n3A_1659 = arith.select %gt3A_1657, %select_n3A_1607, %select_n3A_1654 : vector<64x128xi1>, vector<64x128xi32>
      %max3A_1660 = arith.maximumf %min3A_1656, %max3A_1609 : vector<64x128xf32>
      %min3A_1661 = arith.minimumf %min3A_1656, %max3A_1609 : vector<64x128xf32>
      %gt3A_1662 = arith.cmpf ogt, %min3A_1656, %max3A_1609 : vector<64x128xf32>
      %select_n3A_1663 = arith.select %gt3A_1662, %select_n3A_1659, %select_n3A_1612 : vector<64x128xi1>, vector<64x128xi32>
      %select_n3A_1664 = arith.select %gt3A_1662, %select_n3A_1612, %select_n3A_1659 : vector<64x128xi1>, vector<64x128xi32>
      %max3A_1665 = arith.maximumf %min3A_1661, %max3A_1614 : vector<64x128xf32>
      %min3A_1666 = arith.minimumf %min3A_1661, %max3A_1614 : vector<64x128xf32>
      %gt3A_1667 = arith.cmpf ogt, %min3A_1661, %max3A_1614 : vector<64x128xf32>
      %select_n3A_1668 = arith.select %gt3A_1667, %select_n3A_1664, %select_n3A_1617 : vector<64x128xi1>, vector<64x128xi32>
      %select_n3A_1669 = arith.select %gt3A_1667, %select_n3A_1617, %select_n3A_1664 : vector<64x128xi1>, vector<64x128xi32>
      %max3A_1670 = arith.maximumf %min3A_1666, %max3A_1619 : vector<64x128xf32>
      %gt3A_1671 = arith.cmpf ogt, %min3A_1666, %max3A_1619 : vector<64x128xf32>
      %select_n3A_1672 = arith.select %gt3A_1671, %select_n3A_1669, %select_n3A_1621 : vector<64x128xi1>, vector<64x128xi32>
      %sub3A_1673 = arith.constant 1 : i32
      %sub3A_1674 = arith.subi %sub3A_1673, %rem3A_2 : i32
      %get3A_1675 = arith.index_cast %sub3A_1674 : i32 to index
      %get3A_1676 = arith.constant 0 : index
      %get3A_1677 = arith.constant 3968 : index
      %get3A_1678 = vector.load %arg19[%get3A_1675, %get3A_1676, %get3A_1677] : memref<2x64x4992xf32, #tpu.memory_space<vmem>>, vector<1x64x128xf32>
      %get3A_1679 = vector.shape_cast %get3A_1678 : vector<1x64x128xf32> to vector<64x128xf32>
      %mul3A_1680 = arith.constant 4992 : i32
      %mul3A_1681 = arith.muli %sub3A_16, %mul3A_1680 : i32
      %add3A_1682 = arith.constant 3968 : i32
      %add3A_1683 = arith.addi %mul3A_1681, %add3A_1682 : i32
      %broadcast_in_dim3A_1684 = vector.broadcast %add3A_1683 : i32 to vector<64x128xi32>
      %max3A_1685 = arith.maximumf %max3A_1634, %get3A_1679 : vector<64x128xf32>
      %max3A_1686 = arith.maximumf %get3A_1679, %max3A_1635 : vector<64x128xf32>
      %min3A_1687 = arith.minimumf %get3A_1679, %max3A_1635 : vector<64x128xf32>
      %gt3A_1688 = arith.cmpf ogt, %get3A_1679, %max3A_1635 : vector<64x128xf32>
      %select_n3A_1689 = arith.select %gt3A_1688, %broadcast_in_dim3A_1684, %select_n3A_1638 : vector<64x128xi1>, vector<64x128xi32>
      %select_n3A_1690 = arith.select %gt3A_1688, %select_n3A_1638, %broadcast_in_dim3A_1684 : vector<64x128xi1>, vector<64x128xi32>
      %max3A_1691 = arith.maximumf %min3A_1687, %max3A_1640 : vector<64x128xf32>
      %min3A_1692 = arith.minimumf %min3A_1687, %max3A_1640 : vector<64x128xf32>
      %gt3A_1693 = arith.cmpf ogt, %min3A_1687, %max3A_1640 : vector<64x128xf32>
      %select_n3A_1694 = arith.select %gt3A_1693, %select_n3A_1690, %select_n3A_1643 : vector<64x128xi1>, vector<64x128xi32>
      %select_n3A_1695 = arith.select %gt3A_1693, %select_n3A_1643, %select_n3A_1690 : vector<64x128xi1>, vector<64x128xi32>
      %max3A_1696 = arith.maximumf %min3A_1692, %max3A_1645 : vector<64x128xf32>
      %min3A_1697 = arith.minimumf %min3A_1692, %max3A_1645 : vector<64x128xf32>
      %gt3A_1698 = arith.cmpf ogt, %min3A_1692, %max3A_1645 : vector<64x128xf32>
      %select_n3A_1699 = arith.select %gt3A_1698, %select_n3A_1695, %select_n3A_1648 : vector<64x128xi1>, vector<64x128xi32>
      %select_n3A_1700 = arith.select %gt3A_1698, %select_n3A_1648, %select_n3A_1695 : vector<64x128xi1>, vector<64x128xi32>
      %max3A_1701 = arith.maximumf %min3A_1697, %max3A_1650 : vector<64x128xf32>
      %min3A_1702 = arith.minimumf %min3A_1697, %max3A_1650 : vector<64x128xf32>
      %gt3A_1703 = arith.cmpf ogt, %min3A_1697, %max3A_1650 : vector<64x128xf32>
      %select_n3A_1704 = arith.select %gt3A_1703, %select_n3A_1700, %select_n3A_1653 : vector<64x128xi1>, vector<64x128xi32>
      %select_n3A_1705 = arith.select %gt3A_1703, %select_n3A_1653, %select_n3A_1700 : vector<64x128xi1>, vector<64x128xi32>
      %max3A_1706 = arith.maximumf %min3A_1702, %max3A_1655 : vector<64x128xf32>
      %min3A_1707 = arith.minimumf %min3A_1702, %max3A_1655 : vector<64x128xf32>
      %gt3A_1708 = arith.cmpf ogt, %min3A_1702, %max3A_1655 : vector<64x128xf32>
      %select_n3A_1709 = arith.select %gt3A_1708, %select_n3A_1705, %select_n3A_1658 : vector<64x128xi1>, vector<64x128xi32>
      %select_n3A_1710 = arith.select %gt3A_1708, %select_n3A_1658, %select_n3A_1705 : vector<64x128xi1>, vector<64x128xi32>
      %max3A_1711 = arith.maximumf %min3A_1707, %max3A_1660 : vector<64x128xf32>
      %min3A_1712 = arith.minimumf %min3A_1707, %max3A_1660 : vector<64x128xf32>
      %gt3A_1713 = arith.cmpf ogt, %min3A_1707, %max3A_1660 : vector<64x128xf32>
      %select_n3A_1714 = arith.select %gt3A_1713, %select_n3A_1710, %select_n3A_1663 : vector<64x128xi1>, vector<64x128xi32>
      %select_n3A_1715 = arith.select %gt3A_1713, %select_n3A_1663, %select_n3A_1710 : vector<64x128xi1>, vector<64x128xi32>
      %max3A_1716 = arith.maximumf %min3A_1712, %max3A_1665 : vector<64x128xf32>
      %min3A_1717 = arith.minimumf %min3A_1712, %max3A_1665 : vector<64x128xf32>
      %gt3A_1718 = arith.cmpf ogt, %min3A_1712, %max3A_1665 : vector<64x128xf32>
      %select_n3A_1719 = arith.select %gt3A_1718, %select_n3A_1715, %select_n3A_1668 : vector<64x128xi1>, vector<64x128xi32>
      %select_n3A_1720 = arith.select %gt3A_1718, %select_n3A_1668, %select_n3A_1715 : vector<64x128xi1>, vector<64x128xi32>
      %max3A_1721 = arith.maximumf %min3A_1717, %max3A_1670 : vector<64x128xf32>
      %gt3A_1722 = arith.cmpf ogt, %min3A_1717, %max3A_1670 : vector<64x128xf32>
      %select_n3A_1723 = arith.select %gt3A_1722, %select_n3A_1720, %select_n3A_1672 : vector<64x128xi1>, vector<64x128xi32>
      %sub3A_1724 = arith.constant 1 : i32
      %sub3A_1725 = arith.subi %sub3A_1724, %rem3A_2 : i32
      %get3A_1726 = arith.index_cast %sub3A_1725 : i32 to index
      %get3A_1727 = arith.constant 0 : index
      %get3A_1728 = arith.constant 4096 : index
      %get3A_1729 = vector.load %arg19[%get3A_1726, %get3A_1727, %get3A_1728] : memref<2x64x4992xf32, #tpu.memory_space<vmem>>, vector<1x64x128xf32>
      %get3A_1730 = vector.shape_cast %get3A_1729 : vector<1x64x128xf32> to vector<64x128xf32>
      %mul3A_1731 = arith.constant 4992 : i32
      %mul3A_1732 = arith.muli %sub3A_16, %mul3A_1731 : i32
      %add3A_1733 = arith.constant 4096 : i32
      %add3A_1734 = arith.addi %mul3A_1732, %add3A_1733 : i32
      %broadcast_in_dim3A_1735 = vector.broadcast %add3A_1734 : i32 to vector<64x128xi32>
      %max3A_1736 = arith.maximumf %max3A_1685, %get3A_1730 : vector<64x128xf32>
      %max3A_1737 = arith.maximumf %get3A_1730, %max3A_1686 : vector<64x128xf32>
      %min3A_1738 = arith.minimumf %get3A_1730, %max3A_1686 : vector<64x128xf32>
      %gt3A_1739 = arith.cmpf ogt, %get3A_1730, %max3A_1686 : vector<64x128xf32>
      %select_n3A_1740 = arith.select %gt3A_1739, %broadcast_in_dim3A_1735, %select_n3A_1689 : vector<64x128xi1>, vector<64x128xi32>
      %select_n3A_1741 = arith.select %gt3A_1739, %select_n3A_1689, %broadcast_in_dim3A_1735 : vector<64x128xi1>, vector<64x128xi32>
      %max3A_1742 = arith.maximumf %min3A_1738, %max3A_1691 : vector<64x128xf32>
      %min3A_1743 = arith.minimumf %min3A_1738, %max3A_1691 : vector<64x128xf32>
      %gt3A_1744 = arith.cmpf ogt, %min3A_1738, %max3A_1691 : vector<64x128xf32>
      %select_n3A_1745 = arith.select %gt3A_1744, %select_n3A_1741, %select_n3A_1694 : vector<64x128xi1>, vector<64x128xi32>
      %select_n3A_1746 = arith.select %gt3A_1744, %select_n3A_1694, %select_n3A_1741 : vector<64x128xi1>, vector<64x128xi32>
      %max3A_1747 = arith.maximumf %min3A_1743, %max3A_1696 : vector<64x128xf32>
      %min3A_1748 = arith.minimumf %min3A_1743, %max3A_1696 : vector<64x128xf32>
      %gt3A_1749 = arith.cmpf ogt, %min3A_1743, %max3A_1696 : vector<64x128xf32>
      %select_n3A_1750 = arith.select %gt3A_1749, %select_n3A_1746, %select_n3A_1699 : vector<64x128xi1>, vector<64x128xi32>
      %select_n3A_1751 = arith.select %gt3A_1749, %select_n3A_1699, %select_n3A_1746 : vector<64x128xi1>, vector<64x128xi32>
      %max3A_1752 = arith.maximumf %min3A_1748, %max3A_1701 : vector<64x128xf32>
      %min3A_1753 = arith.minimumf %min3A_1748, %max3A_1701 : vector<64x128xf32>
      %gt3A_1754 = arith.cmpf ogt, %min3A_1748, %max3A_1701 : vector<64x128xf32>
      %select_n3A_1755 = arith.select %gt3A_1754, %select_n3A_1751, %select_n3A_1704 : vector<64x128xi1>, vector<64x128xi32>
      %select_n3A_1756 = arith.select %gt3A_1754, %select_n3A_1704, %select_n3A_1751 : vector<64x128xi1>, vector<64x128xi32>
      %max3A_1757 = arith.maximumf %min3A_1753, %max3A_1706 : vector<64x128xf32>
      %min3A_1758 = arith.minimumf %min3A_1753, %max3A_1706 : vector<64x128xf32>
      %gt3A_1759 = arith.cmpf ogt, %min3A_1753, %max3A_1706 : vector<64x128xf32>
      %select_n3A_1760 = arith.select %gt3A_1759, %select_n3A_1756, %select_n3A_1709 : vector<64x128xi1>, vector<64x128xi32>
      %select_n3A_1761 = arith.select %gt3A_1759, %select_n3A_1709, %select_n3A_1756 : vector<64x128xi1>, vector<64x128xi32>
      %max3A_1762 = arith.maximumf %min3A_1758, %max3A_1711 : vector<64x128xf32>
      %min3A_1763 = arith.minimumf %min3A_1758, %max3A_1711 : vector<64x128xf32>
      %gt3A_1764 = arith.cmpf ogt, %min3A_1758, %max3A_1711 : vector<64x128xf32>
      %select_n3A_1765 = arith.select %gt3A_1764, %select_n3A_1761, %select_n3A_1714 : vector<64x128xi1>, vector<64x128xi32>
      %select_n3A_1766 = arith.select %gt3A_1764, %select_n3A_1714, %select_n3A_1761 : vector<64x128xi1>, vector<64x128xi32>
      %max3A_1767 = arith.maximumf %min3A_1763, %max3A_1716 : vector<64x128xf32>
      %min3A_1768 = arith.minimumf %min3A_1763, %max3A_1716 : vector<64x128xf32>
      %gt3A_1769 = arith.cmpf ogt, %min3A_1763, %max3A_1716 : vector<64x128xf32>
      %select_n3A_1770 = arith.select %gt3A_1769, %select_n3A_1766, %select_n3A_1719 : vector<64x128xi1>, vector<64x128xi32>
      %select_n3A_1771 = arith.select %gt3A_1769, %select_n3A_1719, %select_n3A_1766 : vector<64x128xi1>, vector<64x128xi32>
      %max3A_1772 = arith.maximumf %min3A_1768, %max3A_1721 : vector<64x128xf32>
      %gt3A_1773 = arith.cmpf ogt, %min3A_1768, %max3A_1721 : vector<64x128xf32>
      %select_n3A_1774 = arith.select %gt3A_1773, %select_n3A_1771, %select_n3A_1723 : vector<64x128xi1>, vector<64x128xi32>
      %sub3A_1775 = arith.constant 1 : i32
      %sub3A_1776 = arith.subi %sub3A_1775, %rem3A_2 : i32
      %get3A_1777 = arith.index_cast %sub3A_1776 : i32 to index
      %get3A_1778 = arith.constant 0 : index
      %get3A_1779 = arith.constant 4224 : index
      %get3A_1780 = vector.load %arg19[%get3A_1777, %get3A_1778, %get3A_1779] : memref<2x64x4992xf32, #tpu.memory_space<vmem>>, vector<1x64x128xf32>
      %get3A_1781 = vector.shape_cast %get3A_1780 : vector<1x64x128xf32> to vector<64x128xf32>
      %mul3A_1782 = arith.constant 4992 : i32
      %mul3A_1783 = arith.muli %sub3A_16, %mul3A_1782 : i32
      %add3A_1784 = arith.constant 4224 : i32
      %add3A_1785 = arith.addi %mul3A_1783, %add3A_1784 : i32
      %broadcast_in_dim3A_1786 = vector.broadcast %add3A_1785 : i32 to vector<64x128xi32>
      %max3A_1787 = arith.maximumf %max3A_1736, %get3A_1781 : vector<64x128xf32>
      %max3A_1788 = arith.maximumf %get3A_1781, %max3A_1737 : vector<64x128xf32>
      %min3A_1789 = arith.minimumf %get3A_1781, %max3A_1737 : vector<64x128xf32>
      %gt3A_1790 = arith.cmpf ogt, %get3A_1781, %max3A_1737 : vector<64x128xf32>
      %select_n3A_1791 = arith.select %gt3A_1790, %broadcast_in_dim3A_1786, %select_n3A_1740 : vector<64x128xi1>, vector<64x128xi32>
      %select_n3A_1792 = arith.select %gt3A_1790, %select_n3A_1740, %broadcast_in_dim3A_1786 : vector<64x128xi1>, vector<64x128xi32>
      %max3A_1793 = arith.maximumf %min3A_1789, %max3A_1742 : vector<64x128xf32>
      %min3A_1794 = arith.minimumf %min3A_1789, %max3A_1742 : vector<64x128xf32>
      %gt3A_1795 = arith.cmpf ogt, %min3A_1789, %max3A_1742 : vector<64x128xf32>
      %select_n3A_1796 = arith.select %gt3A_1795, %select_n3A_1792, %select_n3A_1745 : vector<64x128xi1>, vector<64x128xi32>
      %select_n3A_1797 = arith.select %gt3A_1795, %select_n3A_1745, %select_n3A_1792 : vector<64x128xi1>, vector<64x128xi32>
      %max3A_1798 = arith.maximumf %min3A_1794, %max3A_1747 : vector<64x128xf32>
      %min3A_1799 = arith.minimumf %min3A_1794, %max3A_1747 : vector<64x128xf32>
      %gt3A_1800 = arith.cmpf ogt, %min3A_1794, %max3A_1747 : vector<64x128xf32>
      %select_n3A_1801 = arith.select %gt3A_1800, %select_n3A_1797, %select_n3A_1750 : vector<64x128xi1>, vector<64x128xi32>
      %select_n3A_1802 = arith.select %gt3A_1800, %select_n3A_1750, %select_n3A_1797 : vector<64x128xi1>, vector<64x128xi32>
      %max3A_1803 = arith.maximumf %min3A_1799, %max3A_1752 : vector<64x128xf32>
      %min3A_1804 = arith.minimumf %min3A_1799, %max3A_1752 : vector<64x128xf32>
      %gt3A_1805 = arith.cmpf ogt, %min3A_1799, %max3A_1752 : vector<64x128xf32>
      %select_n3A_1806 = arith.select %gt3A_1805, %select_n3A_1802, %select_n3A_1755 : vector<64x128xi1>, vector<64x128xi32>
      %select_n3A_1807 = arith.select %gt3A_1805, %select_n3A_1755, %select_n3A_1802 : vector<64x128xi1>, vector<64x128xi32>
      %max3A_1808 = arith.maximumf %min3A_1804, %max3A_1757 : vector<64x128xf32>
      %min3A_1809 = arith.minimumf %min3A_1804, %max3A_1757 : vector<64x128xf32>
      %gt3A_1810 = arith.cmpf ogt, %min3A_1804, %max3A_1757 : vector<64x128xf32>
      %select_n3A_1811 = arith.select %gt3A_1810, %select_n3A_1807, %select_n3A_1760 : vector<64x128xi1>, vector<64x128xi32>
      %select_n3A_1812 = arith.select %gt3A_1810, %select_n3A_1760, %select_n3A_1807 : vector<64x128xi1>, vector<64x128xi32>
      %max3A_1813 = arith.maximumf %min3A_1809, %max3A_1762 : vector<64x128xf32>
      %min3A_1814 = arith.minimumf %min3A_1809, %max3A_1762 : vector<64x128xf32>
      %gt3A_1815 = arith.cmpf ogt, %min3A_1809, %max3A_1762 : vector<64x128xf32>
      %select_n3A_1816 = arith.select %gt3A_1815, %select_n3A_1812, %select_n3A_1765 : vector<64x128xi1>, vector<64x128xi32>
      %select_n3A_1817 = arith.select %gt3A_1815, %select_n3A_1765, %select_n3A_1812 : vector<64x128xi1>, vector<64x128xi32>
      %max3A_1818 = arith.maximumf %min3A_1814, %max3A_1767 : vector<64x128xf32>
      %min3A_1819 = arith.minimumf %min3A_1814, %max3A_1767 : vector<64x128xf32>
      %gt3A_1820 = arith.cmpf ogt, %min3A_1814, %max3A_1767 : vector<64x128xf32>
      %select_n3A_1821 = arith.select %gt3A_1820, %select_n3A_1817, %select_n3A_1770 : vector<64x128xi1>, vector<64x128xi32>
      %select_n3A_1822 = arith.select %gt3A_1820, %select_n3A_1770, %select_n3A_1817 : vector<64x128xi1>, vector<64x128xi32>
      %max3A_1823 = arith.maximumf %min3A_1819, %max3A_1772 : vector<64x128xf32>
      %gt3A_1824 = arith.cmpf ogt, %min3A_1819, %max3A_1772 : vector<64x128xf32>
      %select_n3A_1825 = arith.select %gt3A_1824, %select_n3A_1822, %select_n3A_1774 : vector<64x128xi1>, vector<64x128xi32>
      %sub3A_1826 = arith.constant 1 : i32
      %sub3A_1827 = arith.subi %sub3A_1826, %rem3A_2 : i32
      %get3A_1828 = arith.index_cast %sub3A_1827 : i32 to index
      %get3A_1829 = arith.constant 0 : index
      %get3A_1830 = arith.constant 4352 : index
      %get3A_1831 = vector.load %arg19[%get3A_1828, %get3A_1829, %get3A_1830] : memref<2x64x4992xf32, #tpu.memory_space<vmem>>, vector<1x64x128xf32>
      %get3A_1832 = vector.shape_cast %get3A_1831 : vector<1x64x128xf32> to vector<64x128xf32>
      %mul3A_1833 = arith.constant 4992 : i32
      %mul3A_1834 = arith.muli %sub3A_16, %mul3A_1833 : i32
      %add3A_1835 = arith.constant 4352 : i32
      %add3A_1836 = arith.addi %mul3A_1834, %add3A_1835 : i32
      %broadcast_in_dim3A_1837 = vector.broadcast %add3A_1836 : i32 to vector<64x128xi32>
      %max3A_1838 = arith.maximumf %max3A_1787, %get3A_1832 : vector<64x128xf32>
      %max3A_1839 = arith.maximumf %get3A_1832, %max3A_1788 : vector<64x128xf32>
      %min3A_1840 = arith.minimumf %get3A_1832, %max3A_1788 : vector<64x128xf32>
      %gt3A_1841 = arith.cmpf ogt, %get3A_1832, %max3A_1788 : vector<64x128xf32>
      %select_n3A_1842 = arith.select %gt3A_1841, %broadcast_in_dim3A_1837, %select_n3A_1791 : vector<64x128xi1>, vector<64x128xi32>
      %select_n3A_1843 = arith.select %gt3A_1841, %select_n3A_1791, %broadcast_in_dim3A_1837 : vector<64x128xi1>, vector<64x128xi32>
      %max3A_1844 = arith.maximumf %min3A_1840, %max3A_1793 : vector<64x128xf32>
      %min3A_1845 = arith.minimumf %min3A_1840, %max3A_1793 : vector<64x128xf32>
      %gt3A_1846 = arith.cmpf ogt, %min3A_1840, %max3A_1793 : vector<64x128xf32>
      %select_n3A_1847 = arith.select %gt3A_1846, %select_n3A_1843, %select_n3A_1796 : vector<64x128xi1>, vector<64x128xi32>
      %select_n3A_1848 = arith.select %gt3A_1846, %select_n3A_1796, %select_n3A_1843 : vector<64x128xi1>, vector<64x128xi32>
      %max3A_1849 = arith.maximumf %min3A_1845, %max3A_1798 : vector<64x128xf32>
      %min3A_1850 = arith.minimumf %min3A_1845, %max3A_1798 : vector<64x128xf32>
      %gt3A_1851 = arith.cmpf ogt, %min3A_1845, %max3A_1798 : vector<64x128xf32>
      %select_n3A_1852 = arith.select %gt3A_1851, %select_n3A_1848, %select_n3A_1801 : vector<64x128xi1>, vector<64x128xi32>
      %select_n3A_1853 = arith.select %gt3A_1851, %select_n3A_1801, %select_n3A_1848 : vector<64x128xi1>, vector<64x128xi32>
      %max3A_1854 = arith.maximumf %min3A_1850, %max3A_1803 : vector<64x128xf32>
      %min3A_1855 = arith.minimumf %min3A_1850, %max3A_1803 : vector<64x128xf32>
      %gt3A_1856 = arith.cmpf ogt, %min3A_1850, %max3A_1803 : vector<64x128xf32>
      %select_n3A_1857 = arith.select %gt3A_1856, %select_n3A_1853, %select_n3A_1806 : vector<64x128xi1>, vector<64x128xi32>
      %select_n3A_1858 = arith.select %gt3A_1856, %select_n3A_1806, %select_n3A_1853 : vector<64x128xi1>, vector<64x128xi32>
      %max3A_1859 = arith.maximumf %min3A_1855, %max3A_1808 : vector<64x128xf32>
      %min3A_1860 = arith.minimumf %min3A_1855, %max3A_1808 : vector<64x128xf32>
      %gt3A_1861 = arith.cmpf ogt, %min3A_1855, %max3A_1808 : vector<64x128xf32>
      %select_n3A_1862 = arith.select %gt3A_1861, %select_n3A_1858, %select_n3A_1811 : vector<64x128xi1>, vector<64x128xi32>
      %select_n3A_1863 = arith.select %gt3A_1861, %select_n3A_1811, %select_n3A_1858 : vector<64x128xi1>, vector<64x128xi32>
      %max3A_1864 = arith.maximumf %min3A_1860, %max3A_1813 : vector<64x128xf32>
      %min3A_1865 = arith.minimumf %min3A_1860, %max3A_1813 : vector<64x128xf32>
      %gt3A_1866 = arith.cmpf ogt, %min3A_1860, %max3A_1813 : vector<64x128xf32>
      %select_n3A_1867 = arith.select %gt3A_1866, %select_n3A_1863, %select_n3A_1816 : vector<64x128xi1>, vector<64x128xi32>
      %select_n3A_1868 = arith.select %gt3A_1866, %select_n3A_1816, %select_n3A_1863 : vector<64x128xi1>, vector<64x128xi32>
      %max3A_1869 = arith.maximumf %min3A_1865, %max3A_1818 : vector<64x128xf32>
      %min3A_1870 = arith.minimumf %min3A_1865, %max3A_1818 : vector<64x128xf32>
      %gt3A_1871 = arith.cmpf ogt, %min3A_1865, %max3A_1818 : vector<64x128xf32>
      %select_n3A_1872 = arith.select %gt3A_1871, %select_n3A_1868, %select_n3A_1821 : vector<64x128xi1>, vector<64x128xi32>
      %select_n3A_1873 = arith.select %gt3A_1871, %select_n3A_1821, %select_n3A_1868 : vector<64x128xi1>, vector<64x128xi32>
      %max3A_1874 = arith.maximumf %min3A_1870, %max3A_1823 : vector<64x128xf32>
      %gt3A_1875 = arith.cmpf ogt, %min3A_1870, %max3A_1823 : vector<64x128xf32>
      %select_n3A_1876 = arith.select %gt3A_1875, %select_n3A_1873, %select_n3A_1825 : vector<64x128xi1>, vector<64x128xi32>
      %sub3A_1877 = arith.constant 1 : i32
      %sub3A_1878 = arith.subi %sub3A_1877, %rem3A_2 : i32
      %get3A_1879 = arith.index_cast %sub3A_1878 : i32 to index
      %get3A_1880 = arith.constant 0 : index
      %get3A_1881 = arith.constant 4480 : index
      %get3A_1882 = vector.load %arg19[%get3A_1879, %get3A_1880, %get3A_1881] : memref<2x64x4992xf32, #tpu.memory_space<vmem>>, vector<1x64x128xf32>
      %get3A_1883 = vector.shape_cast %get3A_1882 : vector<1x64x128xf32> to vector<64x128xf32>
      %mul3A_1884 = arith.constant 4992 : i32
      %mul3A_1885 = arith.muli %sub3A_16, %mul3A_1884 : i32
      %add3A_1886 = arith.constant 4480 : i32
      %add3A_1887 = arith.addi %mul3A_1885, %add3A_1886 : i32
      %broadcast_in_dim3A_1888 = vector.broadcast %add3A_1887 : i32 to vector<64x128xi32>
      %max3A_1889 = arith.maximumf %max3A_1838, %get3A_1883 : vector<64x128xf32>
      %max3A_1890 = arith.maximumf %get3A_1883, %max3A_1839 : vector<64x128xf32>
      %min3A_1891 = arith.minimumf %get3A_1883, %max3A_1839 : vector<64x128xf32>
      %gt3A_1892 = arith.cmpf ogt, %get3A_1883, %max3A_1839 : vector<64x128xf32>
      %select_n3A_1893 = arith.select %gt3A_1892, %broadcast_in_dim3A_1888, %select_n3A_1842 : vector<64x128xi1>, vector<64x128xi32>
      %select_n3A_1894 = arith.select %gt3A_1892, %select_n3A_1842, %broadcast_in_dim3A_1888 : vector<64x128xi1>, vector<64x128xi32>
      %max3A_1895 = arith.maximumf %min3A_1891, %max3A_1844 : vector<64x128xf32>
      %min3A_1896 = arith.minimumf %min3A_1891, %max3A_1844 : vector<64x128xf32>
      %gt3A_1897 = arith.cmpf ogt, %min3A_1891, %max3A_1844 : vector<64x128xf32>
      %select_n3A_1898 = arith.select %gt3A_1897, %select_n3A_1894, %select_n3A_1847 : vector<64x128xi1>, vector<64x128xi32>
      %select_n3A_1899 = arith.select %gt3A_1897, %select_n3A_1847, %select_n3A_1894 : vector<64x128xi1>, vector<64x128xi32>
      %max3A_1900 = arith.maximumf %min3A_1896, %max3A_1849 : vector<64x128xf32>
      %min3A_1901 = arith.minimumf %min3A_1896, %max3A_1849 : vector<64x128xf32>
      %gt3A_1902 = arith.cmpf ogt, %min3A_1896, %max3A_1849 : vector<64x128xf32>
      %select_n3A_1903 = arith.select %gt3A_1902, %select_n3A_1899, %select_n3A_1852 : vector<64x128xi1>, vector<64x128xi32>
      %select_n3A_1904 = arith.select %gt3A_1902, %select_n3A_1852, %select_n3A_1899 : vector<64x128xi1>, vector<64x128xi32>
      %max3A_1905 = arith.maximumf %min3A_1901, %max3A_1854 : vector<64x128xf32>
      %min3A_1906 = arith.minimumf %min3A_1901, %max3A_1854 : vector<64x128xf32>
      %gt3A_1907 = arith.cmpf ogt, %min3A_1901, %max3A_1854 : vector<64x128xf32>
      %select_n3A_1908 = arith.select %gt3A_1907, %select_n3A_1904, %select_n3A_1857 : vector<64x128xi1>, vector<64x128xi32>
      %select_n3A_1909 = arith.select %gt3A_1907, %select_n3A_1857, %select_n3A_1904 : vector<64x128xi1>, vector<64x128xi32>
      %max3A_1910 = arith.maximumf %min3A_1906, %max3A_1859 : vector<64x128xf32>
      %min3A_1911 = arith.minimumf %min3A_1906, %max3A_1859 : vector<64x128xf32>
      %gt3A_1912 = arith.cmpf ogt, %min3A_1906, %max3A_1859 : vector<64x128xf32>
      %select_n3A_1913 = arith.select %gt3A_1912, %select_n3A_1909, %select_n3A_1862 : vector<64x128xi1>, vector<64x128xi32>
      %select_n3A_1914 = arith.select %gt3A_1912, %select_n3A_1862, %select_n3A_1909 : vector<64x128xi1>, vector<64x128xi32>
      %max3A_1915 = arith.maximumf %min3A_1911, %max3A_1864 : vector<64x128xf32>
      %min3A_1916 = arith.minimumf %min3A_1911, %max3A_1864 : vector<64x128xf32>
      %gt3A_1917 = arith.cmpf ogt, %min3A_1911, %max3A_1864 : vector<64x128xf32>
      %select_n3A_1918 = arith.select %gt3A_1917, %select_n3A_1914, %select_n3A_1867 : vector<64x128xi1>, vector<64x128xi32>
      %select_n3A_1919 = arith.select %gt3A_1917, %select_n3A_1867, %select_n3A_1914 : vector<64x128xi1>, vector<64x128xi32>
      %max3A_1920 = arith.maximumf %min3A_1916, %max3A_1869 : vector<64x128xf32>
      %min3A_1921 = arith.minimumf %min3A_1916, %max3A_1869 : vector<64x128xf32>
      %gt3A_1922 = arith.cmpf ogt, %min3A_1916, %max3A_1869 : vector<64x128xf32>
      %select_n3A_1923 = arith.select %gt3A_1922, %select_n3A_1919, %select_n3A_1872 : vector<64x128xi1>, vector<64x128xi32>
      %select_n3A_1924 = arith.select %gt3A_1922, %select_n3A_1872, %select_n3A_1919 : vector<64x128xi1>, vector<64x128xi32>
      %max3A_1925 = arith.maximumf %min3A_1921, %max3A_1874 : vector<64x128xf32>
      %gt3A_1926 = arith.cmpf ogt, %min3A_1921, %max3A_1874 : vector<64x128xf32>
      %select_n3A_1927 = arith.select %gt3A_1926, %select_n3A_1924, %select_n3A_1876 : vector<64x128xi1>, vector<64x128xi32>
      %sub3A_1928 = arith.constant 1 : i32
      %sub3A_1929 = arith.subi %sub3A_1928, %rem3A_2 : i32
      %get3A_1930 = arith.index_cast %sub3A_1929 : i32 to index
      %get3A_1931 = arith.constant 0 : index
      %get3A_1932 = arith.constant 4608 : index
      %get3A_1933 = vector.load %arg19[%get3A_1930, %get3A_1931, %get3A_1932] : memref<2x64x4992xf32, #tpu.memory_space<vmem>>, vector<1x64x128xf32>
      %get3A_1934 = vector.shape_cast %get3A_1933 : vector<1x64x128xf32> to vector<64x128xf32>
      %mul3A_1935 = arith.constant 4992 : i32
      %mul3A_1936 = arith.muli %sub3A_16, %mul3A_1935 : i32
      %add3A_1937 = arith.constant 4608 : i32
      %add3A_1938 = arith.addi %mul3A_1936, %add3A_1937 : i32
      %broadcast_in_dim3A_1939 = vector.broadcast %add3A_1938 : i32 to vector<64x128xi32>
      %max3A_1940 = arith.maximumf %max3A_1889, %get3A_1934 : vector<64x128xf32>
      %max3A_1941 = arith.maximumf %get3A_1934, %max3A_1890 : vector<64x128xf32>
      %min3A_1942 = arith.minimumf %get3A_1934, %max3A_1890 : vector<64x128xf32>
      %gt3A_1943 = arith.cmpf ogt, %get3A_1934, %max3A_1890 : vector<64x128xf32>
      %select_n3A_1944 = arith.select %gt3A_1943, %broadcast_in_dim3A_1939, %select_n3A_1893 : vector<64x128xi1>, vector<64x128xi32>
      %select_n3A_1945 = arith.select %gt3A_1943, %select_n3A_1893, %broadcast_in_dim3A_1939 : vector<64x128xi1>, vector<64x128xi32>
      %max3A_1946 = arith.maximumf %min3A_1942, %max3A_1895 : vector<64x128xf32>
      %min3A_1947 = arith.minimumf %min3A_1942, %max3A_1895 : vector<64x128xf32>
      %gt3A_1948 = arith.cmpf ogt, %min3A_1942, %max3A_1895 : vector<64x128xf32>
      %select_n3A_1949 = arith.select %gt3A_1948, %select_n3A_1945, %select_n3A_1898 : vector<64x128xi1>, vector<64x128xi32>
      %select_n3A_1950 = arith.select %gt3A_1948, %select_n3A_1898, %select_n3A_1945 : vector<64x128xi1>, vector<64x128xi32>
      %max3A_1951 = arith.maximumf %min3A_1947, %max3A_1900 : vector<64x128xf32>
      %min3A_1952 = arith.minimumf %min3A_1947, %max3A_1900 : vector<64x128xf32>
      %gt3A_1953 = arith.cmpf ogt, %min3A_1947, %max3A_1900 : vector<64x128xf32>
      %select_n3A_1954 = arith.select %gt3A_1953, %select_n3A_1950, %select_n3A_1903 : vector<64x128xi1>, vector<64x128xi32>
      %select_n3A_1955 = arith.select %gt3A_1953, %select_n3A_1903, %select_n3A_1950 : vector<64x128xi1>, vector<64x128xi32>
      %max3A_1956 = arith.maximumf %min3A_1952, %max3A_1905 : vector<64x128xf32>
      %min3A_1957 = arith.minimumf %min3A_1952, %max3A_1905 : vector<64x128xf32>
      %gt3A_1958 = arith.cmpf ogt, %min3A_1952, %max3A_1905 : vector<64x128xf32>
      %select_n3A_1959 = arith.select %gt3A_1958, %select_n3A_1955, %select_n3A_1908 : vector<64x128xi1>, vector<64x128xi32>
      %select_n3A_1960 = arith.select %gt3A_1958, %select_n3A_1908, %select_n3A_1955 : vector<64x128xi1>, vector<64x128xi32>
      %max3A_1961 = arith.maximumf %min3A_1957, %max3A_1910 : vector<64x128xf32>
      %min3A_1962 = arith.minimumf %min3A_1957, %max3A_1910 : vector<64x128xf32>
      %gt3A_1963 = arith.cmpf ogt, %min3A_1957, %max3A_1910 : vector<64x128xf32>
      %select_n3A_1964 = arith.select %gt3A_1963, %select_n3A_1960, %select_n3A_1913 : vector<64x128xi1>, vector<64x128xi32>
      %select_n3A_1965 = arith.select %gt3A_1963, %select_n3A_1913, %select_n3A_1960 : vector<64x128xi1>, vector<64x128xi32>
      %max3A_1966 = arith.maximumf %min3A_1962, %max3A_1915 : vector<64x128xf32>
      %min3A_1967 = arith.minimumf %min3A_1962, %max3A_1915 : vector<64x128xf32>
      %gt3A_1968 = arith.cmpf ogt, %min3A_1962, %max3A_1915 : vector<64x128xf32>
      %select_n3A_1969 = arith.select %gt3A_1968, %select_n3A_1965, %select_n3A_1918 : vector<64x128xi1>, vector<64x128xi32>
      %select_n3A_1970 = arith.select %gt3A_1968, %select_n3A_1918, %select_n3A_1965 : vector<64x128xi1>, vector<64x128xi32>
      %max3A_1971 = arith.maximumf %min3A_1967, %max3A_1920 : vector<64x128xf32>
      %min3A_1972 = arith.minimumf %min3A_1967, %max3A_1920 : vector<64x128xf32>
      %gt3A_1973 = arith.cmpf ogt, %min3A_1967, %max3A_1920 : vector<64x128xf32>
      %select_n3A_1974 = arith.select %gt3A_1973, %select_n3A_1970, %select_n3A_1923 : vector<64x128xi1>, vector<64x128xi32>
      %select_n3A_1975 = arith.select %gt3A_1973, %select_n3A_1923, %select_n3A_1970 : vector<64x128xi1>, vector<64x128xi32>
      %max3A_1976 = arith.maximumf %min3A_1972, %max3A_1925 : vector<64x128xf32>
      %gt3A_1977 = arith.cmpf ogt, %min3A_1972, %max3A_1925 : vector<64x128xf32>
      %select_n3A_1978 = arith.select %gt3A_1977, %select_n3A_1975, %select_n3A_1927 : vector<64x128xi1>, vector<64x128xi32>
      %sub3A_1979 = arith.constant 1 : i32
      %sub3A_1980 = arith.subi %sub3A_1979, %rem3A_2 : i32
      %get3A_1981 = arith.index_cast %sub3A_1980 : i32 to index
      %get3A_1982 = arith.constant 0 : index
      %get3A_1983 = arith.constant 4736 : index
      %get3A_1984 = vector.load %arg19[%get3A_1981, %get3A_1982, %get3A_1983] : memref<2x64x4992xf32, #tpu.memory_space<vmem>>, vector<1x64x128xf32>
      %get3A_1985 = vector.shape_cast %get3A_1984 : vector<1x64x128xf32> to vector<64x128xf32>
      %mul3A_1986 = arith.constant 4992 : i32
      %mul3A_1987 = arith.muli %sub3A_16, %mul3A_1986 : i32
      %add3A_1988 = arith.constant 4736 : i32
      %add3A_1989 = arith.addi %mul3A_1987, %add3A_1988 : i32
      %broadcast_in_dim3A_1990 = vector.broadcast %add3A_1989 : i32 to vector<64x128xi32>
      %max3A_1991 = arith.maximumf %max3A_1940, %get3A_1985 : vector<64x128xf32>
      %max3A_1992 = arith.maximumf %get3A_1985, %max3A_1941 : vector<64x128xf32>
      %min3A_1993 = arith.minimumf %get3A_1985, %max3A_1941 : vector<64x128xf32>
      %gt3A_1994 = arith.cmpf ogt, %get3A_1985, %max3A_1941 : vector<64x128xf32>
      %select_n3A_1995 = arith.select %gt3A_1994, %broadcast_in_dim3A_1990, %select_n3A_1944 : vector<64x128xi1>, vector<64x128xi32>
      %select_n3A_1996 = arith.select %gt3A_1994, %select_n3A_1944, %broadcast_in_dim3A_1990 : vector<64x128xi1>, vector<64x128xi32>
      %max3A_1997 = arith.maximumf %min3A_1993, %max3A_1946 : vector<64x128xf32>
      %min3A_1998 = arith.minimumf %min3A_1993, %max3A_1946 : vector<64x128xf32>
      %gt3A_1999 = arith.cmpf ogt, %min3A_1993, %max3A_1946 : vector<64x128xf32>
      %select_n3A_2000 = arith.select %gt3A_1999, %select_n3A_1996, %select_n3A_1949 : vector<64x128xi1>, vector<64x128xi32>
      %select_n3A_2001 = arith.select %gt3A_1999, %select_n3A_1949, %select_n3A_1996 : vector<64x128xi1>, vector<64x128xi32>
      %max3A_2002 = arith.maximumf %min3A_1998, %max3A_1951 : vector<64x128xf32>
      %min3A_2003 = arith.minimumf %min3A_1998, %max3A_1951 : vector<64x128xf32>
      %gt3A_2004 = arith.cmpf ogt, %min3A_1998, %max3A_1951 : vector<64x128xf32>
      %select_n3A_2005 = arith.select %gt3A_2004, %select_n3A_2001, %select_n3A_1954 : vector<64x128xi1>, vector<64x128xi32>
      %select_n3A_2006 = arith.select %gt3A_2004, %select_n3A_1954, %select_n3A_2001 : vector<64x128xi1>, vector<64x128xi32>
      %max3A_2007 = arith.maximumf %min3A_2003, %max3A_1956 : vector<64x128xf32>
      %min3A_2008 = arith.minimumf %min3A_2003, %max3A_1956 : vector<64x128xf32>
      %gt3A_2009 = arith.cmpf ogt, %min3A_2003, %max3A_1956 : vector<64x128xf32>
      %select_n3A_2010 = arith.select %gt3A_2009, %select_n3A_2006, %select_n3A_1959 : vector<64x128xi1>, vector<64x128xi32>
      %select_n3A_2011 = arith.select %gt3A_2009, %select_n3A_1959, %select_n3A_2006 : vector<64x128xi1>, vector<64x128xi32>
      %max3A_2012 = arith.maximumf %min3A_2008, %max3A_1961 : vector<64x128xf32>
      %min3A_2013 = arith.minimumf %min3A_2008, %max3A_1961 : vector<64x128xf32>
      %gt3A_2014 = arith.cmpf ogt, %min3A_2008, %max3A_1961 : vector<64x128xf32>
      %select_n3A_2015 = arith.select %gt3A_2014, %select_n3A_2011, %select_n3A_1964 : vector<64x128xi1>, vector<64x128xi32>
      %select_n3A_2016 = arith.select %gt3A_2014, %select_n3A_1964, %select_n3A_2011 : vector<64x128xi1>, vector<64x128xi32>
      %max3A_2017 = arith.maximumf %min3A_2013, %max3A_1966 : vector<64x128xf32>
      %min3A_2018 = arith.minimumf %min3A_2013, %max3A_1966 : vector<64x128xf32>
      %gt3A_2019 = arith.cmpf ogt, %min3A_2013, %max3A_1966 : vector<64x128xf32>
      %select_n3A_2020 = arith.select %gt3A_2019, %select_n3A_2016, %select_n3A_1969 : vector<64x128xi1>, vector<64x128xi32>
      %select_n3A_2021 = arith.select %gt3A_2019, %select_n3A_1969, %select_n3A_2016 : vector<64x128xi1>, vector<64x128xi32>
      %max3A_2022 = arith.maximumf %min3A_2018, %max3A_1971 : vector<64x128xf32>
      %min3A_2023 = arith.minimumf %min3A_2018, %max3A_1971 : vector<64x128xf32>
      %gt3A_2024 = arith.cmpf ogt, %min3A_2018, %max3A_1971 : vector<64x128xf32>
      %select_n3A_2025 = arith.select %gt3A_2024, %select_n3A_2021, %select_n3A_1974 : vector<64x128xi1>, vector<64x128xi32>
      %select_n3A_2026 = arith.select %gt3A_2024, %select_n3A_1974, %select_n3A_2021 : vector<64x128xi1>, vector<64x128xi32>
      %max3A_2027 = arith.maximumf %min3A_2023, %max3A_1976 : vector<64x128xf32>
      %gt3A_2028 = arith.cmpf ogt, %min3A_2023, %max3A_1976 : vector<64x128xf32>
      %select_n3A_2029 = arith.select %gt3A_2028, %select_n3A_2026, %select_n3A_1978 : vector<64x128xi1>, vector<64x128xi32>
      %sub3A_2030 = arith.constant 1 : i32
      %sub3A_2031 = arith.subi %sub3A_2030, %rem3A_2 : i32
      %get3A_2032 = arith.index_cast %sub3A_2031 : i32 to index
      %get3A_2033 = arith.constant 0 : index
      %get3A_2034 = arith.constant 4864 : index
      %get3A_2035 = vector.load %arg19[%get3A_2032, %get3A_2033, %get3A_2034] : memref<2x64x4992xf32, #tpu.memory_space<vmem>>, vector<1x64x128xf32>
      %get3A_2036 = vector.shape_cast %get3A_2035 : vector<1x64x128xf32> to vector<64x128xf32>
      %mul3A_2037 = arith.constant 4992 : i32
      %mul3A_2038 = arith.muli %sub3A_16, %mul3A_2037 : i32
      %add3A_2039 = arith.constant 4864 : i32
      %add3A_2040 = arith.addi %mul3A_2038, %add3A_2039 : i32
      %broadcast_in_dim3A_2041 = vector.broadcast %add3A_2040 : i32 to vector<64x128xi32>
      %max3A_2042 = arith.maximumf %max3A_1991, %get3A_2036 : vector<64x128xf32>
      %max3A_2043 = arith.maximumf %get3A_2036, %max3A_1992 : vector<64x128xf32>
      %min3A_2044 = arith.minimumf %get3A_2036, %max3A_1992 : vector<64x128xf32>
      %gt3A_2045 = arith.cmpf ogt, %get3A_2036, %max3A_1992 : vector<64x128xf32>
      %select_n3A_2046 = arith.select %gt3A_2045, %broadcast_in_dim3A_2041, %select_n3A_1995 : vector<64x128xi1>, vector<64x128xi32>
      %select_n3A_2047 = arith.select %gt3A_2045, %select_n3A_1995, %broadcast_in_dim3A_2041 : vector<64x128xi1>, vector<64x128xi32>
      %max3A_2048 = arith.maximumf %min3A_2044, %max3A_1997 : vector<64x128xf32>
      %min3A_2049 = arith.minimumf %min3A_2044, %max3A_1997 : vector<64x128xf32>
      %gt3A_2050 = arith.cmpf ogt, %min3A_2044, %max3A_1997 : vector<64x128xf32>
      %select_n3A_2051 = arith.select %gt3A_2050, %select_n3A_2047, %select_n3A_2000 : vector<64x128xi1>, vector<64x128xi32>
      %select_n3A_2052 = arith.select %gt3A_2050, %select_n3A_2000, %select_n3A_2047 : vector<64x128xi1>, vector<64x128xi32>
      %max3A_2053 = arith.maximumf %min3A_2049, %max3A_2002 : vector<64x128xf32>
      %min3A_2054 = arith.minimumf %min3A_2049, %max3A_2002 : vector<64x128xf32>
      %gt3A_2055 = arith.cmpf ogt, %min3A_2049, %max3A_2002 : vector<64x128xf32>
      %select_n3A_2056 = arith.select %gt3A_2055, %select_n3A_2052, %select_n3A_2005 : vector<64x128xi1>, vector<64x128xi32>
      %select_n3A_2057 = arith.select %gt3A_2055, %select_n3A_2005, %select_n3A_2052 : vector<64x128xi1>, vector<64x128xi32>
      %max3A_2058 = arith.maximumf %min3A_2054, %max3A_2007 : vector<64x128xf32>
      %min3A_2059 = arith.minimumf %min3A_2054, %max3A_2007 : vector<64x128xf32>
      %gt3A_2060 = arith.cmpf ogt, %min3A_2054, %max3A_2007 : vector<64x128xf32>
      %select_n3A_2061 = arith.select %gt3A_2060, %select_n3A_2057, %select_n3A_2010 : vector<64x128xi1>, vector<64x128xi32>
      %select_n3A_2062 = arith.select %gt3A_2060, %select_n3A_2010, %select_n3A_2057 : vector<64x128xi1>, vector<64x128xi32>
      %max3A_2063 = arith.maximumf %min3A_2059, %max3A_2012 : vector<64x128xf32>
      %min3A_2064 = arith.minimumf %min3A_2059, %max3A_2012 : vector<64x128xf32>
      %gt3A_2065 = arith.cmpf ogt, %min3A_2059, %max3A_2012 : vector<64x128xf32>
      %select_n3A_2066 = arith.select %gt3A_2065, %select_n3A_2062, %select_n3A_2015 : vector<64x128xi1>, vector<64x128xi32>
      %select_n3A_2067 = arith.select %gt3A_2065, %select_n3A_2015, %select_n3A_2062 : vector<64x128xi1>, vector<64x128xi32>
      %max3A_2068 = arith.maximumf %min3A_2064, %max3A_2017 : vector<64x128xf32>
      %min3A_2069 = arith.minimumf %min3A_2064, %max3A_2017 : vector<64x128xf32>
      %gt3A_2070 = arith.cmpf ogt, %min3A_2064, %max3A_2017 : vector<64x128xf32>
      %select_n3A_2071 = arith.select %gt3A_2070, %select_n3A_2067, %select_n3A_2020 : vector<64x128xi1>, vector<64x128xi32>
      %select_n3A_2072 = arith.select %gt3A_2070, %select_n3A_2020, %select_n3A_2067 : vector<64x128xi1>, vector<64x128xi32>
      %max3A_2073 = arith.maximumf %min3A_2069, %max3A_2022 : vector<64x128xf32>
      %min3A_2074 = arith.minimumf %min3A_2069, %max3A_2022 : vector<64x128xf32>
      %gt3A_2075 = arith.cmpf ogt, %min3A_2069, %max3A_2022 : vector<64x128xf32>
      %select_n3A_2076 = arith.select %gt3A_2075, %select_n3A_2072, %select_n3A_2025 : vector<64x128xi1>, vector<64x128xi32>
      %select_n3A_2077 = arith.select %gt3A_2075, %select_n3A_2025, %select_n3A_2072 : vector<64x128xi1>, vector<64x128xi32>
      %max3A_2078 = arith.maximumf %min3A_2074, %max3A_2027 : vector<64x128xf32>
      %gt3A_2079 = arith.cmpf ogt, %min3A_2074, %max3A_2027 : vector<64x128xf32>
      %select_n3A_2080 = arith.select %gt3A_2079, %select_n3A_2077, %select_n3A_2029 : vector<64x128xi1>, vector<64x128xi32>
      %swap3A = arith.constant 0 : index
      %swap3A_2081 = arith.constant 0 : index
      %swap3A_2082 = arith.constant 0 : index
      %swap3A_2083 = vector.load %arg17[%swap3A, %swap3A_2081, %swap3A_2082] : memref<8x64x128xf32, #tpu.memory_space<vmem>>, vector<1x64x128xf32>
      %swap3A_2084 = vector.shape_cast %swap3A_2083 : vector<1x64x128xf32> to vector<64x128xf32>
      %swap3A_2085 = vector.shape_cast %max3A_2043 : vector<64x128xf32> to vector<1x64x128xf32>
      tpu.vector_store %arg17[%swap3A, %swap3A_2081, %swap3A_2082], %swap3A_2085 {strides = array<i32>} : memref<8x64x128xf32, #tpu.memory_space<vmem>>, vector<1x64x128xf32>,
      %swap3A_2086 = arith.constant 0 : index
      %swap3A_2087 = arith.constant 0 : index
      %swap3A_2088 = arith.constant 0 : index
      %swap3A_2089 = vector.load %arg18[%swap3A_2086, %swap3A_2087, %swap3A_2088] : memref<8x64x128xi32, #tpu.memory_space<vmem>>, vector<1x64x128xi32>
      %swap3A_2090 = vector.shape_cast %swap3A_2089 : vector<1x64x128xi32> to vector<64x128xi32>
      %swap3A_2091 = vector.shape_cast %select_n3A_2046 : vector<64x128xi32> to vector<1x64x128xi32>
      tpu.vector_store %arg18[%swap3A_2086, %swap3A_2087, %swap3A_2088], %swap3A_2091 {strides = array<i32>} : memref<8x64x128xi32, #tpu.memory_space<vmem>>, vector<1x64x128xi32>,
      %swap3A_2092 = arith.constant 1 : index
      %swap3A_2093 = arith.constant 0 : index
      %swap3A_2094 = arith.constant 0 : index
      %swap3A_2095 = vector.load %arg17[%swap3A_2092, %swap3A_2093, %swap3A_2094] : memref<8x64x128xf32, #tpu.memory_space<vmem>>, vector<1x64x128xf32>
      %swap3A_2096 = vector.shape_cast %swap3A_2095 : vector<1x64x128xf32> to vector<64x128xf32>
      %swap3A_2097 = vector.shape_cast %max3A_2048 : vector<64x128xf32> to vector<1x64x128xf32>
      tpu.vector_store %arg17[%swap3A_2092, %swap3A_2093, %swap3A_2094], %swap3A_2097 {strides = array<i32>} : memref<8x64x128xf32, #tpu.memory_space<vmem>>, vector<1x64x128xf32>,
      %swap3A_2098 = arith.constant 1 : index
      %swap3A_2099 = arith.constant 0 : index
      %swap3A_2100 = arith.constant 0 : index
      %swap3A_2101 = vector.load %arg18[%swap3A_2098, %swap3A_2099, %swap3A_2100] : memref<8x64x128xi32, #tpu.memory_space<vmem>>, vector<1x64x128xi32>
      %swap3A_2102 = vector.shape_cast %swap3A_2101 : vector<1x64x128xi32> to vector<64x128xi32>
      %swap3A_2103 = vector.shape_cast %select_n3A_2051 : vector<64x128xi32> to vector<1x64x128xi32>
      tpu.vector_store %arg18[%swap3A_2098, %swap3A_2099, %swap3A_2100], %swap3A_2103 {strides = array<i32>} : memref<8x64x128xi32, #tpu.memory_space<vmem>>, vector<1x64x128xi32>,
      %swap3A_2104 = arith.constant 2 : index
      %swap3A_2105 = arith.constant 0 : index
      %swap3A_2106 = arith.constant 0 : index
      %swap3A_2107 = vector.load %arg17[%swap3A_2104, %swap3A_2105, %swap3A_2106] : memref<8x64x128xf32, #tpu.memory_space<vmem>>, vector<1x64x128xf32>
      %swap3A_2108 = vector.shape_cast %swap3A_2107 : vector<1x64x128xf32> to vector<64x128xf32>
      %swap3A_2109 = vector.shape_cast %max3A_2053 : vector<64x128xf32> to vector<1x64x128xf32>
      tpu.vector_store %arg17[%swap3A_2104, %swap3A_2105, %swap3A_2106], %swap3A_2109 {strides = array<i32>} : memref<8x64x128xf32, #tpu.memory_space<vmem>>, vector<1x64x128xf32>,
      %swap3A_2110 = arith.constant 2 : index
      %swap3A_2111 = arith.constant 0 : index
      %swap3A_2112 = arith.constant 0 : index
      %swap3A_2113 = vector.load %arg18[%swap3A_2110, %swap3A_2111, %swap3A_2112] : memref<8x64x128xi32, #tpu.memory_space<vmem>>, vector<1x64x128xi32>
      %swap3A_2114 = vector.shape_cast %swap3A_2113 : vector<1x64x128xi32> to vector<64x128xi32>
      %swap3A_2115 = vector.shape_cast %select_n3A_2056 : vector<64x128xi32> to vector<1x64x128xi32>
      tpu.vector_store %arg18[%swap3A_2110, %swap3A_2111, %swap3A_2112], %swap3A_2115 {strides = array<i32>} : memref<8x64x128xi32, #tpu.memory_space<vmem>>, vector<1x64x128xi32>,
      %swap3A_2116 = arith.constant 3 : index
      %swap3A_2117 = arith.constant 0 : index
      %swap3A_2118 = arith.constant 0 : index
      %swap3A_2119 = vector.load %arg17[%swap3A_2116, %swap3A_2117, %swap3A_2118] : memref<8x64x128xf32, #tpu.memory_space<vmem>>, vector<1x64x128xf32>
      %swap3A_2120 = vector.shape_cast %swap3A_2119 : vector<1x64x128xf32> to vector<64x128xf32>
      %swap3A_2121 = vector.shape_cast %max3A_2058 : vector<64x128xf32> to vector<1x64x128xf32>
      tpu.vector_store %arg17[%swap3A_2116, %swap3A_2117, %swap3A_2118], %swap3A_2121 {strides = array<i32>} : memref<8x64x128xf32, #tpu.memory_space<vmem>>, vector<1x64x128xf32>,
      %swap3A_2122 = arith.constant 3 : index
      %swap3A_2123 = arith.constant 0 : index
      %swap3A_2124 = arith.constant 0 : index
      %swap3A_2125 = vector.load %arg18[%swap3A_2122, %swap3A_2123, %swap3A_2124] : memref<8x64x128xi32, #tpu.memory_space<vmem>>, vector<1x64x128xi32>
      %swap3A_2126 = vector.shape_cast %swap3A_2125 : vector<1x64x128xi32> to vector<64x128xi32>
      %swap3A_2127 = vector.shape_cast %select_n3A_2061 : vector<64x128xi32> to vector<1x64x128xi32>
      tpu.vector_store %arg18[%swap3A_2122, %swap3A_2123, %swap3A_2124], %swap3A_2127 {strides = array<i32>} : memref<8x64x128xi32, #tpu.memory_space<vmem>>, vector<1x64x128xi32>,
      %swap3A_2128 = arith.constant 4 : index
      %swap3A_2129 = arith.constant 0 : index
      %swap3A_2130 = arith.constant 0 : index
      %swap3A_2131 = vector.load %arg17[%swap3A_2128, %swap3A_2129, %swap3A_2130] : memref<8x64x128xf32, #tpu.memory_space<vmem>>, vector<1x64x128xf32>
      %swap3A_2132 = vector.shape_cast %swap3A_2131 : vector<1x64x128xf32> to vector<64x128xf32>
      %swap3A_2133 = vector.shape_cast %max3A_2063 : vector<64x128xf32> to vector<1x64x128xf32>
      tpu.vector_store %arg17[%swap3A_2128, %swap3A_2129, %swap3A_2130], %swap3A_2133 {strides = array<i32>} : memref<8x64x128xf32, #tpu.memory_space<vmem>>, vector<1x64x128xf32>,
      %swap3A_2134 = arith.constant 4 : index
      %swap3A_2135 = arith.constant 0 : index
      %swap3A_2136 = arith.constant 0 : index
      %swap3A_2137 = vector.load %arg18[%swap3A_2134, %swap3A_2135, %swap3A_2136] : memref<8x64x128xi32, #tpu.memory_space<vmem>>, vector<1x64x128xi32>
      %swap3A_2138 = vector.shape_cast %swap3A_2137 : vector<1x64x128xi32> to vector<64x128xi32>
      %swap3A_2139 = vector.shape_cast %select_n3A_2066 : vector<64x128xi32> to vector<1x64x128xi32>
      tpu.vector_store %arg18[%swap3A_2134, %swap3A_2135, %swap3A_2136], %swap3A_2139 {strides = array<i32>} : memref<8x64x128xi32, #tpu.memory_space<vmem>>, vector<1x64x128xi32>,
      %swap3A_2140 = arith.constant 5 : index
      %swap3A_2141 = arith.constant 0 : index
      %swap3A_2142 = arith.constant 0 : index
      %swap3A_2143 = vector.load %arg17[%swap3A_2140, %swap3A_2141, %swap3A_2142] : memref<8x64x128xf32, #tpu.memory_space<vmem>>, vector<1x64x128xf32>
      %swap3A_2144 = vector.shape_cast %swap3A_2143 : vector<1x64x128xf32> to vector<64x128xf32>
      %swap3A_2145 = vector.shape_cast %max3A_2068 : vector<64x128xf32> to vector<1x64x128xf32>
      tpu.vector_store %arg17[%swap3A_2140, %swap3A_2141, %swap3A_2142], %swap3A_2145 {strides = array<i32>} : memref<8x64x128xf32, #tpu.memory_space<vmem>>, vector<1x64x128xf32>,
      %swap3A_2146 = arith.constant 5 : index
      %swap3A_2147 = arith.constant 0 : index
      %swap3A_2148 = arith.constant 0 : index
      %swap3A_2149 = vector.load %arg18[%swap3A_2146, %swap3A_2147, %swap3A_2148] : memref<8x64x128xi32, #tpu.memory_space<vmem>>, vector<1x64x128xi32>
      %swap3A_2150 = vector.shape_cast %swap3A_2149 : vector<1x64x128xi32> to vector<64x128xi32>
      %swap3A_2151 = vector.shape_cast %select_n3A_2071 : vector<64x128xi32> to vector<1x64x128xi32>
      tpu.vector_store %arg18[%swap3A_2146, %swap3A_2147, %swap3A_2148], %swap3A_2151 {strides = array<i32>} : memref<8x64x128xi32, #tpu.memory_space<vmem>>, vector<1x64x128xi32>,
      %swap3A_2152 = arith.constant 6 : index
      %swap3A_2153 = arith.constant 0 : index
      %swap3A_2154 = arith.constant 0 : index
      %swap3A_2155 = vector.load %arg17[%swap3A_2152, %swap3A_2153, %swap3A_2154] : memref<8x64x128xf32, #tpu.memory_space<vmem>>, vector<1x64x128xf32>
      %swap3A_2156 = vector.shape_cast %swap3A_2155 : vector<1x64x128xf32> to vector<64x128xf32>
      %swap3A_2157 = vector.shape_cast %max3A_2073 : vector<64x128xf32> to vector<1x64x128xf32>
      tpu.vector_store %arg17[%swap3A_2152, %swap3A_2153, %swap3A_2154], %swap3A_2157 {strides = array<i32>} : memref<8x64x128xf32, #tpu.memory_space<vmem>>, vector<1x64x128xf32>,
      %swap3A_2158 = arith.constant 6 : index
      %swap3A_2159 = arith.constant 0 : index
      %swap3A_2160 = arith.constant 0 : index
      %swap3A_2161 = vector.load %arg18[%swap3A_2158, %swap3A_2159, %swap3A_2160] : memref<8x64x128xi32, #tpu.memory_space<vmem>>, vector<1x64x128xi32>
      %swap3A_2162 = vector.shape_cast %swap3A_2161 : vector<1x64x128xi32> to vector<64x128xi32>
      %swap3A_2163 = vector.shape_cast %select_n3A_2076 : vector<64x128xi32> to vector<1x64x128xi32>
      tpu.vector_store %arg18[%swap3A_2158, %swap3A_2159, %swap3A_2160], %swap3A_2163 {strides = array<i32>} : memref<8x64x128xi32, #tpu.memory_space<vmem>>, vector<1x64x128xi32>,
      %swap3A_2164 = arith.constant 7 : index
      %swap3A_2165 = arith.constant 0 : index
      %swap3A_2166 = arith.constant 0 : index
      %swap3A_2167 = vector.load %arg17[%swap3A_2164, %swap3A_2165, %swap3A_2166] : memref<8x64x128xf32, #tpu.memory_space<vmem>>, vector<1x64x128xf32>
      %swap3A_2168 = vector.shape_cast %swap3A_2167 : vector<1x64x128xf32> to vector<64x128xf32>
      %swap3A_2169 = vector.shape_cast %max3A_2078 : vector<64x128xf32> to vector<1x64x128xf32>
      tpu.vector_store %arg17[%swap3A_2164, %swap3A_2165, %swap3A_2166], %swap3A_2169 {strides = array<i32>} : memref<8x64x128xf32, #tpu.memory_space<vmem>>, vector<1x64x128xf32>,
      %swap3A_2170 = arith.constant 7 : index
      %swap3A_2171 = arith.constant 0 : index
      %swap3A_2172 = arith.constant 0 : index
      %swap3A_2173 = vector.load %arg18[%swap3A_2170, %swap3A_2171, %swap3A_2172] : memref<8x64x128xi32, #tpu.memory_space<vmem>>, vector<1x64x128xi32>
      %swap3A_2174 = vector.shape_cast %swap3A_2173 : vector<1x64x128xi32> to vector<64x128xi32>
      %swap3A_2175 = vector.shape_cast %select_n3A_2080 : vector<64x128xi32> to vector<1x64x128xi32>
      tpu.vector_store %arg18[%swap3A_2170, %swap3A_2171, %swap3A_2172], %swap3A_2175 {strides = array<i32>} : memref<8x64x128xi32, #tpu.memory_space<vmem>>, vector<1x64x128xi32>,
      %reduce_max3A = arith.constant dense<0xFF800000> : vector<64xf32>
      %reduce_max3A_2176 = vector.multi_reduction <maximumf>, %max3A_2042, %reduce_max3A [1] : vector<64x128xf32> to vector<64xf32>
      %broadcast_in_dim3A_2177 = vector.shape_cast %reduce_max3A_2176 : vector<64xf32> to vector<64x1xf32>
      %get3A_2178 = arith.constant 0 : index
      %get3A_2179 = arith.constant 0 : index
      %get3A_2180 = vector.load %arg15[%get3A_2178, %get3A_2179] : memref<64x128xf32, #tpu.memory_space<vmem>>, vector<64x128xf32>
      %slice3A = vector.extract_strided_slice %get3A_2180 {offsets = [0, 0], sizes = [64, 1], strides = [1, 1]} : vector<64x128xf32> to vector<64x1xf32>
      %max3A_2181 = arith.maximumf %slice3A, %broadcast_in_dim3A_2177 : vector<64x1xf32>
      %broadcast_in_dim3A_2182 = arith.constant 0.000000e+00 : f32
      %broadcast_in_dim3A_2183 = vector.broadcast %broadcast_in_dim3A_2182 : f32 to vector<64x128xf32>
      %sub3A_2184 = arith.constant 1 : i32
      %sub3A_2185 = arith.subi %sub3A_2184, %rem3A_2 : i32
      %get3A_2186 = arith.index_cast %sub3A_2185 : i32 to index
      %get3A_2187 = arith.constant 0 : index
      %get3A_2188 = arith.constant 0 : index
      %get3A_2189 = vector.load %arg19[%get3A_2186, %get3A_2187, %get3A_2188] : memref<2x64x4992xf32, #tpu.memory_space<vmem>>, vector<1x64x128xf32>
      %get3A_2190 = vector.shape_cast %get3A_2189 : vector<1x64x128xf32> to vector<64x128xf32>
      %sub3A_2191 = vector.broadcast %max3A_2181 : vector<64x1xf32> to vector<64x128xf32>
      %sub3A_2192 = arith.subf %get3A_2190, %sub3A_2191 : vector<64x128xf32>
      %exp3A = math.exp %sub3A_2192 : vector<64x128xf32>
      %add3A_2193 = arith.addf %broadcast_in_dim3A_2183, %exp3A : vector<64x128xf32>
      %sub3A_2194 = arith.constant 1 : i32
      %sub3A_2195 = arith.subi %sub3A_2194, %rem3A_2 : i32
      %get3A_2196 = arith.index_cast %sub3A_2195 : i32 to index
      %get3A_2197 = arith.constant 0 : index
      %get3A_2198 = arith.constant 128 : index
      %get3A_2199 = vector.load %arg19[%get3A_2196, %get3A_2197, %get3A_2198] : memref<2x64x4992xf32, #tpu.memory_space<vmem>>, vector<1x64x128xf32>
      %get3A_2200 = vector.shape_cast %get3A_2199 : vector<1x64x128xf32> to vector<64x128xf32>
      %sub3A_2201 = vector.broadcast %max3A_2181 : vector<64x1xf32> to vector<64x128xf32>
      %sub3A_2202 = arith.subf %get3A_2200, %sub3A_2201 : vector<64x128xf32>
      %exp3A_2203 = math.exp %sub3A_2202 : vector<64x128xf32>
      %add3A_2204 = arith.addf %add3A_2193, %exp3A_2203 : vector<64x128xf32>
      %sub3A_2205 = arith.constant 1 : i32
      %sub3A_2206 = arith.subi %sub3A_2205, %rem3A_2 : i32
      %get3A_2207 = arith.index_cast %sub3A_2206 : i32 to index
      %get3A_2208 = arith.constant 0 : index
      %get3A_2209 = arith.constant 256 : index
      %get3A_2210 = vector.load %arg19[%get3A_2207, %get3A_2208, %get3A_2209] : memref<2x64x4992xf32, #tpu.memory_space<vmem>>, vector<1x64x128xf32>
      %get3A_2211 = vector.shape_cast %get3A_2210 : vector<1x64x128xf32> to vector<64x128xf32>
      %sub3A_2212 = vector.broadcast %max3A_2181 : vector<64x1xf32> to vector<64x128xf32>
      %sub3A_2213 = arith.subf %get3A_2211, %sub3A_2212 : vector<64x128xf32>
      %exp3A_2214 = math.exp %sub3A_2213 : vector<64x128xf32>
      %add3A_2215 = arith.addf %add3A_2204, %exp3A_2214 : vector<64x128xf32>
      %sub3A_2216 = arith.constant 1 : i32
      %sub3A_2217 = arith.subi %sub3A_2216, %rem3A_2 : i32
      %get3A_2218 = arith.index_cast %sub3A_2217 : i32 to index
      %get3A_2219 = arith.constant 0 : index
      %get3A_2220 = arith.constant 384 : index
      %get3A_2221 = vector.load %arg19[%get3A_2218, %get3A_2219, %get3A_2220] : memref<2x64x4992xf32, #tpu.memory_space<vmem>>, vector<1x64x128xf32>
      %get3A_2222 = vector.shape_cast %get3A_2221 : vector<1x64x128xf32> to vector<64x128xf32>
      %sub3A_2223 = vector.broadcast %max3A_2181 : vector<64x1xf32> to vector<64x128xf32>
      %sub3A_2224 = arith.subf %get3A_2222, %sub3A_2223 : vector<64x128xf32>
      %exp3A_2225 = math.exp %sub3A_2224 : vector<64x128xf32>
      %add3A_2226 = arith.addf %add3A_2215, %exp3A_2225 : vector<64x128xf32>
      %sub3A_2227 = arith.constant 1 : i32
      %sub3A_2228 = arith.subi %sub3A_2227, %rem3A_2 : i32
      %get3A_2229 = arith.index_cast %sub3A_2228 : i32 to index
      %get3A_2230 = arith.constant 0 : index
      %get3A_2231 = arith.constant 512 : index
      %get3A_2232 = vector.load %arg19[%get3A_2229, %get3A_2230, %get3A_2231] : memref<2x64x4992xf32, #tpu.memory_space<vmem>>, vector<1x64x128xf32>
      %get3A_2233 = vector.shape_cast %get3A_2232 : vector<1x64x128xf32> to vector<64x128xf32>
      %sub3A_2234 = vector.broadcast %max3A_2181 : vector<64x1xf32> to vector<64x128xf32>
      %sub3A_2235 = arith.subf %get3A_2233, %sub3A_2234 : vector<64x128xf32>
      %exp3A_2236 = math.exp %sub3A_2235 : vector<64x128xf32>
      %add3A_2237 = arith.addf %add3A_2226, %exp3A_2236 : vector<64x128xf32>
      %sub3A_2238 = arith.constant 1 : i32
      %sub3A_2239 = arith.subi %sub3A_2238, %rem3A_2 : i32
      %get3A_2240 = arith.index_cast %sub3A_2239 : i32 to index
      %get3A_2241 = arith.constant 0 : index
      %get3A_2242 = arith.constant 640 : index
      %get3A_2243 = vector.load %arg19[%get3A_2240, %get3A_2241, %get3A_2242] : memref<2x64x4992xf32, #tpu.memory_space<vmem>>, vector<1x64x128xf32>
      %get3A_2244 = vector.shape_cast %get3A_2243 : vector<1x64x128xf32> to vector<64x128xf32>
      %sub3A_2245 = vector.broadcast %max3A_2181 : vector<64x1xf32> to vector<64x128xf32>
      %sub3A_2246 = arith.subf %get3A_2244, %sub3A_2245 : vector<64x128xf32>
      %exp3A_2247 = math.exp %sub3A_2246 : vector<64x128xf32>
      %add3A_2248 = arith.addf %add3A_2237, %exp3A_2247 : vector<64x128xf32>
      %sub3A_2249 = arith.constant 1 : i32
      %sub3A_2250 = arith.subi %sub3A_2249, %rem3A_2 : i32
      %get3A_2251 = arith.index_cast %sub3A_2250 : i32 to index
      %get3A_2252 = arith.constant 0 : index
      %get3A_2253 = arith.constant 768 : index
      %get3A_2254 = vector.load %arg19[%get3A_2251, %get3A_2252, %get3A_2253] : memref<2x64x4992xf32, #tpu.memory_space<vmem>>, vector<1x64x128xf32>
      %get3A_2255 = vector.shape_cast %get3A_2254 : vector<1x64x128xf32> to vector<64x128xf32>
      %sub3A_2256 = vector.broadcast %max3A_2181 : vector<64x1xf32> to vector<64x128xf32>
      %sub3A_2257 = arith.subf %get3A_2255, %sub3A_2256 : vector<64x128xf32>
      %exp3A_2258 = math.exp %sub3A_2257 : vector<64x128xf32>
      %add3A_2259 = arith.addf %add3A_2248, %exp3A_2258 : vector<64x128xf32>
      %sub3A_2260 = arith.constant 1 : i32
      %sub3A_2261 = arith.subi %sub3A_2260, %rem3A_2 : i32
      %get3A_2262 = arith.index_cast %sub3A_2261 : i32 to index
      %get3A_2263 = arith.constant 0 : index
      %get3A_2264 = arith.constant 896 : index
      %get3A_2265 = vector.load %arg19[%get3A_2262, %get3A_2263, %get3A_2264] : memref<2x64x4992xf32, #tpu.memory_space<vmem>>, vector<1x64x128xf32>
      %get3A_2266 = vector.shape_cast %get3A_2265 : vector<1x64x128xf32> to vector<64x128xf32>
      %sub3A_2267 = vector.broadcast %max3A_2181 : vector<64x1xf32> to vector<64x128xf32>
      %sub3A_2268 = arith.subf %get3A_2266, %sub3A_2267 : vector<64x128xf32>
      %exp3A_2269 = math.exp %sub3A_2268 : vector<64x128xf32>
      %add3A_2270 = arith.addf %add3A_2259, %exp3A_2269 : vector<64x128xf32>
      %sub3A_2271 = arith.constant 1 : i32
      %sub3A_2272 = arith.subi %sub3A_2271, %rem3A_2 : i32
      %get3A_2273 = arith.index_cast %sub3A_2272 : i32 to index
      %get3A_2274 = arith.constant 0 : index
      %get3A_2275 = arith.constant 1024 : index
      %get3A_2276 = vector.load %arg19[%get3A_2273, %get3A_2274, %get3A_2275] : memref<2x64x4992xf32, #tpu.memory_space<vmem>>, vector<1x64x128xf32>
      %get3A_2277 = vector.shape_cast %get3A_2276 : vector<1x64x128xf32> to vector<64x128xf32>
      %sub3A_2278 = vector.broadcast %max3A_2181 : vector<64x1xf32> to vector<64x128xf32>
      %sub3A_2279 = arith.subf %get3A_2277, %sub3A_2278 : vector<64x128xf32>
      %exp3A_2280 = math.exp %sub3A_2279 : vector<64x128xf32>
      %add3A_2281 = arith.addf %add3A_2270, %exp3A_2280 : vector<64x128xf32>
      %sub3A_2282 = arith.constant 1 : i32
      %sub3A_2283 = arith.subi %sub3A_2282, %rem3A_2 : i32
      %get3A_2284 = arith.index_cast %sub3A_2283 : i32 to index
      %get3A_2285 = arith.constant 0 : index
      %get3A_2286 = arith.constant 1152 : index
      %get3A_2287 = vector.load %arg19[%get3A_2284, %get3A_2285, %get3A_2286] : memref<2x64x4992xf32, #tpu.memory_space<vmem>>, vector<1x64x128xf32>
      %get3A_2288 = vector.shape_cast %get3A_2287 : vector<1x64x128xf32> to vector<64x128xf32>
      %sub3A_2289 = vector.broadcast %max3A_2181 : vector<64x1xf32> to vector<64x128xf32>
      %sub3A_2290 = arith.subf %get3A_2288, %sub3A_2289 : vector<64x128xf32>
      %exp3A_2291 = math.exp %sub3A_2290 : vector<64x128xf32>
      %add3A_2292 = arith.addf %add3A_2281, %exp3A_2291 : vector<64x128xf32>
      %sub3A_2293 = arith.constant 1 : i32
      %sub3A_2294 = arith.subi %sub3A_2293, %rem3A_2 : i32
      %get3A_2295 = arith.index_cast %sub3A_2294 : i32 to index
      %get3A_2296 = arith.constant 0 : index
      %get3A_2297 = arith.constant 1280 : index
      %get3A_2298 = vector.load %arg19[%get3A_2295, %get3A_2296, %get3A_2297] : memref<2x64x4992xf32, #tpu.memory_space<vmem>>, vector<1x64x128xf32>
      %get3A_2299 = vector.shape_cast %get3A_2298 : vector<1x64x128xf32> to vector<64x128xf32>
      %sub3A_2300 = vector.broadcast %max3A_2181 : vector<64x1xf32> to vector<64x128xf32>
      %sub3A_2301 = arith.subf %get3A_2299, %sub3A_2300 : vector<64x128xf32>
      %exp3A_2302 = math.exp %sub3A_2301 : vector<64x128xf32>
      %add3A_2303 = arith.addf %add3A_2292, %exp3A_2302 : vector<64x128xf32>
      %sub3A_2304 = arith.constant 1 : i32
      %sub3A_2305 = arith.subi %sub3A_2304, %rem3A_2 : i32
      %get3A_2306 = arith.index_cast %sub3A_2305 : i32 to index
      %get3A_2307 = arith.constant 0 : index
      %get3A_2308 = arith.constant 1408 : index
      %get3A_2309 = vector.load %arg19[%get3A_2306, %get3A_2307, %get3A_2308] : memref<2x64x4992xf32, #tpu.memory_space<vmem>>, vector<1x64x128xf32>
      %get3A_2310 = vector.shape_cast %get3A_2309 : vector<1x64x128xf32> to vector<64x128xf32>
      %sub3A_2311 = vector.broadcast %max3A_2181 : vector<64x1xf32> to vector<64x128xf32>
      %sub3A_2312 = arith.subf %get3A_2310, %sub3A_2311 : vector<64x128xf32>
      %exp3A_2313 = math.exp %sub3A_2312 : vector<64x128xf32>
      %add3A_2314 = arith.addf %add3A_2303, %exp3A_2313 : vector<64x128xf32>
      %sub3A_2315 = arith.constant 1 : i32
      %sub3A_2316 = arith.subi %sub3A_2315, %rem3A_2 : i32
      %get3A_2317 = arith.index_cast %sub3A_2316 : i32 to index
      %get3A_2318 = arith.constant 0 : index
      %get3A_2319 = arith.constant 1536 : index
      %get3A_2320 = vector.load %arg19[%get3A_2317, %get3A_2318, %get3A_2319] : memref<2x64x4992xf32, #tpu.memory_space<vmem>>, vector<1x64x128xf32>
      %get3A_2321 = vector.shape_cast %get3A_2320 : vector<1x64x128xf32> to vector<64x128xf32>
      %sub3A_2322 = vector.broadcast %max3A_2181 : vector<64x1xf32> to vector<64x128xf32>
      %sub3A_2323 = arith.subf %get3A_2321, %sub3A_2322 : vector<64x128xf32>
      %exp3A_2324 = math.exp %sub3A_2323 : vector<64x128xf32>
      %add3A_2325 = arith.addf %add3A_2314, %exp3A_2324 : vector<64x128xf32>
      %sub3A_2326 = arith.constant 1 : i32
      %sub3A_2327 = arith.subi %sub3A_2326, %rem3A_2 : i32
      %get3A_2328 = arith.index_cast %sub3A_2327 : i32 to index
      %get3A_2329 = arith.constant 0 : index
      %get3A_2330 = arith.constant 1664 : index
      %get3A_2331 = vector.load %arg19[%get3A_2328, %get3A_2329, %get3A_2330] : memref<2x64x4992xf32, #tpu.memory_space<vmem>>, vector<1x64x128xf32>
      %get3A_2332 = vector.shape_cast %get3A_2331 : vector<1x64x128xf32> to vector<64x128xf32>
      %sub3A_2333 = vector.broadcast %max3A_2181 : vector<64x1xf32> to vector<64x128xf32>
      %sub3A_2334 = arith.subf %get3A_2332, %sub3A_2333 : vector<64x128xf32>
      %exp3A_2335 = math.exp %sub3A_2334 : vector<64x128xf32>
      %add3A_2336 = arith.addf %add3A_2325, %exp3A_2335 : vector<64x128xf32>
      %sub3A_2337 = arith.constant 1 : i32
      %sub3A_2338 = arith.subi %sub3A_2337, %rem3A_2 : i32
      %get3A_2339 = arith.index_cast %sub3A_2338 : i32 to index
      %get3A_2340 = arith.constant 0 : index
      %get3A_2341 = arith.constant 1792 : index
      %get3A_2342 = vector.load %arg19[%get3A_2339, %get3A_2340, %get3A_2341] : memref<2x64x4992xf32, #tpu.memory_space<vmem>>, vector<1x64x128xf32>
      %get3A_2343 = vector.shape_cast %get3A_2342 : vector<1x64x128xf32> to vector<64x128xf32>
      %sub3A_2344 = vector.broadcast %max3A_2181 : vector<64x1xf32> to vector<64x128xf32>
      %sub3A_2345 = arith.subf %get3A_2343, %sub3A_2344 : vector<64x128xf32>
      %exp3A_2346 = math.exp %sub3A_2345 : vector<64x128xf32>
      %add3A_2347 = arith.addf %add3A_2336, %exp3A_2346 : vector<64x128xf32>
      %sub3A_2348 = arith.constant 1 : i32
      %sub3A_2349 = arith.subi %sub3A_2348, %rem3A_2 : i32
      %get3A_2350 = arith.index_cast %sub3A_2349 : i32 to index
      %get3A_2351 = arith.constant 0 : index
      %get3A_2352 = arith.constant 1920 : index
      %get3A_2353 = vector.load %arg19[%get3A_2350, %get3A_2351, %get3A_2352] : memref<2x64x4992xf32, #tpu.memory_space<vmem>>, vector<1x64x128xf32>
      %get3A_2354 = vector.shape_cast %get3A_2353 : vector<1x64x128xf32> to vector<64x128xf32>
      %sub3A_2355 = vector.broadcast %max3A_2181 : vector<64x1xf32> to vector<64x128xf32>
      %sub3A_2356 = arith.subf %get3A_2354, %sub3A_2355 : vector<64x128xf32>
      %exp3A_2357 = math.exp %sub3A_2356 : vector<64x128xf32>
      %add3A_2358 = arith.addf %add3A_2347, %exp3A_2357 : vector<64x128xf32>
      %sub3A_2359 = arith.constant 1 : i32
      %sub3A_2360 = arith.subi %sub3A_2359, %rem3A_2 : i32
      %get3A_2361 = arith.index_cast %sub3A_2360 : i32 to index
      %get3A_2362 = arith.constant 0 : index
      %get3A_2363 = arith.constant 2048 : index
      %get3A_2364 = vector.load %arg19[%get3A_2361, %get3A_2362, %get3A_2363] : memref<2x64x4992xf32, #tpu.memory_space<vmem>>, vector<1x64x128xf32>
      %get3A_2365 = vector.shape_cast %get3A_2364 : vector<1x64x128xf32> to vector<64x128xf32>
      %sub3A_2366 = vector.broadcast %max3A_2181 : vector<64x1xf32> to vector<64x128xf32>
      %sub3A_2367 = arith.subf %get3A_2365, %sub3A_2366 : vector<64x128xf32>
      %exp3A_2368 = math.exp %sub3A_2367 : vector<64x128xf32>
      %add3A_2369 = arith.addf %add3A_2358, %exp3A_2368 : vector<64x128xf32>
      %sub3A_2370 = arith.constant 1 : i32
      %sub3A_2371 = arith.subi %sub3A_2370, %rem3A_2 : i32
      %get3A_2372 = arith.index_cast %sub3A_2371 : i32 to index
      %get3A_2373 = arith.constant 0 : index
      %get3A_2374 = arith.constant 2176 : index
      %get3A_2375 = vector.load %arg19[%get3A_2372, %get3A_2373, %get3A_2374] : memref<2x64x4992xf32, #tpu.memory_space<vmem>>, vector<1x64x128xf32>
      %get3A_2376 = vector.shape_cast %get3A_2375 : vector<1x64x128xf32> to vector<64x128xf32>
      %sub3A_2377 = vector.broadcast %max3A_2181 : vector<64x1xf32> to vector<64x128xf32>
      %sub3A_2378 = arith.subf %get3A_2376, %sub3A_2377 : vector<64x128xf32>
      %exp3A_2379 = math.exp %sub3A_2378 : vector<64x128xf32>
      %add3A_2380 = arith.addf %add3A_2369, %exp3A_2379 : vector<64x128xf32>
      %sub3A_2381 = arith.constant 1 : i32
      %sub3A_2382 = arith.subi %sub3A_2381, %rem3A_2 : i32
      %get3A_2383 = arith.index_cast %sub3A_2382 : i32 to index
      %get3A_2384 = arith.constant 0 : index
      %get3A_2385 = arith.constant 2304 : index
      %get3A_2386 = vector.load %arg19[%get3A_2383, %get3A_2384, %get3A_2385] : memref<2x64x4992xf32, #tpu.memory_space<vmem>>, vector<1x64x128xf32>
      %get3A_2387 = vector.shape_cast %get3A_2386 : vector<1x64x128xf32> to vector<64x128xf32>
      %sub3A_2388 = vector.broadcast %max3A_2181 : vector<64x1xf32> to vector<64x128xf32>
      %sub3A_2389 = arith.subf %get3A_2387, %sub3A_2388 : vector<64x128xf32>
      %exp3A_2390 = math.exp %sub3A_2389 : vector<64x128xf32>
      %add3A_2391 = arith.addf %add3A_2380, %exp3A_2390 : vector<64x128xf32>
      %sub3A_2392 = arith.constant 1 : i32
      %sub3A_2393 = arith.subi %sub3A_2392, %rem3A_2 : i32
      %get3A_2394 = arith.index_cast %sub3A_2393 : i32 to index
      %get3A_2395 = arith.constant 0 : index
      %get3A_2396 = arith.constant 2432 : index
      %get3A_2397 = vector.load %arg19[%get3A_2394, %get3A_2395, %get3A_2396] : memref<2x64x4992xf32, #tpu.memory_space<vmem>>, vector<1x64x128xf32>
      %get3A_2398 = vector.shape_cast %get3A_2397 : vector<1x64x128xf32> to vector<64x128xf32>
      %sub3A_2399 = vector.broadcast %max3A_2181 : vector<64x1xf32> to vector<64x128xf32>
      %sub3A_2400 = arith.subf %get3A_2398, %sub3A_2399 : vector<64x128xf32>
      %exp3A_2401 = math.exp %sub3A_2400 : vector<64x128xf32>
      %add3A_2402 = arith.addf %add3A_2391, %exp3A_2401 : vector<64x128xf32>
      %sub3A_2403 = arith.constant 1 : i32
      %sub3A_2404 = arith.subi %sub3A_2403, %rem3A_2 : i32
      %get3A_2405 = arith.index_cast %sub3A_2404 : i32 to index
      %get3A_2406 = arith.constant 0 : index
      %get3A_2407 = arith.constant 2560 : index
      %get3A_2408 = vector.load %arg19[%get3A_2405, %get3A_2406, %get3A_2407] : memref<2x64x4992xf32, #tpu.memory_space<vmem>>, vector<1x64x128xf32>
      %get3A_2409 = vector.shape_cast %get3A_2408 : vector<1x64x128xf32> to vector<64x128xf32>
      %sub3A_2410 = vector.broadcast %max3A_2181 : vector<64x1xf32> to vector<64x128xf32>
      %sub3A_2411 = arith.subf %get3A_2409, %sub3A_2410 : vector<64x128xf32>
      %exp3A_2412 = math.exp %sub3A_2411 : vector<64x128xf32>
      %add3A_2413 = arith.addf %add3A_2402, %exp3A_2412 : vector<64x128xf32>
      %sub3A_2414 = arith.constant 1 : i32
      %sub3A_2415 = arith.subi %sub3A_2414, %rem3A_2 : i32
      %get3A_2416 = arith.index_cast %sub3A_2415 : i32 to index
      %get3A_2417 = arith.constant 0 : index
      %get3A_2418 = arith.constant 2688 : index
      %get3A_2419 = vector.load %arg19[%get3A_2416, %get3A_2417, %get3A_2418] : memref<2x64x4992xf32, #tpu.memory_space<vmem>>, vector<1x64x128xf32>
      %get3A_2420 = vector.shape_cast %get3A_2419 : vector<1x64x128xf32> to vector<64x128xf32>
      %sub3A_2421 = vector.broadcast %max3A_2181 : vector<64x1xf32> to vector<64x128xf32>
      %sub3A_2422 = arith.subf %get3A_2420, %sub3A_2421 : vector<64x128xf32>
      %exp3A_2423 = math.exp %sub3A_2422 : vector<64x128xf32>
      %add3A_2424 = arith.addf %add3A_2413, %exp3A_2423 : vector<64x128xf32>
      %sub3A_2425 = arith.constant 1 : i32
      %sub3A_2426 = arith.subi %sub3A_2425, %rem3A_2 : i32
      %get3A_2427 = arith.index_cast %sub3A_2426 : i32 to index
      %get3A_2428 = arith.constant 0 : index
      %get3A_2429 = arith.constant 2816 : index
      %get3A_2430 = vector.load %arg19[%get3A_2427, %get3A_2428, %get3A_2429] : memref<2x64x4992xf32, #tpu.memory_space<vmem>>, vector<1x64x128xf32>
      %get3A_2431 = vector.shape_cast %get3A_2430 : vector<1x64x128xf32> to vector<64x128xf32>
      %sub3A_2432 = vector.broadcast %max3A_2181 : vector<64x1xf32> to vector<64x128xf32>
      %sub3A_2433 = arith.subf %get3A_2431, %sub3A_2432 : vector<64x128xf32>
      %exp3A_2434 = math.exp %sub3A_2433 : vector<64x128xf32>
      %add3A_2435 = arith.addf %add3A_2424, %exp3A_2434 : vector<64x128xf32>
      %sub3A_2436 = arith.constant 1 : i32
      %sub3A_2437 = arith.subi %sub3A_2436, %rem3A_2 : i32
      %get3A_2438 = arith.index_cast %sub3A_2437 : i32 to index
      %get3A_2439 = arith.constant 0 : index
      %get3A_2440 = arith.constant 2944 : index
      %get3A_2441 = vector.load %arg19[%get3A_2438, %get3A_2439, %get3A_2440] : memref<2x64x4992xf32, #tpu.memory_space<vmem>>, vector<1x64x128xf32>
      %get3A_2442 = vector.shape_cast %get3A_2441 : vector<1x64x128xf32> to vector<64x128xf32>
      %sub3A_2443 = vector.broadcast %max3A_2181 : vector<64x1xf32> to vector<64x128xf32>
      %sub3A_2444 = arith.subf %get3A_2442, %sub3A_2443 : vector<64x128xf32>
      %exp3A_2445 = math.exp %sub3A_2444 : vector<64x128xf32>
      %add3A_2446 = arith.addf %add3A_2435, %exp3A_2445 : vector<64x128xf32>
      %sub3A_2447 = arith.constant 1 : i32
      %sub3A_2448 = arith.subi %sub3A_2447, %rem3A_2 : i32
      %get3A_2449 = arith.index_cast %sub3A_2448 : i32 to index
      %get3A_2450 = arith.constant 0 : index
      %get3A_2451 = arith.constant 3072 : index
      %get3A_2452 = vector.load %arg19[%get3A_2449, %get3A_2450, %get3A_2451] : memref<2x64x4992xf32, #tpu.memory_space<vmem>>, vector<1x64x128xf32>
      %get3A_2453 = vector.shape_cast %get3A_2452 : vector<1x64x128xf32> to vector<64x128xf32>
      %sub3A_2454 = vector.broadcast %max3A_2181 : vector<64x1xf32> to vector<64x128xf32>
      %sub3A_2455 = arith.subf %get3A_2453, %sub3A_2454 : vector<64x128xf32>
      %exp3A_2456 = math.exp %sub3A_2455 : vector<64x128xf32>
      %add3A_2457 = arith.addf %add3A_2446, %exp3A_2456 : vector<64x128xf32>
      %sub3A_2458 = arith.constant 1 : i32
      %sub3A_2459 = arith.subi %sub3A_2458, %rem3A_2 : i32
      %get3A_2460 = arith.index_cast %sub3A_2459 : i32 to index
      %get3A_2461 = arith.constant 0 : index
      %get3A_2462 = arith.constant 3200 : index
      %get3A_2463 = vector.load %arg19[%get3A_2460, %get3A_2461, %get3A_2462] : memref<2x64x4992xf32, #tpu.memory_space<vmem>>, vector<1x64x128xf32>
      %get3A_2464 = vector.shape_cast %get3A_2463 : vector<1x64x128xf32> to vector<64x128xf32>
      %sub3A_2465 = vector.broadcast %max3A_2181 : vector<64x1xf32> to vector<64x128xf32>
      %sub3A_2466 = arith.subf %get3A_2464, %sub3A_2465 : vector<64x128xf32>
      %exp3A_2467 = math.exp %sub3A_2466 : vector<64x128xf32>
      %add3A_2468 = arith.addf %add3A_2457, %exp3A_2467 : vector<64x128xf32>
      %sub3A_2469 = arith.constant 1 : i32
      %sub3A_2470 = arith.subi %sub3A_2469, %rem3A_2 : i32
      %get3A_2471 = arith.index_cast %sub3A_2470 : i32 to index
      %get3A_2472 = arith.constant 0 : index
      %get3A_2473 = arith.constant 3328 : index
      %get3A_2474 = vector.load %arg19[%get3A_2471, %get3A_2472, %get3A_2473] : memref<2x64x4992xf32, #tpu.memory_space<vmem>>, vector<1x64x128xf32>
      %get3A_2475 = vector.shape_cast %get3A_2474 : vector<1x64x128xf32> to vector<64x128xf32>
      %sub3A_2476 = vector.broadcast %max3A_2181 : vector<64x1xf32> to vector<64x128xf32>
      %sub3A_2477 = arith.subf %get3A_2475, %sub3A_2476 : vector<64x128xf32>
      %exp3A_2478 = math.exp %sub3A_2477 : vector<64x128xf32>
      %add3A_2479 = arith.addf %add3A_2468, %exp3A_2478 : vector<64x128xf32>
      %sub3A_2480 = arith.constant 1 : i32
      %sub3A_2481 = arith.subi %sub3A_2480, %rem3A_2 : i32
      %get3A_2482 = arith.index_cast %sub3A_2481 : i32 to index
      %get3A_2483 = arith.constant 0 : index
      %get3A_2484 = arith.constant 3456 : index
      %get3A_2485 = vector.load %arg19[%get3A_2482, %get3A_2483, %get3A_2484] : memref<2x64x4992xf32, #tpu.memory_space<vmem>>, vector<1x64x128xf32>
      %get3A_2486 = vector.shape_cast %get3A_2485 : vector<1x64x128xf32> to vector<64x128xf32>
      %sub3A_2487 = vector.broadcast %max3A_2181 : vector<64x1xf32> to vector<64x128xf32>
      %sub3A_2488 = arith.subf %get3A_2486, %sub3A_2487 : vector<64x128xf32>
      %exp3A_2489 = math.exp %sub3A_2488 : vector<64x128xf32>
      %add3A_2490 = arith.addf %add3A_2479, %exp3A_2489 : vector<64x128xf32>
      %sub3A_2491 = arith.constant 1 : i32
      %sub3A_2492 = arith.subi %sub3A_2491, %rem3A_2 : i32
      %get3A_2493 = arith.index_cast %sub3A_2492 : i32 to index
      %get3A_2494 = arith.constant 0 : index
      %get3A_2495 = arith.constant 3584 : index
      %get3A_2496 = vector.load %arg19[%get3A_2493, %get3A_2494, %get3A_2495] : memref<2x64x4992xf32, #tpu.memory_space<vmem>>, vector<1x64x128xf32>
      %get3A_2497 = vector.shape_cast %get3A_2496 : vector<1x64x128xf32> to vector<64x128xf32>
      %sub3A_2498 = vector.broadcast %max3A_2181 : vector<64x1xf32> to vector<64x128xf32>
      %sub3A_2499 = arith.subf %get3A_2497, %sub3A_2498 : vector<64x128xf32>
      %exp3A_2500 = math.exp %sub3A_2499 : vector<64x128xf32>
      %add3A_2501 = arith.addf %add3A_2490, %exp3A_2500 : vector<64x128xf32>
      %sub3A_2502 = arith.constant 1 : i32
      %sub3A_2503 = arith.subi %sub3A_2502, %rem3A_2 : i32
      %get3A_2504 = arith.index_cast %sub3A_2503 : i32 to index
      %get3A_2505 = arith.constant 0 : index
      %get3A_2506 = arith.constant 3712 : index
      %get3A_2507 = vector.load %arg19[%get3A_2504, %get3A_2505, %get3A_2506] : memref<2x64x4992xf32, #tpu.memory_space<vmem>>, vector<1x64x128xf32>
      %get3A_2508 = vector.shape_cast %get3A_2507 : vector<1x64x128xf32> to vector<64x128xf32>
      %sub3A_2509 = vector.broadcast %max3A_2181 : vector<64x1xf32> to vector<64x128xf32>
      %sub3A_2510 = arith.subf %get3A_2508, %sub3A_2509 : vector<64x128xf32>
      %exp3A_2511 = math.exp %sub3A_2510 : vector<64x128xf32>
      %add3A_2512 = arith.addf %add3A_2501, %exp3A_2511 : vector<64x128xf32>
      %sub3A_2513 = arith.constant 1 : i32
      %sub3A_2514 = arith.subi %sub3A_2513, %rem3A_2 : i32
      %get3A_2515 = arith.index_cast %sub3A_2514 : i32 to index
      %get3A_2516 = arith.constant 0 : index
      %get3A_2517 = arith.constant 3840 : index
      %get3A_2518 = vector.load %arg19[%get3A_2515, %get3A_2516, %get3A_2517] : memref<2x64x4992xf32, #tpu.memory_space<vmem>>, vector<1x64x128xf32>
      %get3A_2519 = vector.shape_cast %get3A_2518 : vector<1x64x128xf32> to vector<64x128xf32>
      %sub3A_2520 = vector.broadcast %max3A_2181 : vector<64x1xf32> to vector<64x128xf32>
      %sub3A_2521 = arith.subf %get3A_2519, %sub3A_2520 : vector<64x128xf32>
      %exp3A_2522 = math.exp %sub3A_2521 : vector<64x128xf32>
      %add3A_2523 = arith.addf %add3A_2512, %exp3A_2522 : vector<64x128xf32>
      %sub3A_2524 = arith.constant 1 : i32
      %sub3A_2525 = arith.subi %sub3A_2524, %rem3A_2 : i32
      %get3A_2526 = arith.index_cast %sub3A_2525 : i32 to index
      %get3A_2527 = arith.constant 0 : index
      %get3A_2528 = arith.constant 3968 : index
      %get3A_2529 = vector.load %arg19[%get3A_2526, %get3A_2527, %get3A_2528] : memref<2x64x4992xf32, #tpu.memory_space<vmem>>, vector<1x64x128xf32>
      %get3A_2530 = vector.shape_cast %get3A_2529 : vector<1x64x128xf32> to vector<64x128xf32>
      %sub3A_2531 = vector.broadcast %max3A_2181 : vector<64x1xf32> to vector<64x128xf32>
      %sub3A_2532 = arith.subf %get3A_2530, %sub3A_2531 : vector<64x128xf32>
      %exp3A_2533 = math.exp %sub3A_2532 : vector<64x128xf32>
      %add3A_2534 = arith.addf %add3A_2523, %exp3A_2533 : vector<64x128xf32>
      %sub3A_2535 = arith.constant 1 : i32
      %sub3A_2536 = arith.subi %sub3A_2535, %rem3A_2 : i32
      %get3A_2537 = arith.index_cast %sub3A_2536 : i32 to index
      %get3A_2538 = arith.constant 0 : index
      %get3A_2539 = arith.constant 4096 : index
      %get3A_2540 = vector.load %arg19[%get3A_2537, %get3A_2538, %get3A_2539] : memref<2x64x4992xf32, #tpu.memory_space<vmem>>, vector<1x64x128xf32>
      %get3A_2541 = vector.shape_cast %get3A_2540 : vector<1x64x128xf32> to vector<64x128xf32>
      %sub3A_2542 = vector.broadcast %max3A_2181 : vector<64x1xf32> to vector<64x128xf32>
      %sub3A_2543 = arith.subf %get3A_2541, %sub3A_2542 : vector<64x128xf32>
      %exp3A_2544 = math.exp %sub3A_2543 : vector<64x128xf32>
      %add3A_2545 = arith.addf %add3A_2534, %exp3A_2544 : vector<64x128xf32>
      %sub3A_2546 = arith.constant 1 : i32
      %sub3A_2547 = arith.subi %sub3A_2546, %rem3A_2 : i32
      %get3A_2548 = arith.index_cast %sub3A_2547 : i32 to index
      %get3A_2549 = arith.constant 0 : index
      %get3A_2550 = arith.constant 4224 : index
      %get3A_2551 = vector.load %arg19[%get3A_2548, %get3A_2549, %get3A_2550] : memref<2x64x4992xf32, #tpu.memory_space<vmem>>, vector<1x64x128xf32>
      %get3A_2552 = vector.shape_cast %get3A_2551 : vector<1x64x128xf32> to vector<64x128xf32>
      %sub3A_2553 = vector.broadcast %max3A_2181 : vector<64x1xf32> to vector<64x128xf32>
      %sub3A_2554 = arith.subf %get3A_2552, %sub3A_2553 : vector<64x128xf32>
      %exp3A_2555 = math.exp %sub3A_2554 : vector<64x128xf32>
      %add3A_2556 = arith.addf %add3A_2545, %exp3A_2555 : vector<64x128xf32>
      %sub3A_2557 = arith.constant 1 : i32
      %sub3A_2558 = arith.subi %sub3A_2557, %rem3A_2 : i32
      %get3A_2559 = arith.index_cast %sub3A_2558 : i32 to index
      %get3A_2560 = arith.constant 0 : index
      %get3A_2561 = arith.constant 4352 : index
      %get3A_2562 = vector.load %arg19[%get3A_2559, %get3A_2560, %get3A_2561] : memref<2x64x4992xf32, #tpu.memory_space<vmem>>, vector<1x64x128xf32>
      %get3A_2563 = vector.shape_cast %get3A_2562 : vector<1x64x128xf32> to vector<64x128xf32>
      %sub3A_2564 = vector.broadcast %max3A_2181 : vector<64x1xf32> to vector<64x128xf32>
      %sub3A_2565 = arith.subf %get3A_2563, %sub3A_2564 : vector<64x128xf32>
      %exp3A_2566 = math.exp %sub3A_2565 : vector<64x128xf32>
      %add3A_2567 = arith.addf %add3A_2556, %exp3A_2566 : vector<64x128xf32>
      %sub3A_2568 = arith.constant 1 : i32
      %sub3A_2569 = arith.subi %sub3A_2568, %rem3A_2 : i32
      %get3A_2570 = arith.index_cast %sub3A_2569 : i32 to index
      %get3A_2571 = arith.constant 0 : index
      %get3A_2572 = arith.constant 4480 : index
      %get3A_2573 = vector.load %arg19[%get3A_2570, %get3A_2571, %get3A_2572] : memref<2x64x4992xf32, #tpu.memory_space<vmem>>, vector<1x64x128xf32>
      %get3A_2574 = vector.shape_cast %get3A_2573 : vector<1x64x128xf32> to vector<64x128xf32>
      %sub3A_2575 = vector.broadcast %max3A_2181 : vector<64x1xf32> to vector<64x128xf32>
      %sub3A_2576 = arith.subf %get3A_2574, %sub3A_2575 : vector<64x128xf32>
      %exp3A_2577 = math.exp %sub3A_2576 : vector<64x128xf32>
      %add3A_2578 = arith.addf %add3A_2567, %exp3A_2577 : vector<64x128xf32>
      %sub3A_2579 = arith.constant 1 : i32
      %sub3A_2580 = arith.subi %sub3A_2579, %rem3A_2 : i32
      %get3A_2581 = arith.index_cast %sub3A_2580 : i32 to index
      %get3A_2582 = arith.constant 0 : index
      %get3A_2583 = arith.constant 4608 : index
      %get3A_2584 = vector.load %arg19[%get3A_2581, %get3A_2582, %get3A_2583] : memref<2x64x4992xf32, #tpu.memory_space<vmem>>, vector<1x64x128xf32>
      %get3A_2585 = vector.shape_cast %get3A_2584 : vector<1x64x128xf32> to vector<64x128xf32>
      %sub3A_2586 = vector.broadcast %max3A_2181 : vector<64x1xf32> to vector<64x128xf32>
      %sub3A_2587 = arith.subf %get3A_2585, %sub3A_2586 : vector<64x128xf32>
      %exp3A_2588 = math.exp %sub3A_2587 : vector<64x128xf32>
      %add3A_2589 = arith.addf %add3A_2578, %exp3A_2588 : vector<64x128xf32>
      %sub3A_2590 = arith.constant 1 : i32
      %sub3A_2591 = arith.subi %sub3A_2590, %rem3A_2 : i32
      %get3A_2592 = arith.index_cast %sub3A_2591 : i32 to index
      %get3A_2593 = arith.constant 0 : index
      %get3A_2594 = arith.constant 4736 : index
      %get3A_2595 = vector.load %arg19[%get3A_2592, %get3A_2593, %get3A_2594] : memref<2x64x4992xf32, #tpu.memory_space<vmem>>, vector<1x64x128xf32>
      %get3A_2596 = vector.shape_cast %get3A_2595 : vector<1x64x128xf32> to vector<64x128xf32>
      %sub3A_2597 = vector.broadcast %max3A_2181 : vector<64x1xf32> to vector<64x128xf32>
      %sub3A_2598 = arith.subf %get3A_2596, %sub3A_2597 : vector<64x128xf32>
      %exp3A_2599 = math.exp %sub3A_2598 : vector<64x128xf32>
      %add3A_2600 = arith.addf %add3A_2589, %exp3A_2599 : vector<64x128xf32>
      %sub3A_2601 = arith.constant 1 : i32
      %sub3A_2602 = arith.subi %sub3A_2601, %rem3A_2 : i32
      %get3A_2603 = arith.index_cast %sub3A_2602 : i32 to index
      %get3A_2604 = arith.constant 0 : index
      %get3A_2605 = arith.constant 4864 : index
      %get3A_2606 = vector.load %arg19[%get3A_2603, %get3A_2604, %get3A_2605] : memref<2x64x4992xf32, #tpu.memory_space<vmem>>, vector<1x64x128xf32>
      %get3A_2607 = vector.shape_cast %get3A_2606 : vector<1x64x128xf32> to vector<64x128xf32>
      %sub3A_2608 = vector.broadcast %max3A_2181 : vector<64x1xf32> to vector<64x128xf32>
      %sub3A_2609 = arith.subf %get3A_2607, %sub3A_2608 : vector<64x128xf32>
      %exp3A_2610 = math.exp %sub3A_2609 : vector<64x128xf32>
      %add3A_2611 = arith.addf %add3A_2600, %exp3A_2610 : vector<64x128xf32>
      %reduce_sum3A = arith.constant dense<0.000000e+00> : vector<64xf32>
      %reduce_sum3A_2612 = vector.multi_reduction <add>, %add3A_2611, %reduce_sum3A [1] : vector<64x128xf32> to vector<64xf32>
      %broadcast_in_dim3A_2613 = vector.shape_cast %reduce_sum3A_2612 : vector<64xf32> to vector<64x1xf32>
      %get3A_2614 = arith.constant 0 : index
      %get3A_2615 = arith.constant 0 : index
      %get3A_2616 = vector.load %arg16[%get3A_2614, %get3A_2615] : memref<64x128xf32, #tpu.memory_space<vmem>>, vector<64x128xf32>
      %slice3A_2617 = vector.extract_strided_slice %get3A_2616 {offsets = [0, 0], sizes = [64, 1], strides = [1, 1]} : vector<64x128xf32> to vector<64x1xf32>
      %sub3A_2618 = arith.subf %slice3A, %max3A_2181 : vector<64x1xf32>
      %exp3A_2619 = math.exp %sub3A_2618 : vector<64x1xf32>
      %mul3A_2620 = arith.mulf %slice3A_2617, %exp3A_2619 : vector<64x1xf32>
      %add3A_2621 = arith.addf %mul3A_2620, %broadcast_in_dim3A_2613 : vector<64x1xf32>
      %broadcast_in_dim3A_2622 = vector.shape_cast %max3A_2181 : vector<64x1xf32> to vector<64x1xf32>
      %broadcast_in_dim3A_2623 = vector.broadcast %broadcast_in_dim3A_2622 : vector<64x1xf32> to vector<64x128xf32>
      %swap3A_2624 = arith.constant 0 : index
      %swap3A_2625 = arith.constant 0 : index
      %swap3A_2626 = vector.load %arg15[%swap3A_2624, %swap3A_2625] : memref<64x128xf32, #tpu.memory_space<vmem>>, vector<64x128xf32>
      tpu.vector_store %arg15[%swap3A_2624, %swap3A_2625], %broadcast_in_dim3A_2623 {strides = array<i32>} : memref<64x128xf32, #tpu.memory_space<vmem>>, vector<64x128xf32>,
      %broadcast_in_dim3A_2627 = vector.shape_cast %add3A_2621 : vector<64x1xf32> to vector<64x1xf32>
      %broadcast_in_dim3A_2628 = vector.broadcast %broadcast_in_dim3A_2627 : vector<64x1xf32> to vector<64x128xf32>
      %swap3A_2629 = arith.constant 0 : index
      %swap3A_2630 = arith.constant 0 : index
      %swap3A_2631 = vector.load %arg16[%swap3A_2629, %swap3A_2630] : memref<64x128xf32, #tpu.memory_space<vmem>>, vector<64x128xf32>
      tpu.vector_store %arg16[%swap3A_2629, %swap3A_2630], %broadcast_in_dim3A_2628 {strides = array<i32>} : memref<64x128xf32, #tpu.memory_space<vmem>>, vector<64x128xf32>,
    } else {
    }
    %eq3A_11 = arith.constant 21 : i32
    %eq3A_12 = arith.cmpi eq, %arg0, %eq3A_11 : i32
    %convert_element_type3A_13 = arith.extui %eq3A_12 : i1 to i32
    %cond3A_14 = arith.constant 0 : i32
    %cond3A_15 = arith.cmpi ne, %convert_element_type3A_13, %cond3A_14 : i32
    scf.if %cond3A_15 {
      %iota3A = tpu.iota {dimensions = array<i32: 2>} : vector<8x64x128xi32>
      %iota3A_16 = tpu.iota {dimensions = array<i32: 1>} : vector<8x64x128xi32>
      %get3A = arith.constant 0 : index
      %get3A_17 = arith.constant 0 : index
      %get3A_18 = vector.load %arg15[%get3A, %get3A_17] : memref<64x128xf32, #tpu.memory_space<vmem>>, vector<64x128xf32>
      %slice3A = vector.extract_strided_slice %get3A_18 {offsets = [0, 0], sizes = [64, 1], strides = [1, 1]} : vector<64x128xf32> to vector<64x1xf32>
      %get3A_19 = arith.constant 0 : index
      %get3A_20 = arith.constant 0 : index
      %get3A_21 = vector.load %arg16[%get3A_19, %get3A_20] : memref<64x128xf32, #tpu.memory_space<vmem>>, vector<64x128xf32>
      %slice3A_22 = vector.extract_strided_slice %get3A_21 {offsets = [0, 0], sizes = [64, 1], strides = [1, 1]} : vector<64x128xf32> to vector<64x1xf32>
      %log3A = math.log %slice3A_22 : vector<64x1xf32>
      %add3A = arith.addf %slice3A, %log3A : vector<64x1xf32>
      %get3A_23 = arith.constant 0 : index
      %get3A_24 = arith.constant 0 : index
      %get3A_25 = vector.load %arg3[%get3A_23, %get3A_24] : memref<64x128xf32, #tpu.memory_space<vmem>>, vector<64x128xf32>
      %get3A_26 = arith.constant 0 : index
      %get3A_27 = arith.constant 0 : index
      %get3A_28 = arith.constant 0 : index
      %get3A_29 = vector.load %arg17[%get3A_26, %get3A_27, %get3A_28] : memref<8x64x128xf32, #tpu.memory_space<vmem>>, vector<8x64x128xf32>
      %sub3A = vector.broadcast %add3A : vector<64x1xf32> to vector<64x128xf32>
      %sub3A_30 = arith.subf %get3A_25, %sub3A : vector<64x128xf32>
      %broadcast_in_dim3A = vector.shape_cast %sub3A_30 : vector<64x128xf32> to vector<1x64x128xf32>
      %add3A_31 = vector.broadcast %broadcast_in_dim3A : vector<1x64x128xf32> to vector<8x64x128xf32>
      %add3A_32 = arith.addf %get3A_29, %add3A_31 : vector<8x64x128xf32>
      %broadcast_in_dim3A_33 = vector.shape_cast %get3A_25 : vector<64x128xf32> to vector<1x64x128xf32>
      %broadcast_in_dim3A_34 = vector.shape_cast %broadcast_in_dim3A_33 : vector<1x64x128xf32> to vector<1x64x128xf32>
      %broadcast_in_dim3A_35 = vector.broadcast %broadcast_in_dim3A_34 : vector<1x64x128xf32> to vector<8x64x128xf32>
      %get3A_36 = arith.constant 0 : index
      %get3A_37 = arith.constant 0 : index
      %get3A_38 = arith.constant 0 : index
      %get3A_39 = vector.load %arg18[%get3A_36, %get3A_37, %get3A_38] : memref<8x64x128xi32, #tpu.memory_space<vmem>>, vector<8x64x128xi32>
      %add3A_40 = arith.addi %get3A_39, %iota3A : vector<8x64x128xi32>
      %mul3A = arith.constant 100000 : i32
      %mul3A_41 = vector.broadcast %mul3A : i32 to vector<8x64x128xi32>
      %mul3A_42 = arith.muli %iota3A_16, %mul3A_41 : vector<8x64x128xi32>
      %add3A_43 = arith.addi %mul3A_42, %add3A_40 : vector<8x64x128xi32>
      %iota3A_44 = tpu.iota {dimensions = array<i32: 1>} : vector<1x128xi32>
      %broadcast_in_dim3A_45 = arith.constant 0.000000e+00 : f32
      %broadcast_in_dim3A_46 = vector.broadcast %broadcast_in_dim3A_45 : f32 to vector<1x128xf32>
      %broadcast_in_dim3A_47 = arith.constant 0.000000e+00 : f32
      %broadcast_in_dim3A_48 = vector.broadcast %broadcast_in_dim3A_47 : f32 to vector<1x128xf32>
      %broadcast_in_dim3A_49 = arith.constant 0 : i32
      %broadcast_in_dim3A_50 = vector.broadcast %broadcast_in_dim3A_49 : i32 to vector<1x128xi32>
      %broadcast_in_dim3A_51 = arith.constant 0 : i32
      %broadcast_in_dim3A_52 = vector.broadcast %broadcast_in_dim3A_51 : i32 to vector<1x128xi32>
      %reduce_max3A = vector.shape_cast %add3A_32 : vector<8x64x128xf32> to vector<1x8x64x128xf32>
      %reduce_max3A_53 = arith.constant dense<0xFF800000> : vector<1xf32>
      %reduce_max3A_54 = vector.multi_reduction <maximumf>, %reduce_max3A, %reduce_max3A_53 [1, 2, 3] : vector<1x8x64x128xf32> to vector<1xf32>
      %reduce_max3A_55 = vector.shape_cast %reduce_max3A_54 : vector<1xf32> to vector<1x1x1x1xf32>
      %reduce_max3A_56 = vector.extract %reduce_max3A_55[0, 0, 0, 0] : f32 from vector<1x1x1x1xf32>
      %eq3A_57 = vector.broadcast %reduce_max3A_56 : f32 to vector<8x64x128xf32>
      %eq3A_58 = arith.cmpf oeq, %add3A_32, %eq3A_57 : vector<8x64x128xf32>
      %jit3A = arith.constant 1073741824 : i32
      %broadcast_in_dim3A_59 = vector.broadcast %jit3A : i32 to vector<8x64x128xi32>
      %select_n3A = arith.select %eq3A_58, %add3A_43, %broadcast_in_dim3A_59 : vector<8x64x128xi1>, vector<8x64x128xi32>
      %reduce_min3A = vector.shape_cast %select_n3A : vector<8x64x128xi32> to vector<1x8x64x128xi32>
      %reduce_min3A_60 = arith.constant dense<2147483647> : vector<1xi32>
      %reduce_min3A_61 = vector.multi_reduction <minsi>, %reduce_min3A, %reduce_min3A_60 [1, 2, 3] : vector<1x8x64x128xi32> to vector<1xi32>
      %reduce_min3A_62 = vector.shape_cast %reduce_min3A_61 : vector<1xi32> to vector<1x1x1x1xi32>
      %reduce_min3A_63 = vector.extract %reduce_min3A_62[0, 0, 0, 0] : i32 from vector<1x1x1x1xi32>
      %eq3A_64 = vector.broadcast %reduce_min3A_63 : i32 to vector<8x64x128xi32>
      %eq3A_65 = arith.cmpi eq, %add3A_43, %eq3A_64 : vector<8x64x128xi32>
      %and3A = arith.andi %eq3A_58, %eq3A_65 : vector<8x64x128xi1>
      %jit3A_66 = arith.constant 1.07374182E+9 : f32
      %broadcast_in_dim3A_67 = vector.broadcast %jit3A_66 : f32 to vector<8x64x128xf32>
      %select_n3A_68 = arith.select %and3A, %broadcast_in_dim3A_35, %broadcast_in_dim3A_67 : vector<8x64x128xi1>, vector<8x64x128xf32>
      %reduce_min3A_69 = vector.shape_cast %select_n3A_68 : vector<8x64x128xf32> to vector<1x8x64x128xf32>
      %reduce_min3A_70 = arith.constant dense<0x7F800000> : vector<1xf32>
      %reduce_min3A_71 = vector.multi_reduction <minimumf>, %reduce_min3A_69, %reduce_min3A_70 [1, 2, 3] : vector<1x8x64x128xf32> to vector<1xf32>
      %reduce_min3A_72 = vector.shape_cast %reduce_min3A_71 : vector<1xf32> to vector<1x1x1x1xf32>
      %reduce_min3A_73 = vector.extract %reduce_min3A_72[0, 0, 0, 0] : f32 from vector<1x1x1x1xf32>
      %jit3A_74 = arith.constant 1073741824 : i32
      %broadcast_in_dim3A_75 = vector.broadcast %jit3A_74 : i32 to vector<8x64x128xi32>
      %select_n3A_76 = arith.select %and3A, %add3A_40, %broadcast_in_dim3A_75 : vector<8x64x128xi1>, vector<8x64x128xi32>
      %reduce_min3A_77 = vector.shape_cast %select_n3A_76 : vector<8x64x128xi32> to vector<1x8x64x128xi32>
      %reduce_min3A_78 = arith.constant dense<2147483647> : vector<1xi32>
      %reduce_min3A_79 = vector.multi_reduction <minsi>, %reduce_min3A_77, %reduce_min3A_78 [1, 2, 3] : vector<1x8x64x128xi32> to vector<1xi32>
      %reduce_min3A_80 = vector.shape_cast %reduce_min3A_79 : vector<1xi32> to vector<1x1x1x1xi32>
      %reduce_min3A_81 = vector.extract %reduce_min3A_80[0, 0, 0, 0] : i32 from vector<1x1x1x1xi32>
      %jit3A_82 = arith.constant 1073741824 : i32
      %broadcast_in_dim3A_83 = vector.broadcast %jit3A_82 : i32 to vector<8x64x128xi32>
      %select_n3A_84 = arith.select %and3A, %iota3A_16, %broadcast_in_dim3A_83 : vector<8x64x128xi1>, vector<8x64x128xi32>
      %reduce_min3A_85 = vector.shape_cast %select_n3A_84 : vector<8x64x128xi32> to vector<1x8x64x128xi32>
      %reduce_min3A_86 = arith.constant dense<2147483647> : vector<1xi32>
      %reduce_min3A_87 = vector.multi_reduction <minsi>, %reduce_min3A_85, %reduce_min3A_86 [1, 2, 3] : vector<1x8x64x128xi32> to vector<1xi32>
      %reduce_min3A_88 = vector.shape_cast %reduce_min3A_87 : vector<1xi32> to vector<1x1x1x1xi32>
      %reduce_min3A_89 = vector.extract %reduce_min3A_88[0, 0, 0, 0] : i32 from vector<1x1x1x1xi32>
      %eq3A_90 = arith.constant 0 : i32
      %eq3A_91 = vector.broadcast %eq3A_90 : i32 to vector<1x128xi32>
      %eq3A_92 = arith.cmpi eq, %iota3A_44, %eq3A_91 : vector<1x128xi32>
      %broadcast_in_dim3A_93 = vector.broadcast %reduce_max3A_56 : f32 to vector<1x128xf32>
      %select_n3A_94 = arith.select %eq3A_92, %broadcast_in_dim3A_93, %broadcast_in_dim3A_46 : vector<1x128xi1>, vector<1x128xf32>
      %eq3A_95 = arith.constant 0 : i32
      %eq3A_96 = vector.broadcast %eq3A_95 : i32 to vector<1x128xi32>
      %eq3A_97 = arith.cmpi eq, %iota3A_44, %eq3A_96 : vector<1x128xi32>
      %sub3A_98 = arith.subf %reduce_max3A_56, %reduce_min3A_73 : f32
      %exp3A = math.exp %sub3A_98 : f32
      %broadcast_in_dim3A_99 = vector.broadcast %exp3A : f32 to vector<1x128xf32>
      %select_n3A_100 = arith.select %eq3A_97, %broadcast_in_dim3A_99, %broadcast_in_dim3A_48 : vector<1x128xi1>, vector<1x128xf32>
      %eq3A_101 = arith.constant 0 : i32
      %eq3A_102 = vector.broadcast %eq3A_101 : i32 to vector<1x128xi32>
      %eq3A_103 = arith.cmpi eq, %iota3A_44, %eq3A_102 : vector<1x128xi32>
      %broadcast_in_dim3A_104 = vector.broadcast %reduce_min3A_89 : i32 to vector<1x128xi32>
      %select_n3A_105 = arith.select %eq3A_103, %broadcast_in_dim3A_104, %broadcast_in_dim3A_50 : vector<1x128xi1>, vector<1x128xi32>
      %eq3A_106 = arith.constant 0 : i32
      %eq3A_107 = vector.broadcast %eq3A_106 : i32 to vector<1x128xi32>
      %eq3A_108 = arith.cmpi eq, %iota3A_44, %eq3A_107 : vector<1x128xi32>
      %broadcast_in_dim3A_109 = vector.broadcast %reduce_min3A_81 : i32 to vector<1x128xi32>
      %select_n3A_110 = arith.select %eq3A_108, %broadcast_in_dim3A_109, %broadcast_in_dim3A_52 : vector<1x128xi1>, vector<1x128xi32>
      %jit3A_111 = arith.constant -1.000000e+30 : f32
      %broadcast_in_dim3A_112 = vector.broadcast %jit3A_111 : f32 to vector<8x64x128xf32>
      %select_n3A_113 = arith.select %and3A, %broadcast_in_dim3A_112, %add3A_32 : vector<8x64x128xi1>, vector<8x64x128xf32>
      %reduce_max3A_114 = vector.shape_cast %select_n3A_113 : vector<8x64x128xf32> to vector<1x8x64x128xf32>
      %reduce_max3A_115 = arith.constant dense<0xFF800000> : vector<1xf32>
      %reduce_max3A_116 = vector.multi_reduction <maximumf>, %reduce_max3A_114, %reduce_max3A_115 [1, 2, 3] : vector<1x8x64x128xf32> to vector<1xf32>
      %reduce_max3A_117 = vector.shape_cast %reduce_max3A_116 : vector<1xf32> to vector<1x1x1x1xf32>
      %reduce_max3A_118 = vector.extract %reduce_max3A_117[0, 0, 0, 0] : f32 from vector<1x1x1x1xf32>
      %eq3A_119 = vector.broadcast %reduce_max3A_118 : f32 to vector<8x64x128xf32>
      %eq3A_120 = arith.cmpf oeq, %select_n3A_113, %eq3A_119 : vector<8x64x128xf32>
      %jit3A_121 = arith.constant 1073741824 : i32
      %broadcast_in_dim3A_122 = vector.broadcast %jit3A_121 : i32 to vector<8x64x128xi32>
      %select_n3A_123 = arith.select %eq3A_120, %add3A_43, %broadcast_in_dim3A_122 : vector<8x64x128xi1>, vector<8x64x128xi32>
      %reduce_min3A_124 = vector.shape_cast %select_n3A_123 : vector<8x64x128xi32> to vector<1x8x64x128xi32>
      %reduce_min3A_125 = arith.constant dense<2147483647> : vector<1xi32>
      %reduce_min3A_126 = vector.multi_reduction <minsi>, %reduce_min3A_124, %reduce_min3A_125 [1, 2, 3] : vector<1x8x64x128xi32> to vector<1xi32>
      %reduce_min3A_127 = vector.shape_cast %reduce_min3A_126 : vector<1xi32> to vector<1x1x1x1xi32>
      %reduce_min3A_128 = vector.extract %reduce_min3A_127[0, 0, 0, 0] : i32 from vector<1x1x1x1xi32>
      %eq3A_129 = vector.broadcast %reduce_min3A_128 : i32 to vector<8x64x128xi32>
      %eq3A_130 = arith.cmpi eq, %add3A_43, %eq3A_129 : vector<8x64x128xi32>
      %and3A_131 = arith.andi %eq3A_120, %eq3A_130 : vector<8x64x128xi1>
      %jit3A_132 = arith.constant 1.07374182E+9 : f32
      %broadcast_in_dim3A_133 = vector.broadcast %jit3A_132 : f32 to vector<8x64x128xf32>
      %select_n3A_134 = arith.select %and3A_131, %broadcast_in_dim3A_35, %broadcast_in_dim3A_133 : vector<8x64x128xi1>, vector<8x64x128xf32>
      %reduce_min3A_135 = vector.shape_cast %select_n3A_134 : vector<8x64x128xf32> to vector<1x8x64x128xf32>
      %reduce_min3A_136 = arith.constant dense<0x7F800000> : vector<1xf32>
      %reduce_min3A_137 = vector.multi_reduction <minimumf>, %reduce_min3A_135, %reduce_min3A_136 [1, 2, 3] : vector<1x8x64x128xf32> to vector<1xf32>
      %reduce_min3A_138 = vector.shape_cast %reduce_min3A_137 : vector<1xf32> to vector<1x1x1x1xf32>
      %reduce_min3A_139 = vector.extract %reduce_min3A_138[0, 0, 0, 0] : f32 from vector<1x1x1x1xf32>
      %jit3A_140 = arith.constant 1073741824 : i32
      %broadcast_in_dim3A_141 = vector.broadcast %jit3A_140 : i32 to vector<8x64x128xi32>
      %select_n3A_142 = arith.select %and3A_131, %add3A_40, %broadcast_in_dim3A_141 : vector<8x64x128xi1>, vector<8x64x128xi32>
      %reduce_min3A_143 = vector.shape_cast %select_n3A_142 : vector<8x64x128xi32> to vector<1x8x64x128xi32>
      %reduce_min3A_144 = arith.constant dense<2147483647> : vector<1xi32>
      %reduce_min3A_145 = vector.multi_reduction <minsi>, %reduce_min3A_143, %reduce_min3A_144 [1, 2, 3] : vector<1x8x64x128xi32> to vector<1xi32>
      %reduce_min3A_146 = vector.shape_cast %reduce_min3A_145 : vector<1xi32> to vector<1x1x1x1xi32>
      %reduce_min3A_147 = vector.extract %reduce_min3A_146[0, 0, 0, 0] : i32 from vector<1x1x1x1xi32>
      %jit3A_148 = arith.constant 1073741824 : i32
      %broadcast_in_dim3A_149 = vector.broadcast %jit3A_148 : i32 to vector<8x64x128xi32>
      %select_n3A_150 = arith.select %and3A_131, %iota3A_16, %broadcast_in_dim3A_149 : vector<8x64x128xi1>, vector<8x64x128xi32>
      %reduce_min3A_151 = vector.shape_cast %select_n3A_150 : vector<8x64x128xi32> to vector<1x8x64x128xi32>
      %reduce_min3A_152 = arith.constant dense<2147483647> : vector<1xi32>
      %reduce_min3A_153 = vector.multi_reduction <minsi>, %reduce_min3A_151, %reduce_min3A_152 [1, 2, 3] : vector<1x8x64x128xi32> to vector<1xi32>
      %reduce_min3A_154 = vector.shape_cast %reduce_min3A_153 : vector<1xi32> to vector<1x1x1x1xi32>
      %reduce_min3A_155 = vector.extract %reduce_min3A_154[0, 0, 0, 0] : i32 from vector<1x1x1x1xi32>
      %eq3A_156 = arith.constant 1 : i32
      %eq3A_157 = vector.broadcast %eq3A_156 : i32 to vector<1x128xi32>
      %eq3A_158 = arith.cmpi eq, %iota3A_44, %eq3A_157 : vector<1x128xi32>
      %broadcast_in_dim3A_159 = vector.broadcast %reduce_max3A_118 : f32 to vector<1x128xf32>
      %select_n3A_160 = arith.select %eq3A_158, %broadcast_in_dim3A_159, %select_n3A_94 : vector<1x128xi1>, vector<1x128xf32>
      %eq3A_161 = arith.constant 1 : i32
      %eq3A_162 = vector.broadcast %eq3A_161 : i32 to vector<1x128xi32>
      %eq3A_163 = arith.cmpi eq, %iota3A_44, %eq3A_162 : vector<1x128xi32>
      %sub3A_164 = arith.subf %reduce_max3A_118, %reduce_min3A_139 : f32
      %exp3A_165 = math.exp %sub3A_164 : f32
      %broadcast_in_dim3A_166 = vector.broadcast %exp3A_165 : f32 to vector<1x128xf32>
      %select_n3A_167 = arith.select %eq3A_163, %broadcast_in_dim3A_166, %select_n3A_100 : vector<1x128xi1>, vector<1x128xf32>
      %eq3A_168 = arith.constant 1 : i32
      %eq3A_169 = vector.broadcast %eq3A_168 : i32 to vector<1x128xi32>
      %eq3A_170 = arith.cmpi eq, %iota3A_44, %eq3A_169 : vector<1x128xi32>
      %broadcast_in_dim3A_171 = vector.broadcast %reduce_min3A_155 : i32 to vector<1x128xi32>
      %select_n3A_172 = arith.select %eq3A_170, %broadcast_in_dim3A_171, %select_n3A_105 : vector<1x128xi1>, vector<1x128xi32>
      %eq3A_173 = arith.constant 1 : i32
      %eq3A_174 = vector.broadcast %eq3A_173 : i32 to vector<1x128xi32>
      %eq3A_175 = arith.cmpi eq, %iota3A_44, %eq3A_174 : vector<1x128xi32>
      %broadcast_in_dim3A_176 = vector.broadcast %reduce_min3A_147 : i32 to vector<1x128xi32>
      %select_n3A_177 = arith.select %eq3A_175, %broadcast_in_dim3A_176, %select_n3A_110 : vector<1x128xi1>, vector<1x128xi32>
      %jit3A_178 = arith.constant -1.000000e+30 : f32
      %broadcast_in_dim3A_179 = vector.broadcast %jit3A_178 : f32 to vector<8x64x128xf32>
      %select_n3A_180 = arith.select %and3A_131, %broadcast_in_dim3A_179, %select_n3A_113 : vector<8x64x128xi1>, vector<8x64x128xf32>
      %reduce_max3A_181 = vector.shape_cast %select_n3A_180 : vector<8x64x128xf32> to vector<1x8x64x128xf32>
      %reduce_max3A_182 = arith.constant dense<0xFF800000> : vector<1xf32>
      %reduce_max3A_183 = vector.multi_reduction <maximumf>, %reduce_max3A_181, %reduce_max3A_182 [1, 2, 3] : vector<1x8x64x128xf32> to vector<1xf32>
      %reduce_max3A_184 = vector.shape_cast %reduce_max3A_183 : vector<1xf32> to vector<1x1x1x1xf32>
      %reduce_max3A_185 = vector.extract %reduce_max3A_184[0, 0, 0, 0] : f32 from vector<1x1x1x1xf32>
      %eq3A_186 = vector.broadcast %reduce_max3A_185 : f32 to vector<8x64x128xf32>
      %eq3A_187 = arith.cmpf oeq, %select_n3A_180, %eq3A_186 : vector<8x64x128xf32>
      %jit3A_188 = arith.constant 1073741824 : i32
      %broadcast_in_dim3A_189 = vector.broadcast %jit3A_188 : i32 to vector<8x64x128xi32>
      %select_n3A_190 = arith.select %eq3A_187, %add3A_43, %broadcast_in_dim3A_189 : vector<8x64x128xi1>, vector<8x64x128xi32>
      %reduce_min3A_191 = vector.shape_cast %select_n3A_190 : vector<8x64x128xi32> to vector<1x8x64x128xi32>
      %reduce_min3A_192 = arith.constant dense<2147483647> : vector<1xi32>
      %reduce_min3A_193 = vector.multi_reduction <minsi>, %reduce_min3A_191, %reduce_min3A_192 [1, 2, 3] : vector<1x8x64x128xi32> to vector<1xi32>
      %reduce_min3A_194 = vector.shape_cast %reduce_min3A_193 : vector<1xi32> to vector<1x1x1x1xi32>
      %reduce_min3A_195 = vector.extract %reduce_min3A_194[0, 0, 0, 0] : i32 from vector<1x1x1x1xi32>
      %eq3A_196 = vector.broadcast %reduce_min3A_195 : i32 to vector<8x64x128xi32>
      %eq3A_197 = arith.cmpi eq, %add3A_43, %eq3A_196 : vector<8x64x128xi32>
      %and3A_198 = arith.andi %eq3A_187, %eq3A_197 : vector<8x64x128xi1>
      %jit3A_199 = arith.constant 1.07374182E+9 : f32
      %broadcast_in_dim3A_200 = vector.broadcast %jit3A_199 : f32 to vector<8x64x128xf32>
      %select_n3A_201 = arith.select %and3A_198, %broadcast_in_dim3A_35, %broadcast_in_dim3A_200 : vector<8x64x128xi1>, vector<8x64x128xf32>
      %reduce_min3A_202 = vector.shape_cast %select_n3A_201 : vector<8x64x128xf32> to vector<1x8x64x128xf32>
      %reduce_min3A_203 = arith.constant dense<0x7F800000> : vector<1xf32>
      %reduce_min3A_204 = vector.multi_reduction <minimumf>, %reduce_min3A_202, %reduce_min3A_203 [1, 2, 3] : vector<1x8x64x128xf32> to vector<1xf32>
      %reduce_min3A_205 = vector.shape_cast %reduce_min3A_204 : vector<1xf32> to vector<1x1x1x1xf32>
      %reduce_min3A_206 = vector.extract %reduce_min3A_205[0, 0, 0, 0] : f32 from vector<1x1x1x1xf32>
      %jit3A_207 = arith.constant 1073741824 : i32
      %broadcast_in_dim3A_208 = vector.broadcast %jit3A_207 : i32 to vector<8x64x128xi32>
      %select_n3A_209 = arith.select %and3A_198, %add3A_40, %broadcast_in_dim3A_208 : vector<8x64x128xi1>, vector<8x64x128xi32>
      %reduce_min3A_210 = vector.shape_cast %select_n3A_209 : vector<8x64x128xi32> to vector<1x8x64x128xi32>
      %reduce_min3A_211 = arith.constant dense<2147483647> : vector<1xi32>
      %reduce_min3A_212 = vector.multi_reduction <minsi>, %reduce_min3A_210, %reduce_min3A_211 [1, 2, 3] : vector<1x8x64x128xi32> to vector<1xi32>
      %reduce_min3A_213 = vector.shape_cast %reduce_min3A_212 : vector<1xi32> to vector<1x1x1x1xi32>
      %reduce_min3A_214 = vector.extract %reduce_min3A_213[0, 0, 0, 0] : i32 from vector<1x1x1x1xi32>
      %jit3A_215 = arith.constant 1073741824 : i32
      %broadcast_in_dim3A_216 = vector.broadcast %jit3A_215 : i32 to vector<8x64x128xi32>
      %select_n3A_217 = arith.select %and3A_198, %iota3A_16, %broadcast_in_dim3A_216 : vector<8x64x128xi1>, vector<8x64x128xi32>
      %reduce_min3A_218 = vector.shape_cast %select_n3A_217 : vector<8x64x128xi32> to vector<1x8x64x128xi32>
      %reduce_min3A_219 = arith.constant dense<2147483647> : vector<1xi32>
      %reduce_min3A_220 = vector.multi_reduction <minsi>, %reduce_min3A_218, %reduce_min3A_219 [1, 2, 3] : vector<1x8x64x128xi32> to vector<1xi32>
      %reduce_min3A_221 = vector.shape_cast %reduce_min3A_220 : vector<1xi32> to vector<1x1x1x1xi32>
      %reduce_min3A_222 = vector.extract %reduce_min3A_221[0, 0, 0, 0] : i32 from vector<1x1x1x1xi32>
      %eq3A_223 = arith.constant 2 : i32
      %eq3A_224 = vector.broadcast %eq3A_223 : i32 to vector<1x128xi32>
      %eq3A_225 = arith.cmpi eq, %iota3A_44, %eq3A_224 : vector<1x128xi32>
      %broadcast_in_dim3A_226 = vector.broadcast %reduce_max3A_185 : f32 to vector<1x128xf32>
      %select_n3A_227 = arith.select %eq3A_225, %broadcast_in_dim3A_226, %select_n3A_160 : vector<1x128xi1>, vector<1x128xf32>
      %eq3A_228 = arith.constant 2 : i32
      %eq3A_229 = vector.broadcast %eq3A_228 : i32 to vector<1x128xi32>
      %eq3A_230 = arith.cmpi eq, %iota3A_44, %eq3A_229 : vector<1x128xi32>
      %sub3A_231 = arith.subf %reduce_max3A_185, %reduce_min3A_206 : f32
      %exp3A_232 = math.exp %sub3A_231 : f32
      %broadcast_in_dim3A_233 = vector.broadcast %exp3A_232 : f32 to vector<1x128xf32>
      %select_n3A_234 = arith.select %eq3A_230, %broadcast_in_dim3A_233, %select_n3A_167 : vector<1x128xi1>, vector<1x128xf32>
      %eq3A_235 = arith.constant 2 : i32
      %eq3A_236 = vector.broadcast %eq3A_235 : i32 to vector<1x128xi32>
      %eq3A_237 = arith.cmpi eq, %iota3A_44, %eq3A_236 : vector<1x128xi32>
      %broadcast_in_dim3A_238 = vector.broadcast %reduce_min3A_222 : i32 to vector<1x128xi32>
      %select_n3A_239 = arith.select %eq3A_237, %broadcast_in_dim3A_238, %select_n3A_172 : vector<1x128xi1>, vector<1x128xi32>
      %eq3A_240 = arith.constant 2 : i32
      %eq3A_241 = vector.broadcast %eq3A_240 : i32 to vector<1x128xi32>
      %eq3A_242 = arith.cmpi eq, %iota3A_44, %eq3A_241 : vector<1x128xi32>
      %broadcast_in_dim3A_243 = vector.broadcast %reduce_min3A_214 : i32 to vector<1x128xi32>
      %select_n3A_244 = arith.select %eq3A_242, %broadcast_in_dim3A_243, %select_n3A_177 : vector<1x128xi1>, vector<1x128xi32>
      %jit3A_245 = arith.constant -1.000000e+30 : f32
      %broadcast_in_dim3A_246 = vector.broadcast %jit3A_245 : f32 to vector<8x64x128xf32>
      %select_n3A_247 = arith.select %and3A_198, %broadcast_in_dim3A_246, %select_n3A_180 : vector<8x64x128xi1>, vector<8x64x128xf32>
      %reduce_max3A_248 = vector.shape_cast %select_n3A_247 : vector<8x64x128xf32> to vector<1x8x64x128xf32>
      %reduce_max3A_249 = arith.constant dense<0xFF800000> : vector<1xf32>
      %reduce_max3A_250 = vector.multi_reduction <maximumf>, %reduce_max3A_248, %reduce_max3A_249 [1, 2, 3] : vector<1x8x64x128xf32> to vector<1xf32>
      %reduce_max3A_251 = vector.shape_cast %reduce_max3A_250 : vector<1xf32> to vector<1x1x1x1xf32>
      %reduce_max3A_252 = vector.extract %reduce_max3A_251[0, 0, 0, 0] : f32 from vector<1x1x1x1xf32>
      %eq3A_253 = vector.broadcast %reduce_max3A_252 : f32 to vector<8x64x128xf32>
      %eq3A_254 = arith.cmpf oeq, %select_n3A_247, %eq3A_253 : vector<8x64x128xf32>
      %jit3A_255 = arith.constant 1073741824 : i32
      %broadcast_in_dim3A_256 = vector.broadcast %jit3A_255 : i32 to vector<8x64x128xi32>
      %select_n3A_257 = arith.select %eq3A_254, %add3A_43, %broadcast_in_dim3A_256 : vector<8x64x128xi1>, vector<8x64x128xi32>
      %reduce_min3A_258 = vector.shape_cast %select_n3A_257 : vector<8x64x128xi32> to vector<1x8x64x128xi32>
      %reduce_min3A_259 = arith.constant dense<2147483647> : vector<1xi32>
      %reduce_min3A_260 = vector.multi_reduction <minsi>, %reduce_min3A_258, %reduce_min3A_259 [1, 2, 3] : vector<1x8x64x128xi32> to vector<1xi32>
      %reduce_min3A_261 = vector.shape_cast %reduce_min3A_260 : vector<1xi32> to vector<1x1x1x1xi32>
      %reduce_min3A_262 = vector.extract %reduce_min3A_261[0, 0, 0, 0] : i32 from vector<1x1x1x1xi32>
      %eq3A_263 = vector.broadcast %reduce_min3A_262 : i32 to vector<8x64x128xi32>
      %eq3A_264 = arith.cmpi eq, %add3A_43, %eq3A_263 : vector<8x64x128xi32>
      %and3A_265 = arith.andi %eq3A_254, %eq3A_264 : vector<8x64x128xi1>
      %jit3A_266 = arith.constant 1.07374182E+9 : f32
      %broadcast_in_dim3A_267 = vector.broadcast %jit3A_266 : f32 to vector<8x64x128xf32>
      %select_n3A_268 = arith.select %and3A_265, %broadcast_in_dim3A_35, %broadcast_in_dim3A_267 : vector<8x64x128xi1>, vector<8x64x128xf32>
      %reduce_min3A_269 = vector.shape_cast %select_n3A_268 : vector<8x64x128xf32> to vector<1x8x64x128xf32>
      %reduce_min3A_270 = arith.constant dense<0x7F800000> : vector<1xf32>
      %reduce_min3A_271 = vector.multi_reduction <minimumf>, %reduce_min3A_269, %reduce_min3A_270 [1, 2, 3] : vector<1x8x64x128xf32> to vector<1xf32>
      %reduce_min3A_272 = vector.shape_cast %reduce_min3A_271 : vector<1xf32> to vector<1x1x1x1xf32>
      %reduce_min3A_273 = vector.extract %reduce_min3A_272[0, 0, 0, 0] : f32 from vector<1x1x1x1xf32>
      %jit3A_274 = arith.constant 1073741824 : i32
      %broadcast_in_dim3A_275 = vector.broadcast %jit3A_274 : i32 to vector<8x64x128xi32>
      %select_n3A_276 = arith.select %and3A_265, %add3A_40, %broadcast_in_dim3A_275 : vector<8x64x128xi1>, vector<8x64x128xi32>
      %reduce_min3A_277 = vector.shape_cast %select_n3A_276 : vector<8x64x128xi32> to vector<1x8x64x128xi32>
      %reduce_min3A_278 = arith.constant dense<2147483647> : vector<1xi32>
      %reduce_min3A_279 = vector.multi_reduction <minsi>, %reduce_min3A_277, %reduce_min3A_278 [1, 2, 3] : vector<1x8x64x128xi32> to vector<1xi32>
      %reduce_min3A_280 = vector.shape_cast %reduce_min3A_279 : vector<1xi32> to vector<1x1x1x1xi32>
      %reduce_min3A_281 = vector.extract %reduce_min3A_280[0, 0, 0, 0] : i32 from vector<1x1x1x1xi32>
      %jit3A_282 = arith.constant 1073741824 : i32
      %broadcast_in_dim3A_283 = vector.broadcast %jit3A_282 : i32 to vector<8x64x128xi32>
      %select_n3A_284 = arith.select %and3A_265, %iota3A_16, %broadcast_in_dim3A_283 : vector<8x64x128xi1>, vector<8x64x128xi32>
      %reduce_min3A_285 = vector.shape_cast %select_n3A_284 : vector<8x64x128xi32> to vector<1x8x64x128xi32>
      %reduce_min3A_286 = arith.constant dense<2147483647> : vector<1xi32>
      %reduce_min3A_287 = vector.multi_reduction <minsi>, %reduce_min3A_285, %reduce_min3A_286 [1, 2, 3] : vector<1x8x64x128xi32> to vector<1xi32>
      %reduce_min3A_288 = vector.shape_cast %reduce_min3A_287 : vector<1xi32> to vector<1x1x1x1xi32>
      %reduce_min3A_289 = vector.extract %reduce_min3A_288[0, 0, 0, 0] : i32 from vector<1x1x1x1xi32>
      %eq3A_290 = arith.constant 3 : i32
      %eq3A_291 = vector.broadcast %eq3A_290 : i32 to vector<1x128xi32>
      %eq3A_292 = arith.cmpi eq, %iota3A_44, %eq3A_291 : vector<1x128xi32>
      %broadcast_in_dim3A_293 = vector.broadcast %reduce_max3A_252 : f32 to vector<1x128xf32>
      %select_n3A_294 = arith.select %eq3A_292, %broadcast_in_dim3A_293, %select_n3A_227 : vector<1x128xi1>, vector<1x128xf32>
      %eq3A_295 = arith.constant 3 : i32
      %eq3A_296 = vector.broadcast %eq3A_295 : i32 to vector<1x128xi32>
      %eq3A_297 = arith.cmpi eq, %iota3A_44, %eq3A_296 : vector<1x128xi32>
      %sub3A_298 = arith.subf %reduce_max3A_252, %reduce_min3A_273 : f32
      %exp3A_299 = math.exp %sub3A_298 : f32
      %broadcast_in_dim3A_300 = vector.broadcast %exp3A_299 : f32 to vector<1x128xf32>
      %select_n3A_301 = arith.select %eq3A_297, %broadcast_in_dim3A_300, %select_n3A_234 : vector<1x128xi1>, vector<1x128xf32>
      %eq3A_302 = arith.constant 3 : i32
      %eq3A_303 = vector.broadcast %eq3A_302 : i32 to vector<1x128xi32>
      %eq3A_304 = arith.cmpi eq, %iota3A_44, %eq3A_303 : vector<1x128xi32>
      %broadcast_in_dim3A_305 = vector.broadcast %reduce_min3A_289 : i32 to vector<1x128xi32>
      %select_n3A_306 = arith.select %eq3A_304, %broadcast_in_dim3A_305, %select_n3A_239 : vector<1x128xi1>, vector<1x128xi32>
      %eq3A_307 = arith.constant 3 : i32
      %eq3A_308 = vector.broadcast %eq3A_307 : i32 to vector<1x128xi32>
      %eq3A_309 = arith.cmpi eq, %iota3A_44, %eq3A_308 : vector<1x128xi32>
      %broadcast_in_dim3A_310 = vector.broadcast %reduce_min3A_281 : i32 to vector<1x128xi32>
      %select_n3A_311 = arith.select %eq3A_309, %broadcast_in_dim3A_310, %select_n3A_244 : vector<1x128xi1>, vector<1x128xi32>
      %jit3A_312 = arith.constant -1.000000e+30 : f32
      %broadcast_in_dim3A_313 = vector.broadcast %jit3A_312 : f32 to vector<8x64x128xf32>
      %select_n3A_314 = arith.select %and3A_265, %broadcast_in_dim3A_313, %select_n3A_247 : vector<8x64x128xi1>, vector<8x64x128xf32>
      %reduce_max3A_315 = vector.shape_cast %select_n3A_314 : vector<8x64x128xf32> to vector<1x8x64x128xf32>
      %reduce_max3A_316 = arith.constant dense<0xFF800000> : vector<1xf32>
      %reduce_max3A_317 = vector.multi_reduction <maximumf>, %reduce_max3A_315, %reduce_max3A_316 [1, 2, 3] : vector<1x8x64x128xf32> to vector<1xf32>
      %reduce_max3A_318 = vector.shape_cast %reduce_max3A_317 : vector<1xf32> to vector<1x1x1x1xf32>
      %reduce_max3A_319 = vector.extract %reduce_max3A_318[0, 0, 0, 0] : f32 from vector<1x1x1x1xf32>
      %eq3A_320 = vector.broadcast %reduce_max3A_319 : f32 to vector<8x64x128xf32>
      %eq3A_321 = arith.cmpf oeq, %select_n3A_314, %eq3A_320 : vector<8x64x128xf32>
      %jit3A_322 = arith.constant 1073741824 : i32
      %broadcast_in_dim3A_323 = vector.broadcast %jit3A_322 : i32 to vector<8x64x128xi32>
      %select_n3A_324 = arith.select %eq3A_321, %add3A_43, %broadcast_in_dim3A_323 : vector<8x64x128xi1>, vector<8x64x128xi32>
      %reduce_min3A_325 = vector.shape_cast %select_n3A_324 : vector<8x64x128xi32> to vector<1x8x64x128xi32>
      %reduce_min3A_326 = arith.constant dense<2147483647> : vector<1xi32>
      %reduce_min3A_327 = vector.multi_reduction <minsi>, %reduce_min3A_325, %reduce_min3A_326 [1, 2, 3] : vector<1x8x64x128xi32> to vector<1xi32>
      %reduce_min3A_328 = vector.shape_cast %reduce_min3A_327 : vector<1xi32> to vector<1x1x1x1xi32>
      %reduce_min3A_329 = vector.extract %reduce_min3A_328[0, 0, 0, 0] : i32 from vector<1x1x1x1xi32>
      %eq3A_330 = vector.broadcast %reduce_min3A_329 : i32 to vector<8x64x128xi32>
      %eq3A_331 = arith.cmpi eq, %add3A_43, %eq3A_330 : vector<8x64x128xi32>
      %and3A_332 = arith.andi %eq3A_321, %eq3A_331 : vector<8x64x128xi1>
      %jit3A_333 = arith.constant 1.07374182E+9 : f32
      %broadcast_in_dim3A_334 = vector.broadcast %jit3A_333 : f32 to vector<8x64x128xf32>
      %select_n3A_335 = arith.select %and3A_332, %broadcast_in_dim3A_35, %broadcast_in_dim3A_334 : vector<8x64x128xi1>, vector<8x64x128xf32>
      %reduce_min3A_336 = vector.shape_cast %select_n3A_335 : vector<8x64x128xf32> to vector<1x8x64x128xf32>
      %reduce_min3A_337 = arith.constant dense<0x7F800000> : vector<1xf32>
      %reduce_min3A_338 = vector.multi_reduction <minimumf>, %reduce_min3A_336, %reduce_min3A_337 [1, 2, 3] : vector<1x8x64x128xf32> to vector<1xf32>
      %reduce_min3A_339 = vector.shape_cast %reduce_min3A_338 : vector<1xf32> to vector<1x1x1x1xf32>
      %reduce_min3A_340 = vector.extract %reduce_min3A_339[0, 0, 0, 0] : f32 from vector<1x1x1x1xf32>
      %jit3A_341 = arith.constant 1073741824 : i32
      %broadcast_in_dim3A_342 = vector.broadcast %jit3A_341 : i32 to vector<8x64x128xi32>
      %select_n3A_343 = arith.select %and3A_332, %add3A_40, %broadcast_in_dim3A_342 : vector<8x64x128xi1>, vector<8x64x128xi32>
      %reduce_min3A_344 = vector.shape_cast %select_n3A_343 : vector<8x64x128xi32> to vector<1x8x64x128xi32>
      %reduce_min3A_345 = arith.constant dense<2147483647> : vector<1xi32>
      %reduce_min3A_346 = vector.multi_reduction <minsi>, %reduce_min3A_344, %reduce_min3A_345 [1, 2, 3] : vector<1x8x64x128xi32> to vector<1xi32>
      %reduce_min3A_347 = vector.shape_cast %reduce_min3A_346 : vector<1xi32> to vector<1x1x1x1xi32>
      %reduce_min3A_348 = vector.extract %reduce_min3A_347[0, 0, 0, 0] : i32 from vector<1x1x1x1xi32>
      %jit3A_349 = arith.constant 1073741824 : i32
      %broadcast_in_dim3A_350 = vector.broadcast %jit3A_349 : i32 to vector<8x64x128xi32>
      %select_n3A_351 = arith.select %and3A_332, %iota3A_16, %broadcast_in_dim3A_350 : vector<8x64x128xi1>, vector<8x64x128xi32>
      %reduce_min3A_352 = vector.shape_cast %select_n3A_351 : vector<8x64x128xi32> to vector<1x8x64x128xi32>
      %reduce_min3A_353 = arith.constant dense<2147483647> : vector<1xi32>
      %reduce_min3A_354 = vector.multi_reduction <minsi>, %reduce_min3A_352, %reduce_min3A_353 [1, 2, 3] : vector<1x8x64x128xi32> to vector<1xi32>
      %reduce_min3A_355 = vector.shape_cast %reduce_min3A_354 : vector<1xi32> to vector<1x1x1x1xi32>
      %reduce_min3A_356 = vector.extract %reduce_min3A_355[0, 0, 0, 0] : i32 from vector<1x1x1x1xi32>
      %eq3A_357 = arith.constant 4 : i32
      %eq3A_358 = vector.broadcast %eq3A_357 : i32 to vector<1x128xi32>
      %eq3A_359 = arith.cmpi eq, %iota3A_44, %eq3A_358 : vector<1x128xi32>
      %broadcast_in_dim3A_360 = vector.broadcast %reduce_max3A_319 : f32 to vector<1x128xf32>
      %select_n3A_361 = arith.select %eq3A_359, %broadcast_in_dim3A_360, %select_n3A_294 : vector<1x128xi1>, vector<1x128xf32>
      %eq3A_362 = arith.constant 4 : i32
      %eq3A_363 = vector.broadcast %eq3A_362 : i32 to vector<1x128xi32>
      %eq3A_364 = arith.cmpi eq, %iota3A_44, %eq3A_363 : vector<1x128xi32>
      %sub3A_365 = arith.subf %reduce_max3A_319, %reduce_min3A_340 : f32
      %exp3A_366 = math.exp %sub3A_365 : f32
      %broadcast_in_dim3A_367 = vector.broadcast %exp3A_366 : f32 to vector<1x128xf32>
      %select_n3A_368 = arith.select %eq3A_364, %broadcast_in_dim3A_367, %select_n3A_301 : vector<1x128xi1>, vector<1x128xf32>
      %eq3A_369 = arith.constant 4 : i32
      %eq3A_370 = vector.broadcast %eq3A_369 : i32 to vector<1x128xi32>
      %eq3A_371 = arith.cmpi eq, %iota3A_44, %eq3A_370 : vector<1x128xi32>
      %broadcast_in_dim3A_372 = vector.broadcast %reduce_min3A_356 : i32 to vector<1x128xi32>
      %select_n3A_373 = arith.select %eq3A_371, %broadcast_in_dim3A_372, %select_n3A_306 : vector<1x128xi1>, vector<1x128xi32>
      %eq3A_374 = arith.constant 4 : i32
      %eq3A_375 = vector.broadcast %eq3A_374 : i32 to vector<1x128xi32>
      %eq3A_376 = arith.cmpi eq, %iota3A_44, %eq3A_375 : vector<1x128xi32>
      %broadcast_in_dim3A_377 = vector.broadcast %reduce_min3A_348 : i32 to vector<1x128xi32>
      %select_n3A_378 = arith.select %eq3A_376, %broadcast_in_dim3A_377, %select_n3A_311 : vector<1x128xi1>, vector<1x128xi32>
      %jit3A_379 = arith.constant -1.000000e+30 : f32
      %broadcast_in_dim3A_380 = vector.broadcast %jit3A_379 : f32 to vector<8x64x128xf32>
      %select_n3A_381 = arith.select %and3A_332, %broadcast_in_dim3A_380, %select_n3A_314 : vector<8x64x128xi1>, vector<8x64x128xf32>
      %reduce_max3A_382 = vector.shape_cast %select_n3A_381 : vector<8x64x128xf32> to vector<1x8x64x128xf32>
      %reduce_max3A_383 = arith.constant dense<0xFF800000> : vector<1xf32>
      %reduce_max3A_384 = vector.multi_reduction <maximumf>, %reduce_max3A_382, %reduce_max3A_383 [1, 2, 3] : vector<1x8x64x128xf32> to vector<1xf32>
      %reduce_max3A_385 = vector.shape_cast %reduce_max3A_384 : vector<1xf32> to vector<1x1x1x1xf32>
      %reduce_max3A_386 = vector.extract %reduce_max3A_385[0, 0, 0, 0] : f32 from vector<1x1x1x1xf32>
      %eq3A_387 = vector.broadcast %reduce_max3A_386 : f32 to vector<8x64x128xf32>
      %eq3A_388 = arith.cmpf oeq, %select_n3A_381, %eq3A_387 : vector<8x64x128xf32>
      %jit3A_389 = arith.constant 1073741824 : i32
      %broadcast_in_dim3A_390 = vector.broadcast %jit3A_389 : i32 to vector<8x64x128xi32>
      %select_n3A_391 = arith.select %eq3A_388, %add3A_43, %broadcast_in_dim3A_390 : vector<8x64x128xi1>, vector<8x64x128xi32>
      %reduce_min3A_392 = vector.shape_cast %select_n3A_391 : vector<8x64x128xi32> to vector<1x8x64x128xi32>
      %reduce_min3A_393 = arith.constant dense<2147483647> : vector<1xi32>
      %reduce_min3A_394 = vector.multi_reduction <minsi>, %reduce_min3A_392, %reduce_min3A_393 [1, 2, 3] : vector<1x8x64x128xi32> to vector<1xi32>
      %reduce_min3A_395 = vector.shape_cast %reduce_min3A_394 : vector<1xi32> to vector<1x1x1x1xi32>
      %reduce_min3A_396 = vector.extract %reduce_min3A_395[0, 0, 0, 0] : i32 from vector<1x1x1x1xi32>
      %eq3A_397 = vector.broadcast %reduce_min3A_396 : i32 to vector<8x64x128xi32>
      %eq3A_398 = arith.cmpi eq, %add3A_43, %eq3A_397 : vector<8x64x128xi32>
      %and3A_399 = arith.andi %eq3A_388, %eq3A_398 : vector<8x64x128xi1>
      %jit3A_400 = arith.constant 1.07374182E+9 : f32
      %broadcast_in_dim3A_401 = vector.broadcast %jit3A_400 : f32 to vector<8x64x128xf32>
      %select_n3A_402 = arith.select %and3A_399, %broadcast_in_dim3A_35, %broadcast_in_dim3A_401 : vector<8x64x128xi1>, vector<8x64x128xf32>
      %reduce_min3A_403 = vector.shape_cast %select_n3A_402 : vector<8x64x128xf32> to vector<1x8x64x128xf32>
      %reduce_min3A_404 = arith.constant dense<0x7F800000> : vector<1xf32>
      %reduce_min3A_405 = vector.multi_reduction <minimumf>, %reduce_min3A_403, %reduce_min3A_404 [1, 2, 3] : vector<1x8x64x128xf32> to vector<1xf32>
      %reduce_min3A_406 = vector.shape_cast %reduce_min3A_405 : vector<1xf32> to vector<1x1x1x1xf32>
      %reduce_min3A_407 = vector.extract %reduce_min3A_406[0, 0, 0, 0] : f32 from vector<1x1x1x1xf32>
      %jit3A_408 = arith.constant 1073741824 : i32
      %broadcast_in_dim3A_409 = vector.broadcast %jit3A_408 : i32 to vector<8x64x128xi32>
      %select_n3A_410 = arith.select %and3A_399, %add3A_40, %broadcast_in_dim3A_409 : vector<8x64x128xi1>, vector<8x64x128xi32>
      %reduce_min3A_411 = vector.shape_cast %select_n3A_410 : vector<8x64x128xi32> to vector<1x8x64x128xi32>
      %reduce_min3A_412 = arith.constant dense<2147483647> : vector<1xi32>
      %reduce_min3A_413 = vector.multi_reduction <minsi>, %reduce_min3A_411, %reduce_min3A_412 [1, 2, 3] : vector<1x8x64x128xi32> to vector<1xi32>
      %reduce_min3A_414 = vector.shape_cast %reduce_min3A_413 : vector<1xi32> to vector<1x1x1x1xi32>
      %reduce_min3A_415 = vector.extract %reduce_min3A_414[0, 0, 0, 0] : i32 from vector<1x1x1x1xi32>
      %jit3A_416 = arith.constant 1073741824 : i32
      %broadcast_in_dim3A_417 = vector.broadcast %jit3A_416 : i32 to vector<8x64x128xi32>
      %select_n3A_418 = arith.select %and3A_399, %iota3A_16, %broadcast_in_dim3A_417 : vector<8x64x128xi1>, vector<8x64x128xi32>
      %reduce_min3A_419 = vector.shape_cast %select_n3A_418 : vector<8x64x128xi32> to vector<1x8x64x128xi32>
      %reduce_min3A_420 = arith.constant dense<2147483647> : vector<1xi32>
      %reduce_min3A_421 = vector.multi_reduction <minsi>, %reduce_min3A_419, %reduce_min3A_420 [1, 2, 3] : vector<1x8x64x128xi32> to vector<1xi32>
      %reduce_min3A_422 = vector.shape_cast %reduce_min3A_421 : vector<1xi32> to vector<1x1x1x1xi32>
      %reduce_min3A_423 = vector.extract %reduce_min3A_422[0, 0, 0, 0] : i32 from vector<1x1x1x1xi32>
      %eq3A_424 = arith.constant 5 : i32
      %eq3A_425 = vector.broadcast %eq3A_424 : i32 to vector<1x128xi32>
      %eq3A_426 = arith.cmpi eq, %iota3A_44, %eq3A_425 : vector<1x128xi32>
      %broadcast_in_dim3A_427 = vector.broadcast %reduce_max3A_386 : f32 to vector<1x128xf32>
      %select_n3A_428 = arith.select %eq3A_426, %broadcast_in_dim3A_427, %select_n3A_361 : vector<1x128xi1>, vector<1x128xf32>
      %eq3A_429 = arith.constant 5 : i32
      %eq3A_430 = vector.broadcast %eq3A_429 : i32 to vector<1x128xi32>
      %eq3A_431 = arith.cmpi eq, %iota3A_44, %eq3A_430 : vector<1x128xi32>
      %sub3A_432 = arith.subf %reduce_max3A_386, %reduce_min3A_407 : f32
      %exp3A_433 = math.exp %sub3A_432 : f32
      %broadcast_in_dim3A_434 = vector.broadcast %exp3A_433 : f32 to vector<1x128xf32>
      %select_n3A_435 = arith.select %eq3A_431, %broadcast_in_dim3A_434, %select_n3A_368 : vector<1x128xi1>, vector<1x128xf32>
      %eq3A_436 = arith.constant 5 : i32
      %eq3A_437 = vector.broadcast %eq3A_436 : i32 to vector<1x128xi32>
      %eq3A_438 = arith.cmpi eq, %iota3A_44, %eq3A_437 : vector<1x128xi32>
      %broadcast_in_dim3A_439 = vector.broadcast %reduce_min3A_423 : i32 to vector<1x128xi32>
      %select_n3A_440 = arith.select %eq3A_438, %broadcast_in_dim3A_439, %select_n3A_373 : vector<1x128xi1>, vector<1x128xi32>
      %eq3A_441 = arith.constant 5 : i32
      %eq3A_442 = vector.broadcast %eq3A_441 : i32 to vector<1x128xi32>
      %eq3A_443 = arith.cmpi eq, %iota3A_44, %eq3A_442 : vector<1x128xi32>
      %broadcast_in_dim3A_444 = vector.broadcast %reduce_min3A_415 : i32 to vector<1x128xi32>
      %select_n3A_445 = arith.select %eq3A_443, %broadcast_in_dim3A_444, %select_n3A_378 : vector<1x128xi1>, vector<1x128xi32>
      %jit3A_446 = arith.constant -1.000000e+30 : f32
      %broadcast_in_dim3A_447 = vector.broadcast %jit3A_446 : f32 to vector<8x64x128xf32>
      %select_n3A_448 = arith.select %and3A_399, %broadcast_in_dim3A_447, %select_n3A_381 : vector<8x64x128xi1>, vector<8x64x128xf32>
      %reduce_max3A_449 = vector.shape_cast %select_n3A_448 : vector<8x64x128xf32> to vector<1x8x64x128xf32>
      %reduce_max3A_450 = arith.constant dense<0xFF800000> : vector<1xf32>
      %reduce_max3A_451 = vector.multi_reduction <maximumf>, %reduce_max3A_449, %reduce_max3A_450 [1, 2, 3] : vector<1x8x64x128xf32> to vector<1xf32>
      %reduce_max3A_452 = vector.shape_cast %reduce_max3A_451 : vector<1xf32> to vector<1x1x1x1xf32>
      %reduce_max3A_453 = vector.extract %reduce_max3A_452[0, 0, 0, 0] : f32 from vector<1x1x1x1xf32>
      %eq3A_454 = vector.broadcast %reduce_max3A_453 : f32 to vector<8x64x128xf32>
      %eq3A_455 = arith.cmpf oeq, %select_n3A_448, %eq3A_454 : vector<8x64x128xf32>
      %jit3A_456 = arith.constant 1073741824 : i32
      %broadcast_in_dim3A_457 = vector.broadcast %jit3A_456 : i32 to vector<8x64x128xi32>
      %select_n3A_458 = arith.select %eq3A_455, %add3A_43, %broadcast_in_dim3A_457 : vector<8x64x128xi1>, vector<8x64x128xi32>
      %reduce_min3A_459 = vector.shape_cast %select_n3A_458 : vector<8x64x128xi32> to vector<1x8x64x128xi32>
      %reduce_min3A_460 = arith.constant dense<2147483647> : vector<1xi32>
      %reduce_min3A_461 = vector.multi_reduction <minsi>, %reduce_min3A_459, %reduce_min3A_460 [1, 2, 3] : vector<1x8x64x128xi32> to vector<1xi32>
      %reduce_min3A_462 = vector.shape_cast %reduce_min3A_461 : vector<1xi32> to vector<1x1x1x1xi32>
      %reduce_min3A_463 = vector.extract %reduce_min3A_462[0, 0, 0, 0] : i32 from vector<1x1x1x1xi32>
      %eq3A_464 = vector.broadcast %reduce_min3A_463 : i32 to vector<8x64x128xi32>
      %eq3A_465 = arith.cmpi eq, %add3A_43, %eq3A_464 : vector<8x64x128xi32>
      %and3A_466 = arith.andi %eq3A_455, %eq3A_465 : vector<8x64x128xi1>
      %jit3A_467 = arith.constant 1.07374182E+9 : f32
      %broadcast_in_dim3A_468 = vector.broadcast %jit3A_467 : f32 to vector<8x64x128xf32>
      %select_n3A_469 = arith.select %and3A_466, %broadcast_in_dim3A_35, %broadcast_in_dim3A_468 : vector<8x64x128xi1>, vector<8x64x128xf32>
      %reduce_min3A_470 = vector.shape_cast %select_n3A_469 : vector<8x64x128xf32> to vector<1x8x64x128xf32>
      %reduce_min3A_471 = arith.constant dense<0x7F800000> : vector<1xf32>
      %reduce_min3A_472 = vector.multi_reduction <minimumf>, %reduce_min3A_470, %reduce_min3A_471 [1, 2, 3] : vector<1x8x64x128xf32> to vector<1xf32>
      %reduce_min3A_473 = vector.shape_cast %reduce_min3A_472 : vector<1xf32> to vector<1x1x1x1xf32>
      %reduce_min3A_474 = vector.extract %reduce_min3A_473[0, 0, 0, 0] : f32 from vector<1x1x1x1xf32>
      %jit3A_475 = arith.constant 1073741824 : i32
      %broadcast_in_dim3A_476 = vector.broadcast %jit3A_475 : i32 to vector<8x64x128xi32>
      %select_n3A_477 = arith.select %and3A_466, %add3A_40, %broadcast_in_dim3A_476 : vector<8x64x128xi1>, vector<8x64x128xi32>
      %reduce_min3A_478 = vector.shape_cast %select_n3A_477 : vector<8x64x128xi32> to vector<1x8x64x128xi32>
      %reduce_min3A_479 = arith.constant dense<2147483647> : vector<1xi32>
      %reduce_min3A_480 = vector.multi_reduction <minsi>, %reduce_min3A_478, %reduce_min3A_479 [1, 2, 3] : vector<1x8x64x128xi32> to vector<1xi32>
      %reduce_min3A_481 = vector.shape_cast %reduce_min3A_480 : vector<1xi32> to vector<1x1x1x1xi32>
      %reduce_min3A_482 = vector.extract %reduce_min3A_481[0, 0, 0, 0] : i32 from vector<1x1x1x1xi32>
      %jit3A_483 = arith.constant 1073741824 : i32
      %broadcast_in_dim3A_484 = vector.broadcast %jit3A_483 : i32 to vector<8x64x128xi32>
      %select_n3A_485 = arith.select %and3A_466, %iota3A_16, %broadcast_in_dim3A_484 : vector<8x64x128xi1>, vector<8x64x128xi32>
      %reduce_min3A_486 = vector.shape_cast %select_n3A_485 : vector<8x64x128xi32> to vector<1x8x64x128xi32>
      %reduce_min3A_487 = arith.constant dense<2147483647> : vector<1xi32>
      %reduce_min3A_488 = vector.multi_reduction <minsi>, %reduce_min3A_486, %reduce_min3A_487 [1, 2, 3] : vector<1x8x64x128xi32> to vector<1xi32>
      %reduce_min3A_489 = vector.shape_cast %reduce_min3A_488 : vector<1xi32> to vector<1x1x1x1xi32>
      %reduce_min3A_490 = vector.extract %reduce_min3A_489[0, 0, 0, 0] : i32 from vector<1x1x1x1xi32>
      %eq3A_491 = arith.constant 6 : i32
      %eq3A_492 = vector.broadcast %eq3A_491 : i32 to vector<1x128xi32>
      %eq3A_493 = arith.cmpi eq, %iota3A_44, %eq3A_492 : vector<1x128xi32>
      %broadcast_in_dim3A_494 = vector.broadcast %reduce_max3A_453 : f32 to vector<1x128xf32>
      %select_n3A_495 = arith.select %eq3A_493, %broadcast_in_dim3A_494, %select_n3A_428 : vector<1x128xi1>, vector<1x128xf32>
      %eq3A_496 = arith.constant 6 : i32
      %eq3A_497 = vector.broadcast %eq3A_496 : i32 to vector<1x128xi32>
      %eq3A_498 = arith.cmpi eq, %iota3A_44, %eq3A_497 : vector<1x128xi32>
      %sub3A_499 = arith.subf %reduce_max3A_453, %reduce_min3A_474 : f32
      %exp3A_500 = math.exp %sub3A_499 : f32
      %broadcast_in_dim3A_501 = vector.broadcast %exp3A_500 : f32 to vector<1x128xf32>
      %select_n3A_502 = arith.select %eq3A_498, %broadcast_in_dim3A_501, %select_n3A_435 : vector<1x128xi1>, vector<1x128xf32>
      %eq3A_503 = arith.constant 6 : i32
      %eq3A_504 = vector.broadcast %eq3A_503 : i32 to vector<1x128xi32>
      %eq3A_505 = arith.cmpi eq, %iota3A_44, %eq3A_504 : vector<1x128xi32>
      %broadcast_in_dim3A_506 = vector.broadcast %reduce_min3A_490 : i32 to vector<1x128xi32>
      %select_n3A_507 = arith.select %eq3A_505, %broadcast_in_dim3A_506, %select_n3A_440 : vector<1x128xi1>, vector<1x128xi32>
      %eq3A_508 = arith.constant 6 : i32
      %eq3A_509 = vector.broadcast %eq3A_508 : i32 to vector<1x128xi32>
      %eq3A_510 = arith.cmpi eq, %iota3A_44, %eq3A_509 : vector<1x128xi32>
      %broadcast_in_dim3A_511 = vector.broadcast %reduce_min3A_482 : i32 to vector<1x128xi32>
      %select_n3A_512 = arith.select %eq3A_510, %broadcast_in_dim3A_511, %select_n3A_445 : vector<1x128xi1>, vector<1x128xi32>
      %jit3A_513 = arith.constant -1.000000e+30 : f32
      %broadcast_in_dim3A_514 = vector.broadcast %jit3A_513 : f32 to vector<8x64x128xf32>
      %select_n3A_515 = arith.select %and3A_466, %broadcast_in_dim3A_514, %select_n3A_448 : vector<8x64x128xi1>, vector<8x64x128xf32>
      %reduce_max3A_516 = vector.shape_cast %select_n3A_515 : vector<8x64x128xf32> to vector<1x8x64x128xf32>
      %reduce_max3A_517 = arith.constant dense<0xFF800000> : vector<1xf32>
      %reduce_max3A_518 = vector.multi_reduction <maximumf>, %reduce_max3A_516, %reduce_max3A_517 [1, 2, 3] : vector<1x8x64x128xf32> to vector<1xf32>
      %reduce_max3A_519 = vector.shape_cast %reduce_max3A_518 : vector<1xf32> to vector<1x1x1x1xf32>
      %reduce_max3A_520 = vector.extract %reduce_max3A_519[0, 0, 0, 0] : f32 from vector<1x1x1x1xf32>
      %eq3A_521 = vector.broadcast %reduce_max3A_520 : f32 to vector<8x64x128xf32>
      %eq3A_522 = arith.cmpf oeq, %select_n3A_515, %eq3A_521 : vector<8x64x128xf32>
      %jit3A_523 = arith.constant 1073741824 : i32
      %broadcast_in_dim3A_524 = vector.broadcast %jit3A_523 : i32 to vector<8x64x128xi32>
      %select_n3A_525 = arith.select %eq3A_522, %add3A_43, %broadcast_in_dim3A_524 : vector<8x64x128xi1>, vector<8x64x128xi32>
      %reduce_min3A_526 = vector.shape_cast %select_n3A_525 : vector<8x64x128xi32> to vector<1x8x64x128xi32>
      %reduce_min3A_527 = arith.constant dense<2147483647> : vector<1xi32>
      %reduce_min3A_528 = vector.multi_reduction <minsi>, %reduce_min3A_526, %reduce_min3A_527 [1, 2, 3] : vector<1x8x64x128xi32> to vector<1xi32>
      %reduce_min3A_529 = vector.shape_cast %reduce_min3A_528 : vector<1xi32> to vector<1x1x1x1xi32>
      %reduce_min3A_530 = vector.extract %reduce_min3A_529[0, 0, 0, 0] : i32 from vector<1x1x1x1xi32>
      %eq3A_531 = vector.broadcast %reduce_min3A_530 : i32 to vector<8x64x128xi32>
      %eq3A_532 = arith.cmpi eq, %add3A_43, %eq3A_531 : vector<8x64x128xi32>
      %and3A_533 = arith.andi %eq3A_522, %eq3A_532 : vector<8x64x128xi1>
      %jit3A_534 = arith.constant 1.07374182E+9 : f32
      %broadcast_in_dim3A_535 = vector.broadcast %jit3A_534 : f32 to vector<8x64x128xf32>
      %select_n3A_536 = arith.select %and3A_533, %broadcast_in_dim3A_35, %broadcast_in_dim3A_535 : vector<8x64x128xi1>, vector<8x64x128xf32>
      %reduce_min3A_537 = vector.shape_cast %select_n3A_536 : vector<8x64x128xf32> to vector<1x8x64x128xf32>
      %reduce_min3A_538 = arith.constant dense<0x7F800000> : vector<1xf32>
      %reduce_min3A_539 = vector.multi_reduction <minimumf>, %reduce_min3A_537, %reduce_min3A_538 [1, 2, 3] : vector<1x8x64x128xf32> to vector<1xf32>
      %reduce_min3A_540 = vector.shape_cast %reduce_min3A_539 : vector<1xf32> to vector<1x1x1x1xf32>
      %reduce_min3A_541 = vector.extract %reduce_min3A_540[0, 0, 0, 0] : f32 from vector<1x1x1x1xf32>
      %jit3A_542 = arith.constant 1073741824 : i32
      %broadcast_in_dim3A_543 = vector.broadcast %jit3A_542 : i32 to vector<8x64x128xi32>
      %select_n3A_544 = arith.select %and3A_533, %add3A_40, %broadcast_in_dim3A_543 : vector<8x64x128xi1>, vector<8x64x128xi32>
      %reduce_min3A_545 = vector.shape_cast %select_n3A_544 : vector<8x64x128xi32> to vector<1x8x64x128xi32>
      %reduce_min3A_546 = arith.constant dense<2147483647> : vector<1xi32>
      %reduce_min3A_547 = vector.multi_reduction <minsi>, %reduce_min3A_545, %reduce_min3A_546 [1, 2, 3] : vector<1x8x64x128xi32> to vector<1xi32>
      %reduce_min3A_548 = vector.shape_cast %reduce_min3A_547 : vector<1xi32> to vector<1x1x1x1xi32>
      %reduce_min3A_549 = vector.extract %reduce_min3A_548[0, 0, 0, 0] : i32 from vector<1x1x1x1xi32>
      %jit3A_550 = arith.constant 1073741824 : i32
      %broadcast_in_dim3A_551 = vector.broadcast %jit3A_550 : i32 to vector<8x64x128xi32>
      %select_n3A_552 = arith.select %and3A_533, %iota3A_16, %broadcast_in_dim3A_551 : vector<8x64x128xi1>, vector<8x64x128xi32>
      %reduce_min3A_553 = vector.shape_cast %select_n3A_552 : vector<8x64x128xi32> to vector<1x8x64x128xi32>
      %reduce_min3A_554 = arith.constant dense<2147483647> : vector<1xi32>
      %reduce_min3A_555 = vector.multi_reduction <minsi>, %reduce_min3A_553, %reduce_min3A_554 [1, 2, 3] : vector<1x8x64x128xi32> to vector<1xi32>
      %reduce_min3A_556 = vector.shape_cast %reduce_min3A_555 : vector<1xi32> to vector<1x1x1x1xi32>
      %reduce_min3A_557 = vector.extract %reduce_min3A_556[0, 0, 0, 0] : i32 from vector<1x1x1x1xi32>
      %eq3A_558 = arith.constant 7 : i32
      %eq3A_559 = vector.broadcast %eq3A_558 : i32 to vector<1x128xi32>
      %eq3A_560 = arith.cmpi eq, %iota3A_44, %eq3A_559 : vector<1x128xi32>
      %broadcast_in_dim3A_561 = vector.broadcast %reduce_max3A_520 : f32 to vector<1x128xf32>
      %select_n3A_562 = arith.select %eq3A_560, %broadcast_in_dim3A_561, %select_n3A_495 : vector<1x128xi1>, vector<1x128xf32>
      %eq3A_563 = arith.constant 7 : i32
      %eq3A_564 = vector.broadcast %eq3A_563 : i32 to vector<1x128xi32>
      %eq3A_565 = arith.cmpi eq, %iota3A_44, %eq3A_564 : vector<1x128xi32>
      %sub3A_566 = arith.subf %reduce_max3A_520, %reduce_min3A_541 : f32
      %exp3A_567 = math.exp %sub3A_566 : f32
      %broadcast_in_dim3A_568 = vector.broadcast %exp3A_567 : f32 to vector<1x128xf32>
      %select_n3A_569 = arith.select %eq3A_565, %broadcast_in_dim3A_568, %select_n3A_502 : vector<1x128xi1>, vector<1x128xf32>
      %eq3A_570 = arith.constant 7 : i32
      %eq3A_571 = vector.broadcast %eq3A_570 : i32 to vector<1x128xi32>
      %eq3A_572 = arith.cmpi eq, %iota3A_44, %eq3A_571 : vector<1x128xi32>
      %broadcast_in_dim3A_573 = vector.broadcast %reduce_min3A_557 : i32 to vector<1x128xi32>
      %select_n3A_574 = arith.select %eq3A_572, %broadcast_in_dim3A_573, %select_n3A_507 : vector<1x128xi1>, vector<1x128xi32>
      %eq3A_575 = arith.constant 7 : i32
      %eq3A_576 = vector.broadcast %eq3A_575 : i32 to vector<1x128xi32>
      %eq3A_577 = arith.cmpi eq, %iota3A_44, %eq3A_576 : vector<1x128xi32>
      %broadcast_in_dim3A_578 = vector.broadcast %reduce_min3A_549 : i32 to vector<1x128xi32>
      %select_n3A_579 = arith.select %eq3A_577, %broadcast_in_dim3A_578, %select_n3A_512 : vector<1x128xi1>, vector<1x128xi32>
      %swap3A = arith.constant 0 : index
      %swap3A_580 = arith.constant 0 : index
      %swap3A_581 = vector.load %arg10[%swap3A, %swap3A_580] : memref<1x128xf32, #tpu.memory_space<vmem>>, vector<1x128xf32>
      tpu.vector_store %arg10[%swap3A, %swap3A_580], %select_n3A_562 {strides = array<i32>} : memref<1x128xf32, #tpu.memory_space<vmem>>, vector<1x128xf32>,
      %swap3A_582 = arith.constant 0 : index
      %swap3A_583 = arith.constant 0 : index
      %swap3A_584 = vector.load %arg11[%swap3A_582, %swap3A_583] : memref<1x128xf32, #tpu.memory_space<vmem>>, vector<1x128xf32>
      tpu.vector_store %arg11[%swap3A_582, %swap3A_583], %select_n3A_569 {strides = array<i32>} : memref<1x128xf32, #tpu.memory_space<vmem>>, vector<1x128xf32>,
      %swap3A_585 = arith.constant 0 : index
      %swap3A_586 = arith.constant 0 : index
      %swap3A_587 = vector.load %arg12[%swap3A_585, %swap3A_586] : memref<1x128xi32, #tpu.memory_space<vmem>>, vector<1x128xi32>
      tpu.vector_store %arg12[%swap3A_585, %swap3A_586], %select_n3A_574 {strides = array<i32>} : memref<1x128xi32, #tpu.memory_space<vmem>>, vector<1x128xi32>,
      %swap3A_588 = arith.constant 0 : index
      %swap3A_589 = arith.constant 0 : index
      %swap3A_590 = vector.load %arg13[%swap3A_588, %swap3A_589] : memref<1x128xi32, #tpu.memory_space<vmem>>, vector<1x128xi32>
      tpu.vector_store %arg13[%swap3A_588, %swap3A_589], %select_n3A_579 {strides = array<i32>} : memref<1x128xi32, #tpu.memory_space<vmem>>, vector<1x128xi32>,
    } else {
    }
    return
  }
  func.func @transform_0(%arg0: i32) -> (i32, i32) {
    %c0_i32 = arith.constant 0 : i32
    %c0_i32_0 = arith.constant 0 : i32
    %c0_i32_1 = arith.constant 0 : i32
    return %c0_i32, %c0_i32_0 : i32, i32
  }
  func.func @transform_1(%arg0: i32) -> (i32, i32) {
    %c0_i32 = arith.constant 0 : i32
    %c0_i32_0 = arith.constant 0 : i32
    %c0_i32_1 = arith.constant 0 : i32
    return %c0_i32, %c0_i32_0 : i32, i32
  }
  func.func @transform_2(%arg0: i32) -> (i32, i32) {
    %c0_i32 = arith.constant 0 : i32
    %c0_i32_0 = arith.constant 0 : i32
    %c0_i32_1 = arith.constant 0 : i32
    return %c0_i32, %c0_i32_0 : i32, i32
  }
  func.func @transform_3(%arg0: i32) -> (i32, i32) {
    %c0_i32 = arith.constant 0 : i32
    %c0_i32_0 = arith.constant 0 : i32
    %c0_i32_1 = arith.constant 0 : i32
    return %c0_i32, %c0_i32_0 : i32, i32
  }
  func.func @transform_4(%arg0: i32) -> (i32, i32) {
    %c0_i32 = arith.constant 0 : i32
    %c0_i32_0 = arith.constant 0 : i32
    %c0_i32_1 = arith.constant 0 : i32
    return %c0_i32, %c0_i32_0 : i32, i32
  }
  func.func @transform_5(%arg0: i32) -> (i32, i32) {
    %c0_i32 = arith.constant 0 : i32
    %c0_i32_0 = arith.constant 0 : i32
    %c0_i32_1 = arith.constant 0 : i32
    return %c0_i32, %c0_i32_0 : i32, i32
  }
  func.func @transform_6(%arg0: i32) -> (i32, i32) {
    %c0_i32 = arith.constant 0 : i32
    %c0_i32_0 = arith.constant 0 : i32
    %c0_i32_1 = arith.constant 0 : i32
    return %c0_i32, %c0_i32_0 : i32, i32
  }
  func.func @transform_7(%arg0: i32) -> (i32, i32) {
    %min3A = arith.constant 20 : i32
    %min3A_0 = arith.minsi %arg0, %min3A : i32
    %c0_i32 = arith.constant 0 : i32
    %c0_i32_1 = arith.constant 0 : i32
    return %min3A_0, %c0_i32 : i32, i32
  }
  func.func @transform_8(%arg0: i32) -> (i32, i32, i32) {
    %min3A = arith.constant 20 : i32
    %min3A_0 = arith.minsi %arg0, %min3A : i32
    %c0_i32 = arith.constant 0 : i32
    %c0_i32_1 = arith.constant 0 : i32
    %c0_i32_2 = arith.constant 0 : i32
    return %min3A_0, %c0_i32, %c0_i32_1 : i32, i32, i32
  }
  func.func @transform_9(%arg0: i32) -> (i32, i32) {
    %c0_i32 = arith.constant 0 : i32
    %c0_i32_0 = arith.constant 0 : i32
    %c0_i32_1 = arith.constant 0 : i32
    return %c0_i32, %c0_i32_0 : i32, i32
  }
  func.func @transform_10(%arg0: i32) -> (i32, i32) {
    %c0_i32 = arith.constant 0 : i32
    %c0_i32_0 = arith.constant 0 : i32
    %c0_i32_1 = arith.constant 0 : i32
    return %c0_i32, %c0_i32_0 : i32, i32
  }
  func.func @transform_11(%arg0: i32) -> (i32, i32) {
    %c0_i32 = arith.constant 0 : i32
    %c0_i32_0 = arith.constant 0 : i32
    %c0_i32_1 = arith.constant 0 : i32
    return %c0_i32, %c0_i32_0 : i32, i32
  }
  func.func @transform_12(%arg0: i32) -> (i32, i32) {
    %c0_i32 = arith.constant 0 : i32
    %c0_i32_0 = arith.constant 0 : i32
    %c0_i32_1 = arith.constant 0 : i32
    return %c0_i32, %c0_i32_0 : i32, i32
  }
}

</mosaic_0001>

<sc_bundles>
// kernel: kernel.4.cloned.1.call-start
scs
__scs_entry_jumppad:
0x0: {  	(pc) =	sbr.rel $0x88, $3  }
0x1: {  	(tag) =	ssettag $0x0;
	lr =	simm.s32 $0x1  }
0x2: {  	[smem:$0x3F98] =	sst lr;
	_ =	strace $0xD0000000  }
0x3: {  	_ = 	snop  }
0x4: {  	_ = 	snop  }
0x5: {  	_ = 	snop  }
0x6: {  	_ = 	snop  }
0x7: {  	_ = 	snop  }
__scs_overlays_trampoline_lowered:
0x8: {  	[smem:$0x3FA7] =	sst s0  }
0x9: {  	[smem:$0x3FA8] =	sst s1  }
0xa: {  	[smem:$0x3FA9] =	sst s2  }
0xb: {  	[smem:$0x3FAA] =	sst s3  }
0xc: {  	[smem:$0x3FAB] =	sst s4  }
0xd: {  	[smem:$0x3FAC] =	sst s5  }
0xe: {  	[smem:$0x3FAD] =	sst s6  }
0xf: {  	[smem:$0x3FAE] =	sst s7  }
0x10: {  	[smem:$0x3FAF] =	sst s8  }
0x11: {  	[smem:$0x3FB0] =	sst s9;
	s0 =	simm.s32 @!p0 $0x0  }
0x12: {  	s1 =	sld [smem:$0x3F96];
	s0 =	simm.s32 @p0 $0x1  }
0x13: {  	[smem:$0x3FB1] =	sst s0;
	s0 =	simm.s32 @!p1 $0x0  }
0x14: {  	s2 =	sld [smem:$0x3F95];
	s0 =	simm.s32 @p1 $0x1  }
0x15: {  	[smem:$0x3FB2] =	sst s0;
	s0 =	simm.s32 @!p2 $0x0  }
0x16: {  	s3 =	sld [smem:$0x3FDB];
	s0 =	simm.s32 @p2 $0x1  }
0x17: {  	s4 =	simm.s32 $0x1BF5;
	[smem:$0x3FB4] =	sst s0  }
0x18: {  	s0 =	sld [smem:$0x3F97];
	_ =	swait.ge [sflag:s4], $0x0  }
0x19: {  	s7 =	sld [smem:$0x3F98]  }
0x1a: {  	s8 =	sadd.s32 $0xFFFFE003, lr  }
0x1b: {  	s9 =	sadd.s32 $0xFFFFFEF7, lr;
	s5 =	simm.s32 $0xFFFFFFFF;
	p2 =	slt.u32 s8, $0xFFFFF086  }
0x1c: {  	p1 =	slt.u32 s9, $0xF7A;
	s5 =	simm.s32 @!p2 $0x0  }
0x1d: {  	s5 =	simm.s32 @p1 $0x1;
	p0 =	seq.s32 s7, s2  }
0x1e: {  	s7 =	smul.u32 @!p0 $0xF7A, s2;
	p2 =	seq.s32 @!p0 s5, $0x0  }
0x1f: {  	s9 =	smul.u32 $0xF7A, s1;
	s8 =	simm.s32 @!p0 $0x1BF5;
	p2 =	por !p2, p0  }
0x20: {  	[sflag:s8] =	ssyncset.s32 @!p0 $0xFFFFF086;
	s6 =	sadd.s32 @!p0 s3, s7;
	s7 =	simm.s32 @!p0 $0x108  }
0x21: {  	s3 =	sadd.s32 s3, s9;
	s6 =	sadd.s32 @!p0 $0x88, s6;
	s7 =	simm.s32 @p2 $0x1082  }
0x22: {  	[simem:s7], [sflag:s8] =	dma.local @!p0 [hbm:s6], $0xF7A  }
0x23: {  	s9 =	sor.u32 $0xD0000000, s2;
	s6 =	simm.s32 $0x108;
	_ =	swait.ge @!p0 [sflag:s8], $0x0  }
0x24: {  	s3 =	sadd.s32 $0x88, s3;
	s6 =	simm.s32 @!p1 $0x1082;
	[sflag:s4] =	ssyncset.s32 $0xFFFFF086  }
0x25: {  	[simem:s6], [sflag:s4] =	dma.local [hbm:s3], $0xF7A  }
0x26: {  	[smem:$0x3F98] =	sst s1;
	(tag) =	ssettag s2;
	_ =	strace s9  }
0x27: {  	s1 =	sld [smem:$0x3FA8]  }
0x28: {  	s2 =	sld [smem:$0x3FA9]  }
0x29: {  	s4 =	sld [smem:$0x3FAB]  }
0x2a: {  	p0 =	seq.s32 s5, $0x0;
	s5 =	sld [smem:$0x3FAC]  }
0x2b: {  	s6 =	sld [smem:$0x3FAD]  }
0x2c: {  	s7 =	sld [smem:$0x3FAE]  }
0x2d: {  	s3 =	simm.s32 $0x108;
	s8 =	sld [smem:$0x3FAF]  }
0x2e: {  	s3 =	simm.s32 @!p0 $0x1082;
	s9 =	sld [smem:$0x3FB0]  }
0x2f: {  	lr =	sadd.s32 s0, s3;
	s0 =	sld [smem:$0x3FA7]  }
0x30: {  	s3 =	sld [smem:$0x3FAA]  }
0x31: {  	[smem:$0x3FB3] =	sst s10  }
0x32: {  	s10 =	sld [smem:$0x3FB1];
	_ =	sdelay $0x3  }
0x33: {  	p0 =	seq.s32 s10, $0x1;
	s10 =	sld [smem:$0x3FB3];
	_ =	sdelay $0x3  }
0x34: {  	[smem:$0x3FB3] =	sst s10  }
0x35: {  	s10 =	sld [smem:$0x3FB2];
	_ =	sdelay $0x3  }
0x36: {  	p1 =	seq.s32 s10, $0x1;
	s10 =	sld [smem:$0x3FB3];
	_ =	sdelay $0x3  }
0x37: {  	[smem:$0x3FB3] =	sst s10  }
0x38: {  	s10 =	sld [smem:$0x3FB4]  }
0x39: {  	_ = 	snop;
	(pc) =	sbr.ind lr, $3  }
0x3a: {  	_ = 	snop  }
0x3b: {  	_ = 	snop  }
0x3c: {  	p2 =	seq.s32 s10, $0x1;
	s10 =	sld [smem:$0x3FB3]  }
0x3d: {  	_ =	shalt  }
0x3e: {  	_ =	shalt  }
0x3f: {  	_ =	shalt  }
0x40: {  	_ =	shalt  }
0x41: {  	_ =	shalt  }
0x42: {  	_ =	shalt  }
0x43: {  	_ =	shalt  }
0x44: {  	_ =	shalt  }
0x45: {  	_ =	shalt  }
0x46: {  	_ =	shalt  }
0x47: {  	_ =	shalt  }
0x48: {  	_ =	shalt  }
0x49: {  	_ =	shalt  }
0x4a: {  	_ =	shalt  }
0x4b: {  	_ =	shalt  }
0x4c: {  	_ =	shalt  }
0x4d: {  	_ =	shalt  }
0x4e: {  	_ =	shalt  }
0x4f: {  	_ =	shalt  }
0x50: {  	_ =	shalt  }
0x51: {  	_ =	shalt  }
0x52: {  	_ =	shalt  }
0x53: {  	_ =	shalt  }
0x54: {  	_ =	shalt  }
0x55: {  	_ =	shalt  }
0x56: {  	_ =	shalt  }
0x57: {  	_ =	shalt  }
0x58: {  	_ =	shalt  }
0x59: {  	_ =	shalt  }
0x5a: {  	_ =	shalt  }
0x5b: {  	_ =	shalt  }
0x5c: {  	_ =	shalt  }
0x5d: {  	_ =	shalt  }
0x5e: {  	_ =	shalt  }
0x5f: {  	_ =	shalt  }
0x60: {  	_ =	shalt  }
0x61: {  	_ =	shalt  }
0x62: {  	_ =	shalt  }
0x63: {  	_ =	shalt  }
0x64: {  	_ =	shalt  }
0x65: {  	_ =	shalt  }
0x66: {  	_ =	shalt  }
0x67: {  	_ =	shalt  }
0x68: {  	_ =	shalt  }
0x69: {  	_ =	shalt  }
0x6a: {  	_ =	shalt  }
0x6b: {  	_ =	shalt  }
0x6c: {  	_ =	shalt  }
0x6d: {  	_ =	shalt  }
0x6e: {  	_ =	shalt  }
0x6f: {  	_ =	shalt  }
0x70: {  	_ =	shalt  }
0x71: {  	_ =	shalt  }
0x72: {  	_ =	shalt  }
0x73: {  	_ =	shalt  }
0x74: {  	_ =	shalt  }
0x75: {  	_ =	shalt  }
0x76: {  	_ =	shalt  }
0x77: {  	_ =	shalt  }
0x78: {  	_ =	shalt  }
0x79: {  	_ =	shalt  }
0x7a: {  	_ =	shalt  }
0x7b: {  	_ =	shalt  }
0x7c: {  	_ =	shalt  }
0x7d: {  	_ =	shalt  }
0x7e: {  	_ =	shalt  }
0x7f: {  	_ =	shalt  }
0x80: {  	_ =	shalt  }
0x81: {  	_ =	shalt  }
0x82: {  	_ =	shalt  }
0x83: {  	_ =	shalt  }
0x84: {  	_ =	shalt  }
0x85: {  	_ =	shalt  }
0x86: {  	_ =	shalt  }
0x87: {  	_ =	shalt  }
.Lfunc_end0:
.L_simem_size_0:
called_computation_lowered:
.L_overlay_start_0:
0x88: {  	s2 =	sld [smem:$0x3FD9]  }
0x89: {  	s3 =	sld [smem:$0x3FFE];
	_ =	sdelay $0x1  }
0x8a: {  	s1 =	srdreg.scid  }
0x8b: {  	s0 =	sand.u32 $0x1, s1  }
0x8c: {  	s14 =	sshll.u32 s0, $0xA;
	s2 =	sadd.s32 s3, s2  }
0x8d: {  	s2 =	sadd.s32 s2, s14  }
0x8e: {  	[smem:$0x3FBF] =	sst s2  }
0x8f: {  	_ = 	snop  }
0x90: {  	s2 =	sld [smem:$0x3FD0];
	_ =	sdelay $0x2  }
0x91: {  	s4 =	simm.s32 $0xA;
	s5 =	simm.s32 $0x10;
	s15 =	sld [smem:$0x3FC6]  }
0x92: {  	[smem:s5], [sflag:s4] =	dma.local [hbm:s2], $0x1  }
0x93: {  	_ =	swait.eq [sflag:s4], $0x1  }
0x94: {  	[sflag:s4] =	ssyncset.done $0x0  }
0x95: {  	[sflag:s4] =	ssyncadd.s32 $0xFFFFFFFF  }
0x96: {  	s16 =	sld [smem:$0x12];
	(tm) =	ssettm $0x1  }
0x97: {  	s17 =	sld [smem:$0x3FFB];
	_ =	sdelay $0x3  }
0x98: {  	_ =	strace s17  }
0x99: {  	s4 =	sld [smem:$0x3FFC];
	_ =	sdelay $0x3  }
0x9a: {  	_ =	strace s4  }
0x9b: {  	s4 =	sld [smem:$0x3FFD];
	_ =	sdelay $0x3  }
0x9c: {  	_ =	strace s4  }
0x9d: {  	_ =	strace $0x8FFFFFFF  }
0x9e: {  	s18 =	sld [smem:$0x3FDB];
	_ =	sdelay $0x1  }
0x9f: {  	s19 =	simm.s32 $_scs_section_size  }
0xa0: {  	s6 =	simm.s32 $_size__tile_overlayer_lowered;
	s7 =	simm.s32 $_tile_overlayer_lowered  }
0xa1: {  	s22 =	simm.s32 $0x1BFF;
	s21 =	sshll.u32 s7, $0x1;
	s4 =	sadd.s32 s19, s18  }
0xa2: {  	s8 =	simm.s32 $0x0;
	s20 =	sshll.u32 s6, $0x1;
	s6 =	sadd.s32 s21, s4  }
0xa3: {  	[timem:s8], [sflag:s22] =	dma.local [hbm:s6], s20  }
0xa4: {  	_ =	swait.ge [sflag:s22], s20  }
0xa5: {  	s5 =	ssub.s32 $0x0, s20;
	[sflag:s22] =	ssyncset.done $0x0  }
0xa6: {  	[sflag:s22] =	ssyncadd.s32 s5;
	_ =	sdelay $0x1  }
0xa7: {  	s23 =	simm.s32 $0x1B8B  }
0xa8: {  	_ =	swait.ge [sflag:s23], $0x1  }
0xa9: {  	[sflag:s23] =	ssyncset.done $0x0  }
0xaa: {  	s25 =	simm.s32 $0x1B8E;
	s24 =	sld [smem:$0x3FFE];
	[sflag:s23] =	ssyncadd.s32 $0xFFFFFFFF  }
0xab: {  	s26 =	simm.s32 $execute0_lowered;
	[smem:$0x3FD2] =	sst s25  }
0xac: {  	s6 =	sshll.u32 s26, $0x1;
	_ =	strace $0x80000046;
	[dreg:$0x1] =	wrdreg $0xFFFFFFFF  }
0xad: {  	s28 =	simm.s32 $_size_execute0_lowered;
	s4 =	sadd.s32 s4, s6;
	[dreg:$0x0] =	wrdreg $0x0  }
0xae: {  	s6 =	sshll.u32 s28, $0x1;
	[dreg:$0x2] =	wrdreg s4  }
0xaf: {  	[dreg:$0x3] =	wrdreg s6  }
0xb0: {  	[dreg:$0x4] =	wrdreg $0xC0  }
0xb1: {  	_ =	task [dreg:s8], $0x5FFFF  }
0xb2: {  	[dreg:$0x1] =	wrdreg $0xFFFFFFFF  }
0xb3: {  	[dreg:$0x0] =	wrdreg $0x60  }
0xb4: {  	[dreg:$0x2] =	wrdreg s15  }
0xb5: {  	[dreg:$0x3] =	wrdreg s16  }
0xb6: {  	[dreg:$0x4] =	wrdreg s24  }
0xb7: {  	[dreg:$0x5] =	wrdreg $0x9  }
0xb8: {  	_ =	task.clear_ibuf [dreg:s8], $0x6FFFF;
	_ =	strace $0x90000046  }
0xb9: {  	s29 =	simm.s32 $0x9;
	_ =	strace $0x80000048  }
0xba: {  	_ =	swait.ge [sflag:s29], $0x1  }
0xbb: {  	[sflag:s29] =	ssyncadd.s32 $0xFFFFFFFF  }
0xbc: {  	_ =	strace $0x90000048  }
0xbd: {  	_ =	sfence  }
0xbe: {  	s30 =	sld [smem:$0x0];
	_ =	sdelay $0x2  }
0xbf: {  	s31 =	sshll.u32 s1, $0xD;
	s1 =	sshrl.u32 s1, $0x2  }
0xc0: {  	s3 =	sand.u32 $0x4000, s31;
	s1 =	sadd.s32 s1, s30  }
0xc1: {  	s0 =	sor.u32 s3, s0;
	s1 =	sshll.u32 s1, $0x11  }
0xc2: {  	s0 =	sor.u32 s1, s0  }
0xc3: {  	s0 =	sadd.s32 $0x8F2B, s0  }
0xc4: {  	[sflag:s0] =	ssyncadd.remote.s32 $0x1  }
0xc5: {  	_ =	sfence.sel $0xFFFF  }
0xc6: {  	[dreg:$0x0] =	wrdreg $0xFFFFFFFF;
	(pc) =	sbr.abs _section_cstart, $3  }
0xc7: {  	[dreg:$0x1] =	wrdreg $0xFFFFFFFF  }
0xc8: {  	_ =	task.clear_ibuf [dreg:s8], $0x2FFFF;
	_ =	strace $0x9FFFFFFF  }
0xc9: {  	(tm) =	ssettm $0x7FFFFFFF  }
tec
execute0_lowered:
.L_overlay_start_1:
0x0: {  	(tag) =	ssettag $0x1  }
0x1: {  	s1 =	stileid.u32  }
0x2: {  	p0 =	sgt.u32 s1, $0x7  }
.Ltmp0:
0x3: {  	s2 =	rddreg [dreg:$0x0];
	(pc) =	sbr.rel @p0 .LBB2_4-.Ltmp0, $4  }
0x4: {  	s4 =	rddreg [dreg:$0x1]  }
0x5: {  	s10 =	rddreg [dreg:$0x2];
	s3 =	simm.s32 $0x0  }
0x6: {  	[smem:$0x7FF] =	sst s3  }
0x7: {  	s0 =	rddreg [dreg:$0x3];
	_ =	strace $0x80000047  }
0x8: {  	s5 =	srdreg.scid  }
0x9: {  	s30 =	sshll.u32 s1, $0x1;
	s8 =	sand.u32 $0x1, s5  }
0xa: {  	s11 =	sor.u32 s8, s30  }
0xb: {  	s5 =	sadd.s32 s4, s11;
	s4 =	simm.s32 $0x2  }
0xc: {  	[tilespmem:s3], [sflag:$0x2] =	stream.linear.gather [hbm4b:s5+s3], $0x8, $0x38;
	[tilespmem:$0x1080] =	vst v63  }
0xd: {  	_ =	swait.ge [sflag:s4], $0x8  }
0xe: {  	[sflag:s4] =	ssyncset.done $0x0  }
0xf: {  	[sflag:s4] =	ssyncadd.s32 $0xFFFFFFF8  }
0x10: {  	v0 =	vld.msk [tilespmem:$0x0], $0xff;
	_ =	sdelay $0x4  }
0x11: {  	v1 =	vshll.u32 v0, $0x2  }
0x12: {  	v2 =	vlaneseq.u32;
	v3 =	vand.u32 $0x7, v0;
	v1 =	vand.u32 $0xFFFFFFE0, v1  }
0x13: {  	v0 =	vand.u32 $0x7, v2;
	v2 =	vshrl.u32 v2, $0x3;
	v3 =	vor.u32 v3, v1  }
0x14: {  	v1 =	vmul.u32 $0x8, v2;
	v2 =	vperm.xlane v3, v0;
	_ =	sdelay $0x1  }
0x15: {  	v2 =	vadd.s32 v1, v2;
	_ =	sdelay $0x1  }
0x16: {  	s12 =	ssub.s32 $0x2, s8  }
0x17: {  	s6 =	sadd.s32 $0x100, s2;
	s7 =	simm.s32 $0x80;
	s13 =	sshrl.u32 s12, $0x1  }
0x18: {  	vm0 =	vmmov $0xffff;
	s9 =	simm.s32 $0x1;
	s11 =	sshll.u32 s11, $0x9;
	s31 =	ssub.s32 s12, s13  }
0x19: {  	[tilespmem:s7], [sflag:$0x1] =	stream.indirect_vreg.gather [hbm4b:s2+s3], $0x80, v2, vm0, $0xb8;
	[tilespmem:$0x1080] =	vst v63  }
0x1a: {  	s8 =	simm.s32 $0x880;
	s10 =	sadd.s32 s11, s10;
	s11 =	smax.u32 s31, $0x1  }
0x1b: {  	[tilespmem:s8], [sflag:$0x1] =	stream.indirect_vreg.gather [hbm4b:s6+s3], $0x80, v2, vm0, $0xb8;
	[tilespmem:$0x1080] =	vst v63  }
0x1c: {  	p0 =	sne.s32 s11, $0x1;
	_ =	swait.ge [sflag:s9], $0x1000  }
.Ltmp1:
0x1d: {  	[sflag:s9] =	ssyncset.done $0x0;
	(pc) =	sbr.rel @!p0 .LBB2_3-.Ltmp1, $4  }
0x1e: {  	s10 =	sadd.s32 $0x1C00, s10;
	[sflag:s9] =	ssyncadd.s32 $0xFFFFF000  }
0x1f: {  	[hbm4b:s10+s3] =	stream.linear.scatter [tilespmem:s7], [sflag:$0x2], $0x1000, $0x38;
	[tilespmem:$0x1080] =	vst v63  }
0x20: {  	_ =	swait.ge [sflag:s4], $0x1000  }
0x21: {  	s11 =	sadd.s32 $0xFFFFFFFF, s11;
	[sflag:s4] =	ssyncset.done $0x0  }
.LBB2_2:
0x22: {  	p0 =	sne.s32 s11, $0x1;
	s11 =	sadd.s32 $0xFFFFFFFF, s11;
	[sflag:s4] =	ssyncadd.s32 $0xFFFFF000  }
0x23: {  	[tilespmem:s3], [sflag:$0x2] =	stream.linear.gather [hbm4b:s5+s3], $0x8, $0x38;
	[tilespmem:$0x1080] =	vst v63  }
0x24: {  	_ =	swait.ge [sflag:s4], $0x8  }
0x25: {  	[sflag:s4] =	ssyncset.done $0x0  }
0x26: {  	[sflag:s4] =	ssyncadd.s32 $0xFFFFFFF8  }
0x27: {  	v2 =	vld.msk [tilespmem:$0x0], $0xff;
	_ =	sdelay $0x4  }
0x28: {  	v3 =	vshll.u32 v2, $0x2  }
0x29: {  	v2 =	vand.u32 $0x7, v2;
	v3 =	vand.u32 $0xFFFFFFE0, v3  }
0x2a: {  	v2 =	vor.u32 v2, v3  }
0x2b: {  	v2 =	vperm.xlane v2, v0;
	_ =	sdelay $0x1  }
0x2c: {  	v2 =	vadd.s32 v1, v2;
	_ =	sdelay $0x4  }
0x2d: {  	[tilespmem:s7], [sflag:$0x1] =	stream.indirect_vreg.gather [hbm4b:s2+s3], $0x80, v2, vm0, $0xb8;
	[tilespmem:$0x1080] =	vst v63  }
0x2e: {  	_ = 	snop  }
0x2f: {  	[tilespmem:s8], [sflag:$0x1] =	stream.indirect_vreg.gather [hbm4b:s6+s3], $0x80, v2, vm0, $0xb8;
	[tilespmem:$0x1080] =	vst v63  }
0x30: {  	_ =	swait.ge [sflag:s9], $0x1000  }
.Ltmp2:
0x31: {  	[sflag:s9] =	ssyncset.done $0x0;
	(pc) =	sbr.rel @p0 .LBB2_2-.Ltmp2, $4  }
0x32: {  	[sflag:s9] =	ssyncadd.s32 $0xFFFFF000  }
0x33: {  	[hbm4b:s10+s3] =	stream.linear.scatter [tilespmem:s7], [sflag:$0x2], $0x1000, $0x38;
	[tilespmem:$0x1080] =	vst v63  }
0x34: {  	_ =	swait.ge [sflag:s4], $0x1000  }
0x35: {  	[sflag:s4] =	ssyncset.done $0x0  }
.LBB2_3:
0x36: {  	[sflag:s4] =	ssyncadd.s32 $0xFFFFF000  }
.LBB2_4:
0x37: {  	_ =	sfence.sel $0x180000  }
0x38: {  	[bflag:$0x0] =	sbarrier.arrive $0xFFFF  }
0x39: {  	p0 =	sne.s32 s1, $0x0;
	_ =	strace $0x90000047  }
0x3a: {  	s0 =	sadd.s32 @!p0 $0x100000, s0;
	[bflag:$0x2] =	sbarrier.arrive $0xFFFF  }
0x3b: {  	[sflag:s0] =	ssyncadd.tile.s32 @!p0 $0x1;
	_ =	shalt  }
.Lfunc_end2:
_tile_overlayer_lowered:
.L_overlay_start_2:
0x3c: {  	(tag) =	ssettag $0x2  }
0x3d: {  	s0 =	rddreg [dreg:$0x0];
	s2 =	stileid.u32  }
0x3e: {  	s1 =	rddreg [dreg:$0x1];
	p0 =	sne.s32 s2, $0x0  }
0x3f: {  	s3 =	rddreg [dreg:$0x2];
	[bflag:$0x3] =	sbarrier.arrive $0xFFFF;
	s2 =	simm.s32 @!p0 $0x1C02  }
0x40: {  	[timem:s3], [sflag:s2] =	dma.local @!p0 [hbm:s0], s1  }
0x41: {  	s0 =	simm.s32 @!p0 $0x2  }
0x42: {  	_ =	swait.ge @!p0 [sflag:s0], s1  }
0x43: {  	s1 =	ssub.s32 @!p0 $0x0, s1;
	[sflag:s0] =	ssyncset.done @!p0 $0x0  }
0x44: {  	[sflag:s0] =	ssyncadd.s32 @!p0 s1  }
0x45: {  	[bflag:$0x3] =	sbarrier.arrive $0xFFFF  }
0x46: {  	_ =	shalt  }

</sc_bundles>
